<compile_context>
chip_gen: v7x
topology: tpu7x:2x2x1
jax: 0.10.2.dev20260603
libtpu: 0.0.44.dev20260713+nightly
codegen_flags: <defaults>
</compile_context>

<pallas_src>
import functools

import jax
import jax.numpy as jnp
from jax import lax
from jax.experimental import pallas as pl
from jax.experimental.pallas import tpu as pltpu
from jax.experimental.pallas import tpu_sc as plsc

_NUM_CLASSES = 256
_NUM_REGIONS = 512
_N = 16777216

_K = 32768
_C = 2
_LUT_LEN = _K + 16
_THR_LEN = 528

_NC = 2
_NS = 16
_L = 16
_NW = _NC * _NS
_LANE = 128
_NROWS = _N // _LANE
_ROWS_W = _NROWS // _NW
_ROWS_T = _NROWS // _NS
_CROWS = 128
_NCHUNK = _ROWS_W // _CROWS
_NCHUNK1 = _ROWS_T // _CROWS
_CHUNK = _CROWS * _LANE
_UNROLL = 4
_ACC = 8

_mesh = plsc.VectorSubcoreMesh(core_axis_name="c", subcore_axis_name="s")


@functools.partial(
    pl.kernel,
    mesh=_mesh,
    out_type=jax.ShapeDtypeStruct((_NROWS, _LANE), jnp.int32),
    compiler_params=pltpu.CompilerParams(needs_layout_passes=False),
    scratch_types=[
        pltpu.VMEM((_THR_LEN,), jnp.float32),
        pltpu.VMEM((_NUM_REGIONS,), jnp.int32),
        pltpu.VMEM((_LUT_LEN,), jnp.int32),
        pltpu.VMEM((2, _CROWS), jnp.int32),
        pltpu.VMEM((2, _CROWS), jnp.int32),
        pltpu.VMEM((2, _CROWS, _LANE), jnp.float32),
        pltpu.VMEM((2, _CROWS, _LANE), jnp.int32),
        pltpu.VMEM((2, _L), jnp.float32),
        pltpu.VMEM((_NS, 2, _L), jnp.float32),
        pltpu.VMEM_SHARED((_NS, 2, _L), jnp.float32),
        pltpu.SemaphoreType.DMA,
        pltpu.SemaphoreType.DMA,
    ],
)
def _sc_assign(x_hbm, u_hbm, cls_hbm, lut_hbm, out_hbm,
               thr_v, cls_v, lut_v, gidx, sidx, xin, obuf,
               stat_v, all_v, shared, sem_g, sem_s):
    cid = lax.axis_index("c")
    sid = lax.axis_index("s")
    wid = sid * _NC + cid
    pltpu.sync_copy(u_hbm, thr_v)
    pltpu.sync_copy(cls_hbm, cls_v)
    pltpu.sync_copy(lut_hbm, lut_v)

    def _build_idx(ref, b, roff):
        for i in range(_CROWS // _L):
            iota = jnp.arange(_L, dtype=jnp.int32)
            ref[b, pl.ds(i * _L, _L)] = iota + (roff + i * _L)

    def _fire_gather(b, roff):
        _build_idx(gidx, b, roff)
        pltpu.async_copy(x_hbm.at[gidx.at[b]], xin.at[b], sem_g)

    def _wait_gather(b):
        pltpu.make_async_copy(x_hbm.at[gidx.at[b]], xin.at[b], sem_g).wait()

    base1 = sid * _ROWS_T
    for b in (0, 1):
        _fire_gather(b, base1 + b * _CROWS)

    inf = jnp.float32(jnp.inf)
    mn0 = [jnp.full((_L,), inf, jnp.float32) for _ in range(_ACC)]
    mx0 = [jnp.full((_L,), -inf, jnp.float32) for _ in range(_ACC)]

    def outer1(g0, carry):
        accs = carry
        for b in (0, 1):
            g = g0 * 2 + b
            _wait_gather(b)

            def red_body(i, accs2):
                accs3 = list(accs2)
                for a in range(_ACC):
                    s = i * _ACC + a
                    r = s >> 3
                    c = (s & 7) << 4
                    x = xin[b, r, pl.ds(c, _L)]
                    accs3[a] = jnp.minimum(accs3[a], x)
                    accs3[_ACC + a] = jnp.maximum(accs3[_ACC + a], x)
                return tuple(accs3)

            accs = lax.fori_loop(0, _CHUNK // _L // _ACC, red_body, tuple(accs))
            _fire_gather(b, base1 + ((g + 2) % _NCHUNK1) * _CROWS)
        return tuple(accs)

    accs = lax.fori_loop(0, _NCHUNK1 // 2, outer1, tuple(mn0 + mx0))
    for b in (0, 1):
        _wait_gather(b)

    mn = accs[0]
    mx = accs[_ACC]
    for a in range(1, _ACC):
        mn = jnp.minimum(mn, accs[a])
        mx = jnp.maximum(mx, accs[_ACC + a])

    stat_v[0, :] = mn
    stat_v[1, :] = mx
    pltpu.sync_copy(stat_v, shared.at[sid])
    plsc.subcore_barrier()
    pltpu.sync_copy(shared, all_v)
    for t in range(_NS):
        mn = jnp.minimum(mn, all_v[t, 0, :])
        mx = jnp.maximum(mx, all_v[t, 1, :])
    mvec = jnp.broadcast_to(jnp.min(mn), (_L,))
    mxs = jnp.broadcast_to(jnp.max(mx), (_L,))
    dvec = mxs - mvec
    rvec = jnp.float32(_K) / dvec

    for i in range(_THR_LEN // _L):
        u = thr_v[pl.ds(i * _L, _L)]
        thr_v[pl.ds(i * _L, _L)] = u * dvec + mvec

    base = wid * _ROWS_W
    for b in (0, 1):
        _fire_gather(b, base + b * _CROWS)

    def outer2(g0, carry):
        for b in (0, 1):
            g = g0 * 2 + b
            _wait_gather(b)

            @pl.when(g0 >= 1)
            def _wait_prev_scatter():
                pltpu.make_async_copy(
                    obuf.at[b], out_hbm.at[sidx.at[b]], sem_s
                ).wait()

            @plsc.parallel_loop(0, _CHUNK // _L, step=1, unroll=_UNROLL)
            def _vec(s):
                r = s >> 3
                c = (s & 7) << 4
                x = xin[b, r, pl.ds(c, _L)]
                bb = ((x - mvec) * rvec).astype(jnp.int32)
                bb = jnp.minimum(bb, _LUT_LEN - 1)
                st = plsc.load_gather(lut_v, [bb])
                pos = st
                for j in range(_C):
                    t = plsc.load_gather(thr_v, [st if j == 0 else st + j])
                    pos = pos + jnp.where(t < x, 1, 0)
                obuf[b, r, pl.ds(c, _L)] = plsc.load_gather(cls_v, [pos])

            _build_idx(sidx, b, base + g * _CROWS)
            pltpu.async_copy(obuf.at[b], out_hbm.at[sidx.at[b]], sem_s)
            _fire_gather(b, base + ((g + 2) % _NCHUNK) * _CROWS)
        return carry

    lax.fori_loop(0, _NCHUNK // 2, outer2, 0)

    for b in (0, 1):
        _wait_gather(b)
        pltpu.make_async_copy(obuf.at[b], out_hbm.at[sidx.at[b]], sem_s).wait()


def kernel(input):
    k = jax.random.key(1)
    k1, k2 = jax.random.split(k)
    u_sorted = jnp.sort(jax.random.uniform(k1, (_NUM_REGIONS - 1,), dtype=jnp.float32))
    cls = jax.random.randint(k2, (_NUM_REGIONS,), 0, _NUM_CLASSES, dtype=jnp.int32)
    u_pad = jnp.concatenate(
        [u_sorted, jnp.full((_THR_LEN - (_NUM_REGIONS - 1),), jnp.inf, dtype=jnp.float32)]
    )
    w = jnp.floor(u_sorted * _K).astype(jnp.int32)
    cnt = jnp.zeros((_K,), jnp.int32).at[w].add(1)
    s = jnp.cumsum(cnt)
    start = jnp.concatenate(
        [jnp.zeros((2,), jnp.int32), s, jnp.full((_LUT_LEN - 2 - _K,), s[-1], jnp.int32)]
    )
    out2d = _sc_assign(input.reshape(_NROWS, _LANE), u_pad, cls, start)
    return out2d.reshape(_N)

# --- scband reference (transcript-rebuilt; emitter-appended) ---
"""Pipeline reference for scband-random-region-assigner-64020782514547 (READ-ONLY COPY).

The authoritative reference and input builder live on the scoring server;
editing this copy changes nothing except your own understanding.
"""

import jax, jax.numpy as jnp
import numpy as np

NUM_CLASSES = 256
REGION_MULT = 2  # torch code uses np.random.randint(1, 4); fixed to 2 for determinism
NUM_REGIONS = NUM_CLASSES * REGION_MULT


def setup_inputs(seed: int = 0) -> dict:
    key = jax.random.key(seed)
    x = jax.random.normal(key, (16777216,), dtype=jnp.float32)
    return {"input": x}


def reference(input):
    # Faithful translation of RandomRegionAssigner.forward with internal
    # randomness made deterministic via a fixed jax PRNG key.
    data_min = input.min()
    data_max = input.max()
    k = jax.random.key(1)
    k1, k2 = jax.random.split(k)
    thresholds = jnp.sort(
        jax.random.uniform(k1, (NUM_REGIONS - 1,), dtype=input.dtype)
        * (data_max - data_min)
        + data_min
    )
    regions = jnp.searchsorted(thresholds, input)
    class_mapping = jax.random.randint(k2, (NUM_REGIONS,), 0, NUM_CLASSES, dtype=jnp.int32)
    return class_mapping[regions]

if __name__ == "__main__":
    import jax
    _d = setup_inputs()
    print(jax.jit(kernel)(*tuple(_d.values())))

</pallas_src>

<mosaic_0001>
#map = affine_map<(d0, d1) -> (0, 0)>
#map1 = affine_map<(d0, d1) -> (0)>
module attributes {stable_mosaic.version = 14 : i64} {
  func.func @_sc_assign(%arg0: i32, %arg1: i32, %arg2: memref<131072x128xf32, #tpu.memory_space<hbm>>, %arg3: memref<528xf32, #tpu.memory_space<hbm>>, %arg4: memref<512xi32, #tpu.memory_space<hbm>>, %arg5: memref<32784xi32, #tpu.memory_space<hbm>>, %arg6: memref<131072x128xi32, #tpu.memory_space<hbm>>, %arg7: memref<528xf32, #tpu.memory_space<vmem>>, %arg8: memref<512xi32, #tpu.memory_space<vmem>>, %arg9: memref<32784xi32, #tpu.memory_space<vmem>>, %arg10: memref<2x128xi32, #tpu.memory_space<vmem>>, %arg11: memref<2x128xi32, #tpu.memory_space<vmem>>, %arg12: memref<2x128x128xf32, #tpu.memory_space<vmem>>, %arg13: memref<2x128x128xi32, #tpu.memory_space<vmem>>, %arg14: memref<2x16xf32, #tpu.memory_space<vmem>>, %arg15: memref<16x2x16xf32, #tpu.memory_space<vmem>>, %arg16: memref<16x2x16xf32, #tpu.memory_space<vmem_shared>>, %arg17: memref<!tpu.dma_semaphore, #tpu.memory_space<semaphore_mem>>, %arg18: memref<!tpu.dma_semaphore, #tpu.memory_space<semaphore_mem>>) attributes {dimension_semantics = [#tpu.dimension_semantics<core_parallel>, #tpu.dimension_semantics<subcore_parallel>], iteration_bounds = array<i64: 2, 16>, scalar_prefetch = 0 : i64, scratch_operands = 12 : i64, tpu.core_type = #tpu.core_type<sc_vector_subcore>, window_params = [{transform_indices = #map}, {transform_indices = #map1}, {transform_indices = #map1}, {transform_indices = #map1}, {transform_indices = #map}]} {
    %mul3A = arith.constant 2 : i32
    %mul3A_0 = arith.muli %arg1, %mul3A : i32
    %add3A = arith.addi %mul3A_0, %arg0 : i32
    "tpu.region"() ({
      %run_scoped3A = tpu.sem_alloc : memref<!tpu.dma_semaphore, #tpu.memory_space<semaphore_mem>>
      tpu.enqueue_dma source(%arg3 : memref<528xf32, #tpu.memory_space<hbm>>) target(%arg7 : memref<528xf32, #tpu.memory_space<vmem>>) target_semaphore(%run_scoped3A : memref<!tpu.dma_semaphore, #tpu.memory_space<semaphore_mem>>)
      tpu.wait_dma2 semaphore(%run_scoped3A : memref<!tpu.dma_semaphore, #tpu.memory_space<semaphore_mem>>) src(%arg3 : memref<528xf32, #tpu.memory_space<hbm>>) dst(%arg7 : memref<528xf32, #tpu.memory_space<vmem>>)
      tpu.yield
    }) : () -> ()
    "tpu.region"() ({
      %run_scoped3A = tpu.sem_alloc : memref<!tpu.dma_semaphore, #tpu.memory_space<semaphore_mem>>
      tpu.enqueue_dma source(%arg4 : memref<512xi32, #tpu.memory_space<hbm>>) target(%arg8 : memref<512xi32, #tpu.memory_space<vmem>>) target_semaphore(%run_scoped3A : memref<!tpu.dma_semaphore, #tpu.memory_space<semaphore_mem>>)
      tpu.wait_dma2 semaphore(%run_scoped3A : memref<!tpu.dma_semaphore, #tpu.memory_space<semaphore_mem>>) src(%arg4 : memref<512xi32, #tpu.memory_space<hbm>>) dst(%arg8 : memref<512xi32, #tpu.memory_space<vmem>>)
      tpu.yield
    }) : () -> ()
    "tpu.region"() ({
      %run_scoped3A = tpu.sem_alloc : memref<!tpu.dma_semaphore, #tpu.memory_space<semaphore_mem>>
      tpu.enqueue_dma source(%arg5 : memref<32784xi32, #tpu.memory_space<hbm>>) target(%arg9 : memref<32784xi32, #tpu.memory_space<vmem>>) target_semaphore(%run_scoped3A : memref<!tpu.dma_semaphore, #tpu.memory_space<semaphore_mem>>)
      tpu.wait_dma2 semaphore(%run_scoped3A : memref<!tpu.dma_semaphore, #tpu.memory_space<semaphore_mem>>) src(%arg5 : memref<32784xi32, #tpu.memory_space<hbm>>) dst(%arg9 : memref<32784xi32, #tpu.memory_space<vmem>>)
      tpu.yield
    }) : () -> ()
    %mul3A_1 = arith.constant 8192 : i32
    %mul3A_2 = arith.muli %arg1, %mul3A_1 : i32
    %add3A_3 = arith.constant 0 : i32
    %add3A_4 = arith.addi %mul3A_2, %add3A_3 : i32
    %iota3A = tpu.iota {dimensions = array<i32: 0>} : vector<16xi32>
    %add3A_5 = arith.constant 0 : i32
    %add3A_6 = arith.addi %add3A_4, %add3A_5 : i32
    %add3A_7 = vector.broadcast %add3A_6 : i32 to vector<16xi32>
    %add3A_8 = arith.addi %iota3A, %add3A_7 : vector<16xi32>
    %swap3A = arith.constant 0 : i32
    %swap3A_9 = arith.index_cast %swap3A : i32 to index
    %swap3A_10 = arith.constant 0 : index
    %swap3A_11 = tpu.vector_load %arg10[%swap3A_9, %swap3A_10] {strides = array<i32>} : memref<2x128xi32, #tpu.memory_space<vmem>>, vector<16xi32>,
    tpu.vector_store %arg10[%swap3A_9, %swap3A_10], %add3A_8 {strides = array<i32>} : memref<2x128xi32, #tpu.memory_space<vmem>>, vector<16xi32>,
    %iota3A_12 = tpu.iota {dimensions = array<i32: 0>} : vector<16xi32>
    %add3A_13 = arith.constant 16 : i32
    %add3A_14 = arith.addi %add3A_4, %add3A_13 : i32
    %add3A_15 = vector.broadcast %add3A_14 : i32 to vector<16xi32>
    %add3A_16 = arith.addi %iota3A_12, %add3A_15 : vector<16xi32>
    %swap3A_17 = arith.constant 0 : i32
    %swap3A_18 = arith.index_cast %swap3A_17 : i32 to index
    %swap3A_19 = arith.constant 16 : index
    %swap3A_20 = tpu.vector_load %arg10[%swap3A_18, %swap3A_19] {strides = array<i32>} : memref<2x128xi32, #tpu.memory_space<vmem>>, vector<16xi32>,
    tpu.vector_store %arg10[%swap3A_18, %swap3A_19], %add3A_16 {strides = array<i32>} : memref<2x128xi32, #tpu.memory_space<vmem>>, vector<16xi32>,
    %iota3A_21 = tpu.iota {dimensions = array<i32: 0>} : vector<16xi32>
    %add3A_22 = arith.constant 32 : i32
    %add3A_23 = arith.addi %add3A_4, %add3A_22 : i32
    %add3A_24 = vector.broadcast %add3A_23 : i32 to vector<16xi32>
    %add3A_25 = arith.addi %iota3A_21, %add3A_24 : vector<16xi32>
    %swap3A_26 = arith.constant 0 : i32
    %swap3A_27 = arith.index_cast %swap3A_26 : i32 to index
    %swap3A_28 = arith.constant 32 : index
    %swap3A_29 = tpu.vector_load %arg10[%swap3A_27, %swap3A_28] {strides = array<i32>} : memref<2x128xi32, #tpu.memory_space<vmem>>, vector<16xi32>,
    tpu.vector_store %arg10[%swap3A_27, %swap3A_28], %add3A_25 {strides = array<i32>} : memref<2x128xi32, #tpu.memory_space<vmem>>, vector<16xi32>,
    %iota3A_30 = tpu.iota {dimensions = array<i32: 0>} : vector<16xi32>
    %add3A_31 = arith.constant 48 : i32
    %add3A_32 = arith.addi %add3A_4, %add3A_31 : i32
    %add3A_33 = vector.broadcast %add3A_32 : i32 to vector<16xi32>
    %add3A_34 = arith.addi %iota3A_30, %add3A_33 : vector<16xi32>
    %swap3A_35 = arith.constant 0 : i32
    %swap3A_36 = arith.index_cast %swap3A_35 : i32 to index
    %swap3A_37 = arith.constant 48 : index
    %swap3A_38 = tpu.vector_load %arg10[%swap3A_36, %swap3A_37] {strides = array<i32>} : memref<2x128xi32, #tpu.memory_space<vmem>>, vector<16xi32>,
    tpu.vector_store %arg10[%swap3A_36, %swap3A_37], %add3A_34 {strides = array<i32>} : memref<2x128xi32, #tpu.memory_space<vmem>>, vector<16xi32>,
    %iota3A_39 = tpu.iota {dimensions = array<i32: 0>} : vector<16xi32>
    %add3A_40 = arith.constant 64 : i32
    %add3A_41 = arith.addi %add3A_4, %add3A_40 : i32
    %add3A_42 = vector.broadcast %add3A_41 : i32 to vector<16xi32>
    %add3A_43 = arith.addi %iota3A_39, %add3A_42 : vector<16xi32>
    %swap3A_44 = arith.constant 0 : i32
    %swap3A_45 = arith.index_cast %swap3A_44 : i32 to index
    %swap3A_46 = arith.constant 64 : index
    %swap3A_47 = tpu.vector_load %arg10[%swap3A_45, %swap3A_46] {strides = array<i32>} : memref<2x128xi32, #tpu.memory_space<vmem>>, vector<16xi32>,
    tpu.vector_store %arg10[%swap3A_45, %swap3A_46], %add3A_43 {strides = array<i32>} : memref<2x128xi32, #tpu.memory_space<vmem>>, vector<16xi32>,
    %iota3A_48 = tpu.iota {dimensions = array<i32: 0>} : vector<16xi32>
    %add3A_49 = arith.constant 80 : i32
    %add3A_50 = arith.addi %add3A_4, %add3A_49 : i32
    %add3A_51 = vector.broadcast %add3A_50 : i32 to vector<16xi32>
    %add3A_52 = arith.addi %iota3A_48, %add3A_51 : vector<16xi32>
    %swap3A_53 = arith.constant 0 : i32
    %swap3A_54 = arith.index_cast %swap3A_53 : i32 to index
    %swap3A_55 = arith.constant 80 : index
    %swap3A_56 = tpu.vector_load %arg10[%swap3A_54, %swap3A_55] {strides = array<i32>} : memref<2x128xi32, #tpu.memory_space<vmem>>, vector<16xi32>,
    tpu.vector_store %arg10[%swap3A_54, %swap3A_55], %add3A_52 {strides = array<i32>} : memref<2x128xi32, #tpu.memory_space<vmem>>, vector<16xi32>,
    %iota3A_57 = tpu.iota {dimensions = array<i32: 0>} : vector<16xi32>
    %add3A_58 = arith.constant 96 : i32
    %add3A_59 = arith.addi %add3A_4, %add3A_58 : i32
    %add3A_60 = vector.broadcast %add3A_59 : i32 to vector<16xi32>
    %add3A_61 = arith.addi %iota3A_57, %add3A_60 : vector<16xi32>
    %swap3A_62 = arith.constant 0 : i32
    %swap3A_63 = arith.index_cast %swap3A_62 : i32 to index
    %swap3A_64 = arith.constant 96 : index
    %swap3A_65 = tpu.vector_load %arg10[%swap3A_63, %swap3A_64] {strides = array<i32>} : memref<2x128xi32, #tpu.memory_space<vmem>>, vector<16xi32>,
    tpu.vector_store %arg10[%swap3A_63, %swap3A_64], %add3A_61 {strides = array<i32>} : memref<2x128xi32, #tpu.memory_space<vmem>>, vector<16xi32>,
    %iota3A_66 = tpu.iota {dimensions = array<i32: 0>} : vector<16xi32>
    %add3A_67 = arith.constant 112 : i32
    %add3A_68 = arith.addi %add3A_4, %add3A_67 : i32
    %add3A_69 = vector.broadcast %add3A_68 : i32 to vector<16xi32>
    %add3A_70 = arith.addi %iota3A_66, %add3A_69 : vector<16xi32>
    %swap3A_71 = arith.constant 0 : i32
    %swap3A_72 = arith.index_cast %swap3A_71 : i32 to index
    %swap3A_73 = arith.constant 112 : index
    %swap3A_74 = tpu.vector_load %arg10[%swap3A_72, %swap3A_73] {strides = array<i32>} : memref<2x128xi32, #tpu.memory_space<vmem>>, vector<16xi32>,
    tpu.vector_store %arg10[%swap3A_72, %swap3A_73], %add3A_70 {strides = array<i32>} : memref<2x128xi32, #tpu.memory_space<vmem>>, vector<16xi32>,
    %dma_start3A = arith.constant 0 : i32
    %dma_start3A_75 = arith.constant 0 : i32
    %dma_start3A_76 = arith.constant 0 : i32
    %dma_start3A_77 = arith.constant 0 : i32
    %dma_start3A_78 = tpu.memref_slice %arg12[%dma_start3A_75, %dma_start3A_76, %dma_start3A_77] : memref<2x128x128xf32, #tpu.memory_space<vmem>> -> memref<1x128x128xf32, #tpu.memory_space<vmem>>
    %dma_start3A_79 = tpu.memref_squeeze %dma_start3A_78 : memref<1x128x128xf32, #tpu.memory_space<vmem>> -> memref<128x128xf32, #tpu.memory_space<vmem>>
    %dma_start3A_80 = arith.constant 0 : i32
    %dma_start3A_81 = tpu.memref_slice %arg10[%dma_start3A, %dma_start3A_80] : memref<2x128xi32, #tpu.memory_space<vmem>> -> memref<1x128xi32, #tpu.memory_space<vmem>>
    %dma_start3A_82 = tpu.memref_squeeze %dma_start3A_81 : memref<1x128xi32, #tpu.memory_space<vmem>> -> memref<128xi32, #tpu.memory_space<vmem>>
    %dma_start3A_83 = arith.constant 0 : i32
    %dma_start3A_84 = arith.constant 0 : i32
    %dma_start3A_85 = tpu.memref_slice %arg2[%dma_start3A_83, %dma_start3A_84] : memref<131072x128xf32, #tpu.memory_space<hbm>> -> memref<131072x128xf32, #tpu.memory_space<hbm>>
    tpu.enqueue_indirect_dma source(%dma_start3A_85 : memref<131072x128xf32, #tpu.memory_space<hbm>>) target(%dma_start3A_79 : memref<128x128xf32, #tpu.memory_space<vmem>>) offsets(%dma_start3A_82 : memref<128xi32, #tpu.memory_space<vmem>>) semaphore(%arg17 : memref<!tpu.dma_semaphore, #tpu.memory_space<semaphore_mem>>)
    %add3A_86 = arith.constant 128 : i32
    %add3A_87 = arith.addi %mul3A_2, %add3A_86 : i32
    %iota3A_88 = tpu.iota {dimensions = array<i32: 0>} : vector<16xi32>
    %add3A_89 = arith.constant 0 : i32
    %add3A_90 = arith.addi %add3A_87, %add3A_89 : i32
    %add3A_91 = vector.broadcast %add3A_90 : i32 to vector<16xi32>
    %add3A_92 = arith.addi %iota3A_88, %add3A_91 : vector<16xi32>
    %swap3A_93 = arith.constant 1 : i32
    %swap3A_94 = arith.index_cast %swap3A_93 : i32 to index
    %swap3A_95 = arith.constant 0 : index
    %swap3A_96 = tpu.vector_load %arg10[%swap3A_94, %swap3A_95] {strides = array<i32>} : memref<2x128xi32, #tpu.memory_space<vmem>>, vector<16xi32>,
    tpu.vector_store %arg10[%swap3A_94, %swap3A_95], %add3A_92 {strides = array<i32>} : memref<2x128xi32, #tpu.memory_space<vmem>>, vector<16xi32>,
    %iota3A_97 = tpu.iota {dimensions = array<i32: 0>} : vector<16xi32>
    %add3A_98 = arith.constant 16 : i32
    %add3A_99 = arith.addi %add3A_87, %add3A_98 : i32
    %add3A_100 = vector.broadcast %add3A_99 : i32 to vector<16xi32>
    %add3A_101 = arith.addi %iota3A_97, %add3A_100 : vector<16xi32>
    %swap3A_102 = arith.constant 1 : i32
    %swap3A_103 = arith.index_cast %swap3A_102 : i32 to index
    %swap3A_104 = arith.constant 16 : index
    %swap3A_105 = tpu.vector_load %arg10[%swap3A_103, %swap3A_104] {strides = array<i32>} : memref<2x128xi32, #tpu.memory_space<vmem>>, vector<16xi32>,
    tpu.vector_store %arg10[%swap3A_103, %swap3A_104], %add3A_101 {strides = array<i32>} : memref<2x128xi32, #tpu.memory_space<vmem>>, vector<16xi32>,
    %iota3A_106 = tpu.iota {dimensions = array<i32: 0>} : vector<16xi32>
    %add3A_107 = arith.constant 32 : i32
    %add3A_108 = arith.addi %add3A_87, %add3A_107 : i32
    %add3A_109 = vector.broadcast %add3A_108 : i32 to vector<16xi32>
    %add3A_110 = arith.addi %iota3A_106, %add3A_109 : vector<16xi32>
    %swap3A_111 = arith.constant 1 : i32
    %swap3A_112 = arith.index_cast %swap3A_111 : i32 to index
    %swap3A_113 = arith.constant 32 : index
    %swap3A_114 = tpu.vector_load %arg10[%swap3A_112, %swap3A_113] {strides = array<i32>} : memref<2x128xi32, #tpu.memory_space<vmem>>, vector<16xi32>,
    tpu.vector_store %arg10[%swap3A_112, %swap3A_113], %add3A_110 {strides = array<i32>} : memref<2x128xi32, #tpu.memory_space<vmem>>, vector<16xi32>,
    %iota3A_115 = tpu.iota {dimensions = array<i32: 0>} : vector<16xi32>
    %add3A_116 = arith.constant 48 : i32
    %add3A_117 = arith.addi %add3A_87, %add3A_116 : i32
    %add3A_118 = vector.broadcast %add3A_117 : i32 to vector<16xi32>
    %add3A_119 = arith.addi %iota3A_115, %add3A_118 : vector<16xi32>
    %swap3A_120 = arith.constant 1 : i32
    %swap3A_121 = arith.index_cast %swap3A_120 : i32 to index
    %swap3A_122 = arith.constant 48 : index
    %swap3A_123 = tpu.vector_load %arg10[%swap3A_121, %swap3A_122] {strides = array<i32>} : memref<2x128xi32, #tpu.memory_space<vmem>>, vector<16xi32>,
    tpu.vector_store %arg10[%swap3A_121, %swap3A_122], %add3A_119 {strides = array<i32>} : memref<2x128xi32, #tpu.memory_space<vmem>>, vector<16xi32>,
    %iota3A_124 = tpu.iota {dimensions = array<i32: 0>} : vector<16xi32>
    %add3A_125 = arith.constant 64 : i32
    %add3A_126 = arith.addi %add3A_87, %add3A_125 : i32
    %add3A_127 = vector.broadcast %add3A_126 : i32 to vector<16xi32>
    %add3A_128 = arith.addi %iota3A_124, %add3A_127 : vector<16xi32>
    %swap3A_129 = arith.constant 1 : i32
    %swap3A_130 = arith.index_cast %swap3A_129 : i32 to index
    %swap3A_131 = arith.constant 64 : index
    %swap3A_132 = tpu.vector_load %arg10[%swap3A_130, %swap3A_131] {strides = array<i32>} : memref<2x128xi32, #tpu.memory_space<vmem>>, vector<16xi32>,
    tpu.vector_store %arg10[%swap3A_130, %swap3A_131], %add3A_128 {strides = array<i32>} : memref<2x128xi32, #tpu.memory_space<vmem>>, vector<16xi32>,
    %iota3A_133 = tpu.iota {dimensions = array<i32: 0>} : vector<16xi32>
    %add3A_134 = arith.constant 80 : i32
    %add3A_135 = arith.addi %add3A_87, %add3A_134 : i32
    %add3A_136 = vector.broadcast %add3A_135 : i32 to vector<16xi32>
    %add3A_137 = arith.addi %iota3A_133, %add3A_136 : vector<16xi32>
    %swap3A_138 = arith.constant 1 : i32
    %swap3A_139 = arith.index_cast %swap3A_138 : i32 to index
    %swap3A_140 = arith.constant 80 : index
    %swap3A_141 = tpu.vector_load %arg10[%swap3A_139, %swap3A_140] {strides = array<i32>} : memref<2x128xi32, #tpu.memory_space<vmem>>, vector<16xi32>,
    tpu.vector_store %arg10[%swap3A_139, %swap3A_140], %add3A_137 {strides = array<i32>} : memref<2x128xi32, #tpu.memory_space<vmem>>, vector<16xi32>,
    %iota3A_142 = tpu.iota {dimensions = array<i32: 0>} : vector<16xi32>
    %add3A_143 = arith.constant 96 : i32
    %add3A_144 = arith.addi %add3A_87, %add3A_143 : i32
    %add3A_145 = vector.broadcast %add3A_144 : i32 to vector<16xi32>
    %add3A_146 = arith.addi %iota3A_142, %add3A_145 : vector<16xi32>
    %swap3A_147 = arith.constant 1 : i32
    %swap3A_148 = arith.index_cast %swap3A_147 : i32 to index
    %swap3A_149 = arith.constant 96 : index
    %swap3A_150 = tpu.vector_load %arg10[%swap3A_148, %swap3A_149] {strides = array<i32>} : memref<2x128xi32, #tpu.memory_space<vmem>>, vector<16xi32>,
    tpu.vector_store %arg10[%swap3A_148, %swap3A_149], %add3A_146 {strides = array<i32>} : memref<2x128xi32, #tpu.memory_space<vmem>>, vector<16xi32>,
    %iota3A_151 = tpu.iota {dimensions = array<i32: 0>} : vector<16xi32>
    %add3A_152 = arith.constant 112 : i32
    %add3A_153 = arith.addi %add3A_87, %add3A_152 : i32
    %add3A_154 = vector.broadcast %add3A_153 : i32 to vector<16xi32>
    %add3A_155 = arith.addi %iota3A_151, %add3A_154 : vector<16xi32>
    %swap3A_156 = arith.constant 1 : i32
    %swap3A_157 = arith.index_cast %swap3A_156 : i32 to index
    %swap3A_158 = arith.constant 112 : index
    %swap3A_159 = tpu.vector_load %arg10[%swap3A_157, %swap3A_158] {strides = array<i32>} : memref<2x128xi32, #tpu.memory_space<vmem>>, vector<16xi32>,
    tpu.vector_store %arg10[%swap3A_157, %swap3A_158], %add3A_155 {strides = array<i32>} : memref<2x128xi32, #tpu.memory_space<vmem>>, vector<16xi32>,
    %dma_start3A_160 = arith.constant 1 : i32
    %dma_start3A_161 = arith.constant 1 : i32
    %dma_start3A_162 = arith.constant 0 : i32
    %dma_start3A_163 = arith.constant 0 : i32
    %dma_start3A_164 = tpu.memref_slice %arg12[%dma_start3A_161, %dma_start3A_162, %dma_start3A_163] : memref<2x128x128xf32, #tpu.memory_space<vmem>> -> memref<1x128x128xf32, #tpu.memory_space<vmem>>
    %dma_start3A_165 = tpu.memref_squeeze %dma_start3A_164 : memref<1x128x128xf32, #tpu.memory_space<vmem>> -> memref<128x128xf32, #tpu.memory_space<vmem>>
    %dma_start3A_166 = arith.constant 0 : i32
    %dma_start3A_167 = tpu.memref_slice %arg10[%dma_start3A_160, %dma_start3A_166] : memref<2x128xi32, #tpu.memory_space<vmem>> -> memref<1x128xi32, #tpu.memory_space<vmem>>
    %dma_start3A_168 = tpu.memref_squeeze %dma_start3A_167 : memref<1x128xi32, #tpu.memory_space<vmem>> -> memref<128xi32, #tpu.memory_space<vmem>>
    %dma_start3A_169 = arith.constant 0 : i32
    %dma_start3A_170 = arith.constant 0 : i32
    %dma_start3A_171 = tpu.memref_slice %arg2[%dma_start3A_169, %dma_start3A_170] : memref<131072x128xf32, #tpu.memory_space<hbm>> -> memref<131072x128xf32, #tpu.memory_space<hbm>>
    tpu.enqueue_indirect_dma source(%dma_start3A_171 : memref<131072x128xf32, #tpu.memory_space<hbm>>) target(%dma_start3A_165 : memref<128x128xf32, #tpu.memory_space<vmem>>) offsets(%dma_start3A_168 : memref<128xi32, #tpu.memory_space<vmem>>) semaphore(%arg17 : memref<!tpu.dma_semaphore, #tpu.memory_space<semaphore_mem>>)
    %broadcast_in_dim3A = arith.constant 0x7F800000 : f32
    %broadcast_in_dim3A_172 = vector.broadcast %broadcast_in_dim3A : f32 to vector<16xf32>
    %broadcast_in_dim3A_173 = arith.constant 0x7F800000 : f32
    %broadcast_in_dim3A_174 = vector.broadcast %broadcast_in_dim3A_173 : f32 to vector<16xf32>
    %broadcast_in_dim3A_175 = arith.constant 0x7F800000 : f32
    %broadcast_in_dim3A_176 = vector.broadcast %broadcast_in_dim3A_175 : f32 to vector<16xf32>
    %broadcast_in_dim3A_177 = arith.constant 0x7F800000 : f32
    %broadcast_in_dim3A_178 = vector.broadcast %broadcast_in_dim3A_177 : f32 to vector<16xf32>
    %broadcast_in_dim3A_179 = arith.constant 0x7F800000 : f32
    %broadcast_in_dim3A_180 = vector.broadcast %broadcast_in_dim3A_179 : f32 to vector<16xf32>
    %broadcast_in_dim3A_181 = arith.constant 0x7F800000 : f32
    %broadcast_in_dim3A_182 = vector.broadcast %broadcast_in_dim3A_181 : f32 to vector<16xf32>
    %broadcast_in_dim3A_183 = arith.constant 0x7F800000 : f32
    %broadcast_in_dim3A_184 = vector.broadcast %broadcast_in_dim3A_183 : f32 to vector<16xf32>
    %broadcast_in_dim3A_185 = arith.constant 0x7F800000 : f32
    %broadcast_in_dim3A_186 = vector.broadcast %broadcast_in_dim3A_185 : f32 to vector<16xf32>
    %neg3A = arith.constant 0.000000e+00 : f32
    %neg3A_187 = arith.constant 0x7F800000 : f32
    %neg3A_188 = arith.subf %neg3A, %neg3A_187 : f32
    %broadcast_in_dim3A_189 = vector.broadcast %neg3A_188 : f32 to vector<16xf32>
    %neg3A_190 = arith.constant 0.000000e+00 : f32
    %neg3A_191 = arith.constant 0x7F800000 : f32
    %neg3A_192 = arith.subf %neg3A_190, %neg3A_191 : f32
    %broadcast_in_dim3A_193 = vector.broadcast %neg3A_192 : f32 to vector<16xf32>
    %neg3A_194 = arith.constant 0.000000e+00 : f32
    %neg3A_195 = arith.constant 0x7F800000 : f32
    %neg3A_196 = arith.subf %neg3A_194, %neg3A_195 : f32
    %broadcast_in_dim3A_197 = vector.broadcast %neg3A_196 : f32 to vector<16xf32>
    %neg3A_198 = arith.constant 0.000000e+00 : f32
    %neg3A_199 = arith.constant 0x7F800000 : f32
    %neg3A_200 = arith.subf %neg3A_198, %neg3A_199 : f32
    %broadcast_in_dim3A_201 = vector.broadcast %neg3A_200 : f32 to vector<16xf32>
    %neg3A_202 = arith.constant 0.000000e+00 : f32
    %neg3A_203 = arith.constant 0x7F800000 : f32
    %neg3A_204 = arith.subf %neg3A_202, %neg3A_203 : f32
    %broadcast_in_dim3A_205 = vector.broadcast %neg3A_204 : f32 to vector<16xf32>
    %neg3A_206 = arith.constant 0.000000e+00 : f32
    %neg3A_207 = arith.constant 0x7F800000 : f32
    %neg3A_208 = arith.subf %neg3A_206, %neg3A_207 : f32
    %broadcast_in_dim3A_209 = vector.broadcast %neg3A_208 : f32 to vector<16xf32>
    %neg3A_210 = arith.constant 0.000000e+00 : f32
    %neg3A_211 = arith.constant 0x7F800000 : f32
    %neg3A_212 = arith.subf %neg3A_210, %neg3A_211 : f32
    %broadcast_in_dim3A_213 = vector.broadcast %neg3A_212 : f32 to vector<16xf32>
    %neg3A_214 = arith.constant 0.000000e+00 : f32
    %neg3A_215 = arith.constant 0x7F800000 : f32
    %neg3A_216 = arith.subf %neg3A_214, %neg3A_215 : f32
    %broadcast_in_dim3A_217 = vector.broadcast %neg3A_216 : f32 to vector<16xf32>
    %scan3A = arith.constant 0 : i32
    %scan3A_218 = arith.constant 32 : i32
    %scan3A_219 = arith.addi %scan3A, %scan3A_218 : i32
    %scan3A_220 = arith.constant 1 : i32
    %scan3A_221:16 = scf.for %scan3A_925 = %scan3A to %scan3A_219 step %scan3A_220 iter_args(%scan3A_926 = %broadcast_in_dim3A_172, %scan3A_927 = %broadcast_in_dim3A_174, %scan3A_928 = %broadcast_in_dim3A_176, %scan3A_929 = %broadcast_in_dim3A_178, %scan3A_930 = %broadcast_in_dim3A_180, %scan3A_931 = %broadcast_in_dim3A_182, %scan3A_932 = %broadcast_in_dim3A_184, %scan3A_933 = %broadcast_in_dim3A_186, %scan3A_934 = %broadcast_in_dim3A_189, %scan3A_935 = %broadcast_in_dim3A_193, %scan3A_936 = %broadcast_in_dim3A_197, %scan3A_937 = %broadcast_in_dim3A_201, %scan3A_938 = %broadcast_in_dim3A_205, %scan3A_939 = %broadcast_in_dim3A_209, %scan3A_940 = %broadcast_in_dim3A_213, %scan3A_941 = %broadcast_in_dim3A_217) -> (vector<16xf32>, vector<16xf32>, vector<16xf32>, vector<16xf32>, vector<16xf32>, vector<16xf32>, vector<16xf32>, vector<16xf32>, vector<16xf32>, vector<16xf32>, vector<16xf32>, vector<16xf32>, vector<16xf32>, vector<16xf32>, vector<16xf32>, vector<16xf32>)  : i32 {
      %mul3A_942 = arith.constant 2 : i32
      %mul3A_943 = arith.muli %scan3A_925, %mul3A_942 : i32
      %add3A_944 = arith.constant 0 : i32
      %add3A_945 = arith.addi %mul3A_943, %add3A_944 : i32
      %dma_wait3A_946 = arith.constant 0 : i32
      %dma_wait3A_947 = arith.constant 0 : i32
      %dma_wait3A_948 = arith.constant 0 : i32
      %dma_wait3A_949 = arith.constant 0 : i32
      %dma_wait3A_950 = tpu.memref_slice %arg12[%dma_wait3A_947, %dma_wait3A_948, %dma_wait3A_949] : memref<2x128x128xf32, #tpu.memory_space<vmem>> -> memref<1x128x128xf32, #tpu.memory_space<vmem>>
      %dma_wait3A_951 = tpu.memref_squeeze %dma_wait3A_950 : memref<1x128x128xf32, #tpu.memory_space<vmem>> -> memref<128x128xf32, #tpu.memory_space<vmem>>
      %dma_wait3A_952 = arith.constant 0 : i32
      %dma_wait3A_953 = tpu.memref_slice %arg10[%dma_wait3A_946, %dma_wait3A_952] : memref<2x128xi32, #tpu.memory_space<vmem>> -> memref<1x128xi32, #tpu.memory_space<vmem>>
      %dma_wait3A_954 = tpu.memref_squeeze %dma_wait3A_953 : memref<1x128xi32, #tpu.memory_space<vmem>> -> memref<128xi32, #tpu.memory_space<vmem>>
      %dma_wait3A_955 = arith.constant 0 : i32
      %dma_wait3A_956 = arith.constant 0 : i32
      %dma_wait3A_957 = tpu.memref_slice %arg2[%dma_wait3A_955, %dma_wait3A_956] : memref<131072x128xf32, #tpu.memory_space<hbm>> -> memref<131072x128xf32, #tpu.memory_space<hbm>>
      tpu.wait_indirect_dma semaphore(%arg17 : memref<!tpu.dma_semaphore, #tpu.memory_space<semaphore_mem>>) src(%dma_wait3A_957 : memref<131072x128xf32, #tpu.memory_space<hbm>>) dst(%dma_wait3A_951 : memref<128x128xf32, #tpu.memory_space<vmem>>)
      %scan3A_958 = arith.constant 0 : i32
      %scan3A_959 = arith.constant 128 : i32
      %scan3A_960 = arith.addi %scan3A_958, %scan3A_959 : i32
      %scan3A_961 = arith.constant 1 : i32
      %scan3A_962:16 = scf.for %scan3A_1189 = %scan3A_958 to %scan3A_960 step %scan3A_961 iter_args(%scan3A_1190 = %scan3A_926, %scan3A_1191 = %scan3A_927, %scan3A_1192 = %scan3A_928, %scan3A_1193 = %scan3A_929, %scan3A_1194 = %scan3A_930, %scan3A_1195 = %scan3A_931, %scan3A_1196 = %scan3A_932, %scan3A_1197 = %scan3A_933, %scan3A_1198 = %scan3A_934, %scan3A_1199 = %scan3A_935, %scan3A_1200 = %scan3A_936, %scan3A_1201 = %scan3A_937, %scan3A_1202 = %scan3A_938, %scan3A_1203 = %scan3A_939, %scan3A_1204 = %scan3A_940, %scan3A_1205 = %scan3A_941) -> (vector<16xf32>, vector<16xf32>, vector<16xf32>, vector<16xf32>, vector<16xf32>, vector<16xf32>, vector<16xf32>, vector<16xf32>, vector<16xf32>, vector<16xf32>, vector<16xf32>, vector<16xf32>, vector<16xf32>, vector<16xf32>, vector<16xf32>, vector<16xf32>)  : i32 {
        %mul3A_1206 = arith.constant 8 : i32
        %mul3A_1207 = arith.muli %scan3A_1189, %mul3A_1206 : i32
        %add3A_1208 = arith.constant 0 : i32
        %add3A_1209 = arith.addi %mul3A_1207, %add3A_1208 : i32
        %shift_right_arithmetic3A = arith.constant 3 : i32
        %shift_right_arithmetic3A_1210 = arith.shrsi %add3A_1209, %shift_right_arithmetic3A : i32
        %and3A_1211 = arith.constant 7 : i32
        %and3A_1212 = arith.andi %add3A_1209, %and3A_1211 : i32
        %shift_left3A = arith.constant 4 : i32
        %shift_left3A_1213 = arith.shli %and3A_1212, %shift_left3A : i32
        %get3A_1214 = arith.constant 0 : i32
        %get3A_1215 = arith.index_cast %get3A_1214 : i32 to index
        %get3A_1216 = arith.index_cast %shift_right_arithmetic3A_1210 : i32 to index
        %get3A_1217 = arith.index_cast %shift_left3A_1213 : i32 to index
        %get3A_1218 = tpu.vector_load %arg12[%get3A_1215, %get3A_1216, %get3A_1217] {strides = array<i32>} : memref<2x128x128xf32, #tpu.memory_space<vmem>>, vector<16xf32>,
        %min3A_1219 = arith.minimumf %scan3A_1190, %get3A_1218 : vector<16xf32>
        %max3A_1220 = arith.maximumf %scan3A_1198, %get3A_1218 : vector<16xf32>
        %mul3A_1221 = arith.constant 8 : i32
        %mul3A_1222 = arith.muli %scan3A_1189, %mul3A_1221 : i32
        %add3A_1223 = arith.constant 1 : i32
        %add3A_1224 = arith.addi %mul3A_1222, %add3A_1223 : i32
        %shift_right_arithmetic3A_1225 = arith.constant 3 : i32
        %shift_right_arithmetic3A_1226 = arith.shrsi %add3A_1224, %shift_right_arithmetic3A_1225 : i32
        %and3A_1227 = arith.constant 7 : i32
        %and3A_1228 = arith.andi %add3A_1224, %and3A_1227 : i32
        %shift_left3A_1229 = arith.constant 4 : i32
        %shift_left3A_1230 = arith.shli %and3A_1228, %shift_left3A_1229 : i32
        %get3A_1231 = arith.constant 0 : i32
        %get3A_1232 = arith.index_cast %get3A_1231 : i32 to index
        %get3A_1233 = arith.index_cast %shift_right_arithmetic3A_1226 : i32 to index
        %get3A_1234 = arith.index_cast %shift_left3A_1230 : i32 to index
        %get3A_1235 = tpu.vector_load %arg12[%get3A_1232, %get3A_1233, %get3A_1234] {strides = array<i32>} : memref<2x128x128xf32, #tpu.memory_space<vmem>>, vector<16xf32>,
        %min3A_1236 = arith.minimumf %scan3A_1191, %get3A_1235 : vector<16xf32>
        %max3A_1237 = arith.maximumf %scan3A_1199, %get3A_1235 : vector<16xf32>
        %mul3A_1238 = arith.constant 8 : i32
        %mul3A_1239 = arith.muli %scan3A_1189, %mul3A_1238 : i32
        %add3A_1240 = arith.constant 2 : i32
        %add3A_1241 = arith.addi %mul3A_1239, %add3A_1240 : i32
        %shift_right_arithmetic3A_1242 = arith.constant 3 : i32
        %shift_right_arithmetic3A_1243 = arith.shrsi %add3A_1241, %shift_right_arithmetic3A_1242 : i32
        %and3A_1244 = arith.constant 7 : i32
        %and3A_1245 = arith.andi %add3A_1241, %and3A_1244 : i32
        %shift_left3A_1246 = arith.constant 4 : i32
        %shift_left3A_1247 = arith.shli %and3A_1245, %shift_left3A_1246 : i32
        %get3A_1248 = arith.constant 0 : i32
        %get3A_1249 = arith.index_cast %get3A_1248 : i32 to index
        %get3A_1250 = arith.index_cast %shift_right_arithmetic3A_1243 : i32 to index
        %get3A_1251 = arith.index_cast %shift_left3A_1247 : i32 to index
        %get3A_1252 = tpu.vector_load %arg12[%get3A_1249, %get3A_1250, %get3A_1251] {strides = array<i32>} : memref<2x128x128xf32, #tpu.memory_space<vmem>>, vector<16xf32>,
        %min3A_1253 = arith.minimumf %scan3A_1192, %get3A_1252 : vector<16xf32>
        %max3A_1254 = arith.maximumf %scan3A_1200, %get3A_1252 : vector<16xf32>
        %mul3A_1255 = arith.constant 8 : i32
        %mul3A_1256 = arith.muli %scan3A_1189, %mul3A_1255 : i32
        %add3A_1257 = arith.constant 3 : i32
        %add3A_1258 = arith.addi %mul3A_1256, %add3A_1257 : i32
        %shift_right_arithmetic3A_1259 = arith.constant 3 : i32
        %shift_right_arithmetic3A_1260 = arith.shrsi %add3A_1258, %shift_right_arithmetic3A_1259 : i32
        %and3A_1261 = arith.constant 7 : i32
        %and3A_1262 = arith.andi %add3A_1258, %and3A_1261 : i32
        %shift_left3A_1263 = arith.constant 4 : i32
        %shift_left3A_1264 = arith.shli %and3A_1262, %shift_left3A_1263 : i32
        %get3A_1265 = arith.constant 0 : i32
        %get3A_1266 = arith.index_cast %get3A_1265 : i32 to index
        %get3A_1267 = arith.index_cast %shift_right_arithmetic3A_1260 : i32 to index
        %get3A_1268 = arith.index_cast %shift_left3A_1264 : i32 to index
        %get3A_1269 = tpu.vector_load %arg12[%get3A_1266, %get3A_1267, %get3A_1268] {strides = array<i32>} : memref<2x128x128xf32, #tpu.memory_space<vmem>>, vector<16xf32>,
        %min3A_1270 = arith.minimumf %scan3A_1193, %get3A_1269 : vector<16xf32>
        %max3A_1271 = arith.maximumf %scan3A_1201, %get3A_1269 : vector<16xf32>
        %mul3A_1272 = arith.constant 8 : i32
        %mul3A_1273 = arith.muli %scan3A_1189, %mul3A_1272 : i32
        %add3A_1274 = arith.constant 4 : i32
        %add3A_1275 = arith.addi %mul3A_1273, %add3A_1274 : i32
        %shift_right_arithmetic3A_1276 = arith.constant 3 : i32
        %shift_right_arithmetic3A_1277 = arith.shrsi %add3A_1275, %shift_right_arithmetic3A_1276 : i32
        %and3A_1278 = arith.constant 7 : i32
        %and3A_1279 = arith.andi %add3A_1275, %and3A_1278 : i32
        %shift_left3A_1280 = arith.constant 4 : i32
        %shift_left3A_1281 = arith.shli %and3A_1279, %shift_left3A_1280 : i32
        %get3A_1282 = arith.constant 0 : i32
        %get3A_1283 = arith.index_cast %get3A_1282 : i32 to index
        %get3A_1284 = arith.index_cast %shift_right_arithmetic3A_1277 : i32 to index
        %get3A_1285 = arith.index_cast %shift_left3A_1281 : i32 to index
        %get3A_1286 = tpu.vector_load %arg12[%get3A_1283, %get3A_1284, %get3A_1285] {strides = array<i32>} : memref<2x128x128xf32, #tpu.memory_space<vmem>>, vector<16xf32>,
        %min3A_1287 = arith.minimumf %scan3A_1194, %get3A_1286 : vector<16xf32>
        %max3A_1288 = arith.maximumf %scan3A_1202, %get3A_1286 : vector<16xf32>
        %mul3A_1289 = arith.constant 8 : i32
        %mul3A_1290 = arith.muli %scan3A_1189, %mul3A_1289 : i32
        %add3A_1291 = arith.constant 5 : i32
        %add3A_1292 = arith.addi %mul3A_1290, %add3A_1291 : i32
        %shift_right_arithmetic3A_1293 = arith.constant 3 : i32
        %shift_right_arithmetic3A_1294 = arith.shrsi %add3A_1292, %shift_right_arithmetic3A_1293 : i32
        %and3A_1295 = arith.constant 7 : i32
        %and3A_1296 = arith.andi %add3A_1292, %and3A_1295 : i32
        %shift_left3A_1297 = arith.constant 4 : i32
        %shift_left3A_1298 = arith.shli %and3A_1296, %shift_left3A_1297 : i32
        %get3A_1299 = arith.constant 0 : i32
        %get3A_1300 = arith.index_cast %get3A_1299 : i32 to index
        %get3A_1301 = arith.index_cast %shift_right_arithmetic3A_1294 : i32 to index
        %get3A_1302 = arith.index_cast %shift_left3A_1298 : i32 to index
        %get3A_1303 = tpu.vector_load %arg12[%get3A_1300, %get3A_1301, %get3A_1302] {strides = array<i32>} : memref<2x128x128xf32, #tpu.memory_space<vmem>>, vector<16xf32>,
        %min3A_1304 = arith.minimumf %scan3A_1195, %get3A_1303 : vector<16xf32>
        %max3A_1305 = arith.maximumf %scan3A_1203, %get3A_1303 : vector<16xf32>
        %mul3A_1306 = arith.constant 8 : i32
        %mul3A_1307 = arith.muli %scan3A_1189, %mul3A_1306 : i32
        %add3A_1308 = arith.constant 6 : i32
        %add3A_1309 = arith.addi %mul3A_1307, %add3A_1308 : i32
        %shift_right_arithmetic3A_1310 = arith.constant 3 : i32
        %shift_right_arithmetic3A_1311 = arith.shrsi %add3A_1309, %shift_right_arithmetic3A_1310 : i32
        %and3A_1312 = arith.constant 7 : i32
        %and3A_1313 = arith.andi %add3A_1309, %and3A_1312 : i32
        %shift_left3A_1314 = arith.constant 4 : i32
        %shift_left3A_1315 = arith.shli %and3A_1313, %shift_left3A_1314 : i32
        %get3A_1316 = arith.constant 0 : i32
        %get3A_1317 = arith.index_cast %get3A_1316 : i32 to index
        %get3A_1318 = arith.index_cast %shift_right_arithmetic3A_1311 : i32 to index
        %get3A_1319 = arith.index_cast %shift_left3A_1315 : i32 to index
        %get3A_1320 = tpu.vector_load %arg12[%get3A_1317, %get3A_1318, %get3A_1319] {strides = array<i32>} : memref<2x128x128xf32, #tpu.memory_space<vmem>>, vector<16xf32>,
        %min3A_1321 = arith.minimumf %scan3A_1196, %get3A_1320 : vector<16xf32>
        %max3A_1322 = arith.maximumf %scan3A_1204, %get3A_1320 : vector<16xf32>
        %mul3A_1323 = arith.constant 8 : i32
        %mul3A_1324 = arith.muli %scan3A_1189, %mul3A_1323 : i32
        %add3A_1325 = arith.constant 7 : i32
        %add3A_1326 = arith.addi %mul3A_1324, %add3A_1325 : i32
        %shift_right_arithmetic3A_1327 = arith.constant 3 : i32
        %shift_right_arithmetic3A_1328 = arith.shrsi %add3A_1326, %shift_right_arithmetic3A_1327 : i32
        %and3A_1329 = arith.constant 7 : i32
        %and3A_1330 = arith.andi %add3A_1326, %and3A_1329 : i32
        %shift_left3A_1331 = arith.constant 4 : i32
        %shift_left3A_1332 = arith.shli %and3A_1330, %shift_left3A_1331 : i32
        %get3A_1333 = arith.constant 0 : i32
        %get3A_1334 = arith.index_cast %get3A_1333 : i32 to index
        %get3A_1335 = arith.index_cast %shift_right_arithmetic3A_1328 : i32 to index
        %get3A_1336 = arith.index_cast %shift_left3A_1332 : i32 to index
        %get3A_1337 = tpu.vector_load %arg12[%get3A_1334, %get3A_1335, %get3A_1336] {strides = array<i32>} : memref<2x128x128xf32, #tpu.memory_space<vmem>>, vector<16xf32>,
        %min3A_1338 = arith.minimumf %scan3A_1197, %get3A_1337 : vector<16xf32>
        %max3A_1339 = arith.maximumf %scan3A_1205, %get3A_1337 : vector<16xf32>
        scf.yield %min3A_1219, %min3A_1236, %min3A_1253, %min3A_1270, %min3A_1287, %min3A_1304, %min3A_1321, %min3A_1338, %max3A_1220, %max3A_1237, %max3A_1254, %max3A_1271, %max3A_1288, %max3A_1305, %max3A_1322, %max3A_1339 : vector<16xf32>, vector<16xf32>, vector<16xf32>, vector<16xf32>, vector<16xf32>, vector<16xf32>, vector<16xf32>, vector<16xf32>, vector<16xf32>, vector<16xf32>, vector<16xf32>, vector<16xf32>, vector<16xf32>, vector<16xf32>, vector<16xf32>, vector<16xf32>
      }
      %scan3A_963 = arith.constant 128 : i32
      %add3A_964 = arith.constant 2 : i32
      %add3A_965 = arith.addi %add3A_945, %add3A_964 : i32
      %jit3A = arith.constant 64 : i32
      %eq3A = arith.constant 0 : i32
      %eq3A_966 = arith.cmpi eq, %jit3A, %eq3A : i32
      %jit3A_967 = arith.constant 1 : i32
      %select_n3A = arith.select %eq3A_966, %jit3A_967, %jit3A : i32
      %rem3A = arith.remsi %add3A_965, %select_n3A : i32
      %ne3A = arith.constant 0 : i32
      %ne3A_968 = arith.cmpi ne, %rem3A, %ne3A : i32
      %lt3A = arith.constant 0 : i32
      %lt3A_969 = arith.cmpi slt, %rem3A, %lt3A : i32
      %lt3A_970 = arith.constant 0 : i32
      %lt3A_971 = arith.cmpi slt, %select_n3A, %lt3A_970 : i32
      %ne3A_972 = arith.xori %lt3A_969, %lt3A_971 : i1
      %and3A = arith.andi %ne3A_972, %ne3A_968 : i1
      %add3A_973 = arith.addi %rem3A, %select_n3A : i32
      %select_n3A_974 = arith.select %and3A, %add3A_973, %rem3A : i32
      %mul3A_975 = arith.constant 128 : i32
      %mul3A_976 = arith.muli %select_n3A_974, %mul3A_975 : i32
      %add3A_977 = arith.addi %mul3A_2, %mul3A_976 : i32
      %iota3A_978 = tpu.iota {dimensions = array<i32: 0>} : vector<16xi32>
      %add3A_979 = arith.constant 0 : i32
      %add3A_980 = arith.addi %add3A_977, %add3A_979 : i32
      %add3A_981 = vector.broadcast %add3A_980 : i32 to vector<16xi32>
      %add3A_982 = arith.addi %iota3A_978, %add3A_981 : vector<16xi32>
      %swap3A_983 = arith.constant 0 : i32
      %swap3A_984 = arith.index_cast %swap3A_983 : i32 to index
      %swap3A_985 = arith.constant 0 : index
      %swap3A_986 = tpu.vector_load %arg10[%swap3A_984, %swap3A_985] {strides = array<i32>} : memref<2x128xi32, #tpu.memory_space<vmem>>, vector<16xi32>,
      tpu.vector_store %arg10[%swap3A_984, %swap3A_985], %add3A_982 {strides = array<i32>} : memref<2x128xi32, #tpu.memory_space<vmem>>, vector<16xi32>,
      %iota3A_987 = tpu.iota {dimensions = array<i32: 0>} : vector<16xi32>
      %add3A_988 = arith.constant 16 : i32
      %add3A_989 = arith.addi %add3A_977, %add3A_988 : i32
      %add3A_990 = vector.broadcast %add3A_989 : i32 to vector<16xi32>
      %add3A_991 = arith.addi %iota3A_987, %add3A_990 : vector<16xi32>
      %swap3A_992 = arith.constant 0 : i32
      %swap3A_993 = arith.index_cast %swap3A_992 : i32 to index
      %swap3A_994 = arith.constant 16 : index
      %swap3A_995 = tpu.vector_load %arg10[%swap3A_993, %swap3A_994] {strides = array<i32>} : memref<2x128xi32, #tpu.memory_space<vmem>>, vector<16xi32>,
      tpu.vector_store %arg10[%swap3A_993, %swap3A_994], %add3A_991 {strides = array<i32>} : memref<2x128xi32, #tpu.memory_space<vmem>>, vector<16xi32>,
      %iota3A_996 = tpu.iota {dimensions = array<i32: 0>} : vector<16xi32>
      %add3A_997 = arith.constant 32 : i32
      %add3A_998 = arith.addi %add3A_977, %add3A_997 : i32
      %add3A_999 = vector.broadcast %add3A_998 : i32 to vector<16xi32>
      %add3A_1000 = arith.addi %iota3A_996, %add3A_999 : vector<16xi32>
      %swap3A_1001 = arith.constant 0 : i32
      %swap3A_1002 = arith.index_cast %swap3A_1001 : i32 to index
      %swap3A_1003 = arith.constant 32 : index
      %swap3A_1004 = tpu.vector_load %arg10[%swap3A_1002, %swap3A_1003] {strides = array<i32>} : memref<2x128xi32, #tpu.memory_space<vmem>>, vector<16xi32>,
      tpu.vector_store %arg10[%swap3A_1002, %swap3A_1003], %add3A_1000 {strides = array<i32>} : memref<2x128xi32, #tpu.memory_space<vmem>>, vector<16xi32>,
      %iota3A_1005 = tpu.iota {dimensions = array<i32: 0>} : vector<16xi32>
      %add3A_1006 = arith.constant 48 : i32
      %add3A_1007 = arith.addi %add3A_977, %add3A_1006 : i32
      %add3A_1008 = vector.broadcast %add3A_1007 : i32 to vector<16xi32>
      %add3A_1009 = arith.addi %iota3A_1005, %add3A_1008 : vector<16xi32>
      %swap3A_1010 = arith.constant 0 : i32
      %swap3A_1011 = arith.index_cast %swap3A_1010 : i32 to index
      %swap3A_1012 = arith.constant 48 : index
      %swap3A_1013 = tpu.vector_load %arg10[%swap3A_1011, %swap3A_1012] {strides = array<i32>} : memref<2x128xi32, #tpu.memory_space<vmem>>, vector<16xi32>,
      tpu.vector_store %arg10[%swap3A_1011, %swap3A_1012], %add3A_1009 {strides = array<i32>} : memref<2x128xi32, #tpu.memory_space<vmem>>, vector<16xi32>,
      %iota3A_1014 = tpu.iota {dimensions = array<i32: 0>} : vector<16xi32>
      %add3A_1015 = arith.constant 64 : i32
      %add3A_1016 = arith.addi %add3A_977, %add3A_1015 : i32
      %add3A_1017 = vector.broadcast %add3A_1016 : i32 to vector<16xi32>
      %add3A_1018 = arith.addi %iota3A_1014, %add3A_1017 : vector<16xi32>
      %swap3A_1019 = arith.constant 0 : i32
      %swap3A_1020 = arith.index_cast %swap3A_1019 : i32 to index
      %swap3A_1021 = arith.constant 64 : index
      %swap3A_1022 = tpu.vector_load %arg10[%swap3A_1020, %swap3A_1021] {strides = array<i32>} : memref<2x128xi32, #tpu.memory_space<vmem>>, vector<16xi32>,
      tpu.vector_store %arg10[%swap3A_1020, %swap3A_1021], %add3A_1018 {strides = array<i32>} : memref<2x128xi32, #tpu.memory_space<vmem>>, vector<16xi32>,
      %iota3A_1023 = tpu.iota {dimensions = array<i32: 0>} : vector<16xi32>
      %add3A_1024 = arith.constant 80 : i32
      %add3A_1025 = arith.addi %add3A_977, %add3A_1024 : i32
      %add3A_1026 = vector.broadcast %add3A_1025 : i32 to vector<16xi32>
      %add3A_1027 = arith.addi %iota3A_1023, %add3A_1026 : vector<16xi32>
      %swap3A_1028 = arith.constant 0 : i32
      %swap3A_1029 = arith.index_cast %swap3A_1028 : i32 to index
      %swap3A_1030 = arith.constant 80 : index
      %swap3A_1031 = tpu.vector_load %arg10[%swap3A_1029, %swap3A_1030] {strides = array<i32>} : memref<2x128xi32, #tpu.memory_space<vmem>>, vector<16xi32>,
      tpu.vector_store %arg10[%swap3A_1029, %swap3A_1030], %add3A_1027 {strides = array<i32>} : memref<2x128xi32, #tpu.memory_space<vmem>>, vector<16xi32>,
      %iota3A_1032 = tpu.iota {dimensions = array<i32: 0>} : vector<16xi32>
      %add3A_1033 = arith.constant 96 : i32
      %add3A_1034 = arith.addi %add3A_977, %add3A_1033 : i32
      %add3A_1035 = vector.broadcast %add3A_1034 : i32 to vector<16xi32>
      %add3A_1036 = arith.addi %iota3A_1032, %add3A_1035 : vector<16xi32>
      %swap3A_1037 = arith.constant 0 : i32
      %swap3A_1038 = arith.index_cast %swap3A_1037 : i32 to index
      %swap3A_1039 = arith.constant 96 : index
      %swap3A_1040 = tpu.vector_load %arg10[%swap3A_1038, %swap3A_1039] {strides = array<i32>} : memref<2x128xi32, #tpu.memory_space<vmem>>, vector<16xi32>,
      tpu.vector_store %arg10[%swap3A_1038, %swap3A_1039], %add3A_1036 {strides = array<i32>} : memref<2x128xi32, #tpu.memory_space<vmem>>, vector<16xi32>,
      %iota3A_1041 = tpu.iota {dimensions = array<i32: 0>} : vector<16xi32>
      %add3A_1042 = arith.constant 112 : i32
      %add3A_1043 = arith.addi %add3A_977, %add3A_1042 : i32
      %add3A_1044 = vector.broadcast %add3A_1043 : i32 to vector<16xi32>
      %add3A_1045 = arith.addi %iota3A_1041, %add3A_1044 : vector<16xi32>
      %swap3A_1046 = arith.constant 0 : i32
      %swap3A_1047 = arith.index_cast %swap3A_1046 : i32 to index
      %swap3A_1048 = arith.constant 112 : index
      %swap3A_1049 = tpu.vector_load %arg10[%swap3A_1047, %swap3A_1048] {strides = array<i32>} : memref<2x128xi32, #tpu.memory_space<vmem>>, vector<16xi32>,
      tpu.vector_store %arg10[%swap3A_1047, %swap3A_1048], %add3A_1045 {strides = array<i32>} : memref<2x128xi32, #tpu.memory_space<vmem>>, vector<16xi32>,
      %dma_start3A_1050 = arith.constant 0 : i32
      %dma_start3A_1051 = arith.constant 0 : i32
      %dma_start3A_1052 = arith.constant 0 : i32
      %dma_start3A_1053 = arith.constant 0 : i32
      %dma_start3A_1054 = tpu.memref_slice %arg12[%dma_start3A_1051, %dma_start3A_1052, %dma_start3A_1053] : memref<2x128x128xf32, #tpu.memory_space<vmem>> -> memref<1x128x128xf32, #tpu.memory_space<vmem>>
      %dma_start3A_1055 = tpu.memref_squeeze %dma_start3A_1054 : memref<1x128x128xf32, #tpu.memory_space<vmem>> -> memref<128x128xf32, #tpu.memory_space<vmem>>
      %dma_start3A_1056 = arith.constant 0 : i32
      %dma_start3A_1057 = tpu.memref_slice %arg10[%dma_start3A_1050, %dma_start3A_1056] : memref<2x128xi32, #tpu.memory_space<vmem>> -> memref<1x128xi32, #tpu.memory_space<vmem>>
      %dma_start3A_1058 = tpu.memref_squeeze %dma_start3A_1057 : memref<1x128xi32, #tpu.memory_space<vmem>> -> memref<128xi32, #tpu.memory_space<vmem>>
      %dma_start3A_1059 = arith.constant 0 : i32
      %dma_start3A_1060 = arith.constant 0 : i32
      %dma_start3A_1061 = tpu.memref_slice %arg2[%dma_start3A_1059, %dma_start3A_1060] : memref<131072x128xf32, #tpu.memory_space<hbm>> -> memref<131072x128xf32, #tpu.memory_space<hbm>>
      tpu.enqueue_indirect_dma source(%dma_start3A_1061 : memref<131072x128xf32, #tpu.memory_space<hbm>>) target(%dma_start3A_1055 : memref<128x128xf32, #tpu.memory_space<vmem>>) offsets(%dma_start3A_1058 : memref<128xi32, #tpu.memory_space<vmem>>) semaphore(%arg17 : memref<!tpu.dma_semaphore, #tpu.memory_space<semaphore_mem>>)
      %mul3A_1062 = arith.constant 2 : i32
      %mul3A_1063 = arith.muli %scan3A_925, %mul3A_1062 : i32
      %add3A_1064 = arith.constant 1 : i32
      %add3A_1065 = arith.addi %mul3A_1063, %add3A_1064 : i32
      %dma_wait3A_1066 = arith.constant 1 : i32
      %dma_wait3A_1067 = arith.constant 1 : i32
      %dma_wait3A_1068 = arith.constant 0 : i32
      %dma_wait3A_1069 = arith.constant 0 : i32
      %dma_wait3A_1070 = tpu.memref_slice %arg12[%dma_wait3A_1067, %dma_wait3A_1068, %dma_wait3A_1069] : memref<2x128x128xf32, #tpu.memory_space<vmem>> -> memref<1x128x128xf32, #tpu.memory_space<vmem>>
      %dma_wait3A_1071 = tpu.memref_squeeze %dma_wait3A_1070 : memref<1x128x128xf32, #tpu.memory_space<vmem>> -> memref<128x128xf32, #tpu.memory_space<vmem>>
      %dma_wait3A_1072 = arith.constant 0 : i32
      %dma_wait3A_1073 = tpu.memref_slice %arg10[%dma_wait3A_1066, %dma_wait3A_1072] : memref<2x128xi32, #tpu.memory_space<vmem>> -> memref<1x128xi32, #tpu.memory_space<vmem>>
      %dma_wait3A_1074 = tpu.memref_squeeze %dma_wait3A_1073 : memref<1x128xi32, #tpu.memory_space<vmem>> -> memref<128xi32, #tpu.memory_space<vmem>>
      %dma_wait3A_1075 = arith.constant 0 : i32
      %dma_wait3A_1076 = arith.constant 0 : i32
      %dma_wait3A_1077 = tpu.memref_slice %arg2[%dma_wait3A_1075, %dma_wait3A_1076] : memref<131072x128xf32, #tpu.memory_space<hbm>> -> memref<131072x128xf32, #tpu.memory_space<hbm>>
      tpu.wait_indirect_dma semaphore(%arg17 : memref<!tpu.dma_semaphore, #tpu.memory_space<semaphore_mem>>) src(%dma_wait3A_1077 : memref<131072x128xf32, #tpu.memory_space<hbm>>) dst(%dma_wait3A_1071 : memref<128x128xf32, #tpu.memory_space<vmem>>)
      %scan3A_1078 = arith.constant 0 : i32
      %scan3A_1079 = arith.constant 128 : i32
      %scan3A_1080 = arith.addi %scan3A_1078, %scan3A_1079 : i32
      %scan3A_1081 = arith.constant 1 : i32
      %scan3A_1082:16 = scf.for %scan3A_1189 = %scan3A_1078 to %scan3A_1080 step %scan3A_1081 iter_args(%scan3A_1190 = %scan3A_962#0, %scan3A_1191 = %scan3A_962#1, %scan3A_1192 = %scan3A_962#2, %scan3A_1193 = %scan3A_962#3, %scan3A_1194 = %scan3A_962#4, %scan3A_1195 = %scan3A_962#5, %scan3A_1196 = %scan3A_962#6, %scan3A_1197 = %scan3A_962#7, %scan3A_1198 = %scan3A_962#8, %scan3A_1199 = %scan3A_962#9, %scan3A_1200 = %scan3A_962#10, %scan3A_1201 = %scan3A_962#11, %scan3A_1202 = %scan3A_962#12, %scan3A_1203 = %scan3A_962#13, %scan3A_1204 = %scan3A_962#14, %scan3A_1205 = %scan3A_962#15) -> (vector<16xf32>, vector<16xf32>, vector<16xf32>, vector<16xf32>, vector<16xf32>, vector<16xf32>, vector<16xf32>, vector<16xf32>, vector<16xf32>, vector<16xf32>, vector<16xf32>, vector<16xf32>, vector<16xf32>, vector<16xf32>, vector<16xf32>, vector<16xf32>)  : i32 {
        %mul3A_1206 = arith.constant 8 : i32
        %mul3A_1207 = arith.muli %scan3A_1189, %mul3A_1206 : i32
        %add3A_1208 = arith.constant 0 : i32
        %add3A_1209 = arith.addi %mul3A_1207, %add3A_1208 : i32
        %shift_right_arithmetic3A = arith.constant 3 : i32
        %shift_right_arithmetic3A_1210 = arith.shrsi %add3A_1209, %shift_right_arithmetic3A : i32
        %and3A_1211 = arith.constant 7 : i32
        %and3A_1212 = arith.andi %add3A_1209, %and3A_1211 : i32
        %shift_left3A = arith.constant 4 : i32
        %shift_left3A_1213 = arith.shli %and3A_1212, %shift_left3A : i32
        %get3A_1214 = arith.constant 1 : i32
        %get3A_1215 = arith.index_cast %get3A_1214 : i32 to index
        %get3A_1216 = arith.index_cast %shift_right_arithmetic3A_1210 : i32 to index
        %get3A_1217 = arith.index_cast %shift_left3A_1213 : i32 to index
        %get3A_1218 = tpu.vector_load %arg12[%get3A_1215, %get3A_1216, %get3A_1217] {strides = array<i32>} : memref<2x128x128xf32, #tpu.memory_space<vmem>>, vector<16xf32>,
        %min3A_1219 = arith.minimumf %scan3A_1190, %get3A_1218 : vector<16xf32>
        %max3A_1220 = arith.maximumf %scan3A_1198, %get3A_1218 : vector<16xf32>
        %mul3A_1221 = arith.constant 8 : i32
        %mul3A_1222 = arith.muli %scan3A_1189, %mul3A_1221 : i32
        %add3A_1223 = arith.constant 1 : i32
        %add3A_1224 = arith.addi %mul3A_1222, %add3A_1223 : i32
        %shift_right_arithmetic3A_1225 = arith.constant 3 : i32
        %shift_right_arithmetic3A_1226 = arith.shrsi %add3A_1224, %shift_right_arithmetic3A_1225 : i32
        %and3A_1227 = arith.constant 7 : i32
        %and3A_1228 = arith.andi %add3A_1224, %and3A_1227 : i32
        %shift_left3A_1229 = arith.constant 4 : i32
        %shift_left3A_1230 = arith.shli %and3A_1228, %shift_left3A_1229 : i32
        %get3A_1231 = arith.constant 1 : i32
        %get3A_1232 = arith.index_cast %get3A_1231 : i32 to index
        %get3A_1233 = arith.index_cast %shift_right_arithmetic3A_1226 : i32 to index
        %get3A_1234 = arith.index_cast %shift_left3A_1230 : i32 to index
        %get3A_1235 = tpu.vector_load %arg12[%get3A_1232, %get3A_1233, %get3A_1234] {strides = array<i32>} : memref<2x128x128xf32, #tpu.memory_space<vmem>>, vector<16xf32>,
        %min3A_1236 = arith.minimumf %scan3A_1191, %get3A_1235 : vector<16xf32>
        %max3A_1237 = arith.maximumf %scan3A_1199, %get3A_1235 : vector<16xf32>
        %mul3A_1238 = arith.constant 8 : i32
        %mul3A_1239 = arith.muli %scan3A_1189, %mul3A_1238 : i32
        %add3A_1240 = arith.constant 2 : i32
        %add3A_1241 = arith.addi %mul3A_1239, %add3A_1240 : i32
        %shift_right_arithmetic3A_1242 = arith.constant 3 : i32
        %shift_right_arithmetic3A_1243 = arith.shrsi %add3A_1241, %shift_right_arithmetic3A_1242 : i32
        %and3A_1244 = arith.constant 7 : i32
        %and3A_1245 = arith.andi %add3A_1241, %and3A_1244 : i32
        %shift_left3A_1246 = arith.constant 4 : i32
        %shift_left3A_1247 = arith.shli %and3A_1245, %shift_left3A_1246 : i32
        %get3A_1248 = arith.constant 1 : i32
        %get3A_1249 = arith.index_cast %get3A_1248 : i32 to index
        %get3A_1250 = arith.index_cast %shift_right_arithmetic3A_1243 : i32 to index
        %get3A_1251 = arith.index_cast %shift_left3A_1247 : i32 to index
        %get3A_1252 = tpu.vector_load %arg12[%get3A_1249, %get3A_1250, %get3A_1251] {strides = array<i32>} : memref<2x128x128xf32, #tpu.memory_space<vmem>>, vector<16xf32>,
        %min3A_1253 = arith.minimumf %scan3A_1192, %get3A_1252 : vector<16xf32>
        %max3A_1254 = arith.maximumf %scan3A_1200, %get3A_1252 : vector<16xf32>
        %mul3A_1255 = arith.constant 8 : i32
        %mul3A_1256 = arith.muli %scan3A_1189, %mul3A_1255 : i32
        %add3A_1257 = arith.constant 3 : i32
        %add3A_1258 = arith.addi %mul3A_1256, %add3A_1257 : i32
        %shift_right_arithmetic3A_1259 = arith.constant 3 : i32
        %shift_right_arithmetic3A_1260 = arith.shrsi %add3A_1258, %shift_right_arithmetic3A_1259 : i32
        %and3A_1261 = arith.constant 7 : i32
        %and3A_1262 = arith.andi %add3A_1258, %and3A_1261 : i32
        %shift_left3A_1263 = arith.constant 4 : i32
        %shift_left3A_1264 = arith.shli %and3A_1262, %shift_left3A_1263 : i32
        %get3A_1265 = arith.constant 1 : i32
        %get3A_1266 = arith.index_cast %get3A_1265 : i32 to index
        %get3A_1267 = arith.index_cast %shift_right_arithmetic3A_1260 : i32 to index
        %get3A_1268 = arith.index_cast %shift_left3A_1264 : i32 to index
        %get3A_1269 = tpu.vector_load %arg12[%get3A_1266, %get3A_1267, %get3A_1268] {strides = array<i32>} : memref<2x128x128xf32, #tpu.memory_space<vmem>>, vector<16xf32>,
        %min3A_1270 = arith.minimumf %scan3A_1193, %get3A_1269 : vector<16xf32>
        %max3A_1271 = arith.maximumf %scan3A_1201, %get3A_1269 : vector<16xf32>
        %mul3A_1272 = arith.constant 8 : i32
        %mul3A_1273 = arith.muli %scan3A_1189, %mul3A_1272 : i32
        %add3A_1274 = arith.constant 4 : i32
        %add3A_1275 = arith.addi %mul3A_1273, %add3A_1274 : i32
        %shift_right_arithmetic3A_1276 = arith.constant 3 : i32
        %shift_right_arithmetic3A_1277 = arith.shrsi %add3A_1275, %shift_right_arithmetic3A_1276 : i32
        %and3A_1278 = arith.constant 7 : i32
        %and3A_1279 = arith.andi %add3A_1275, %and3A_1278 : i32
        %shift_left3A_1280 = arith.constant 4 : i32
        %shift_left3A_1281 = arith.shli %and3A_1279, %shift_left3A_1280 : i32
        %get3A_1282 = arith.constant 1 : i32
        %get3A_1283 = arith.index_cast %get3A_1282 : i32 to index
        %get3A_1284 = arith.index_cast %shift_right_arithmetic3A_1277 : i32 to index
        %get3A_1285 = arith.index_cast %shift_left3A_1281 : i32 to index
        %get3A_1286 = tpu.vector_load %arg12[%get3A_1283, %get3A_1284, %get3A_1285] {strides = array<i32>} : memref<2x128x128xf32, #tpu.memory_space<vmem>>, vector<16xf32>,
        %min3A_1287 = arith.minimumf %scan3A_1194, %get3A_1286 : vector<16xf32>
        %max3A_1288 = arith.maximumf %scan3A_1202, %get3A_1286 : vector<16xf32>
        %mul3A_1289 = arith.constant 8 : i32
        %mul3A_1290 = arith.muli %scan3A_1189, %mul3A_1289 : i32
        %add3A_1291 = arith.constant 5 : i32
        %add3A_1292 = arith.addi %mul3A_1290, %add3A_1291 : i32
        %shift_right_arithmetic3A_1293 = arith.constant 3 : i32
        %shift_right_arithmetic3A_1294 = arith.shrsi %add3A_1292, %shift_right_arithmetic3A_1293 : i32
        %and3A_1295 = arith.constant 7 : i32
        %and3A_1296 = arith.andi %add3A_1292, %and3A_1295 : i32
        %shift_left3A_1297 = arith.constant 4 : i32
        %shift_left3A_1298 = arith.shli %and3A_1296, %shift_left3A_1297 : i32
        %get3A_1299 = arith.constant 1 : i32
        %get3A_1300 = arith.index_cast %get3A_1299 : i32 to index
        %get3A_1301 = arith.index_cast %shift_right_arithmetic3A_1294 : i32 to index
        %get3A_1302 = arith.index_cast %shift_left3A_1298 : i32 to index
        %get3A_1303 = tpu.vector_load %arg12[%get3A_1300, %get3A_1301, %get3A_1302] {strides = array<i32>} : memref<2x128x128xf32, #tpu.memory_space<vmem>>, vector<16xf32>,
        %min3A_1304 = arith.minimumf %scan3A_1195, %get3A_1303 : vector<16xf32>
        %max3A_1305 = arith.maximumf %scan3A_1203, %get3A_1303 : vector<16xf32>
        %mul3A_1306 = arith.constant 8 : i32
        %mul3A_1307 = arith.muli %scan3A_1189, %mul3A_1306 : i32
        %add3A_1308 = arith.constant 6 : i32
        %add3A_1309 = arith.addi %mul3A_1307, %add3A_1308 : i32
        %shift_right_arithmetic3A_1310 = arith.constant 3 : i32
        %shift_right_arithmetic3A_1311 = arith.shrsi %add3A_1309, %shift_right_arithmetic3A_1310 : i32
        %and3A_1312 = arith.constant 7 : i32
        %and3A_1313 = arith.andi %add3A_1309, %and3A_1312 : i32
        %shift_left3A_1314 = arith.constant 4 : i32
        %shift_left3A_1315 = arith.shli %and3A_1313, %shift_left3A_1314 : i32
        %get3A_1316 = arith.constant 1 : i32
        %get3A_1317 = arith.index_cast %get3A_1316 : i32 to index
        %get3A_1318 = arith.index_cast %shift_right_arithmetic3A_1311 : i32 to index
        %get3A_1319 = arith.index_cast %shift_left3A_1315 : i32 to index
        %get3A_1320 = tpu.vector_load %arg12[%get3A_1317, %get3A_1318, %get3A_1319] {strides = array<i32>} : memref<2x128x128xf32, #tpu.memory_space<vmem>>, vector<16xf32>,
        %min3A_1321 = arith.minimumf %scan3A_1196, %get3A_1320 : vector<16xf32>
        %max3A_1322 = arith.maximumf %scan3A_1204, %get3A_1320 : vector<16xf32>
        %mul3A_1323 = arith.constant 8 : i32
        %mul3A_1324 = arith.muli %scan3A_1189, %mul3A_1323 : i32
        %add3A_1325 = arith.constant 7 : i32
        %add3A_1326 = arith.addi %mul3A_1324, %add3A_1325 : i32
        %shift_right_arithmetic3A_1327 = arith.constant 3 : i32
        %shift_right_arithmetic3A_1328 = arith.shrsi %add3A_1326, %shift_right_arithmetic3A_1327 : i32
        %and3A_1329 = arith.constant 7 : i32
        %and3A_1330 = arith.andi %add3A_1326, %and3A_1329 : i32
        %shift_left3A_1331 = arith.constant 4 : i32
        %shift_left3A_1332 = arith.shli %and3A_1330, %shift_left3A_1331 : i32
        %get3A_1333 = arith.constant 1 : i32
        %get3A_1334 = arith.index_cast %get3A_1333 : i32 to index
        %get3A_1335 = arith.index_cast %shift_right_arithmetic3A_1328 : i32 to index
        %get3A_1336 = arith.index_cast %shift_left3A_1332 : i32 to index
        %get3A_1337 = tpu.vector_load %arg12[%get3A_1334, %get3A_1335, %get3A_1336] {strides = array<i32>} : memref<2x128x128xf32, #tpu.memory_space<vmem>>, vector<16xf32>,
        %min3A_1338 = arith.minimumf %scan3A_1197, %get3A_1337 : vector<16xf32>
        %max3A_1339 = arith.maximumf %scan3A_1205, %get3A_1337 : vector<16xf32>
        scf.yield %min3A_1219, %min3A_1236, %min3A_1253, %min3A_1270, %min3A_1287, %min3A_1304, %min3A_1321, %min3A_1338, %max3A_1220, %max3A_1237, %max3A_1254, %max3A_1271, %max3A_1288, %max3A_1305, %max3A_1322, %max3A_1339 : vector<16xf32>, vector<16xf32>, vector<16xf32>, vector<16xf32>, vector<16xf32>, vector<16xf32>, vector<16xf32>, vector<16xf32>, vector<16xf32>, vector<16xf32>, vector<16xf32>, vector<16xf32>, vector<16xf32>, vector<16xf32>, vector<16xf32>, vector<16xf32>
      }
      %scan3A_1083 = arith.constant 128 : i32
      %add3A_1084 = arith.constant 2 : i32
      %add3A_1085 = arith.addi %add3A_1065, %add3A_1084 : i32
      %jit3A_1086 = arith.constant 64 : i32
      %eq3A_1087 = arith.constant 0 : i32
      %eq3A_1088 = arith.cmpi eq, %jit3A_1086, %eq3A_1087 : i32
      %jit3A_1089 = arith.constant 1 : i32
      %select_n3A_1090 = arith.select %eq3A_1088, %jit3A_1089, %jit3A_1086 : i32
      %rem3A_1091 = arith.remsi %add3A_1085, %select_n3A_1090 : i32
      %ne3A_1092 = arith.constant 0 : i32
      %ne3A_1093 = arith.cmpi ne, %rem3A_1091, %ne3A_1092 : i32
      %lt3A_1094 = arith.constant 0 : i32
      %lt3A_1095 = arith.cmpi slt, %rem3A_1091, %lt3A_1094 : i32
      %lt3A_1096 = arith.constant 0 : i32
      %lt3A_1097 = arith.cmpi slt, %select_n3A_1090, %lt3A_1096 : i32
      %ne3A_1098 = arith.xori %lt3A_1095, %lt3A_1097 : i1
      %and3A_1099 = arith.andi %ne3A_1098, %ne3A_1093 : i1
      %add3A_1100 = arith.addi %rem3A_1091, %select_n3A_1090 : i32
      %select_n3A_1101 = arith.select %and3A_1099, %add3A_1100, %rem3A_1091 : i32
      %mul3A_1102 = arith.constant 128 : i32
      %mul3A_1103 = arith.muli %select_n3A_1101, %mul3A_1102 : i32
      %add3A_1104 = arith.addi %mul3A_2, %mul3A_1103 : i32
      %iota3A_1105 = tpu.iota {dimensions = array<i32: 0>} : vector<16xi32>
      %add3A_1106 = arith.constant 0 : i32
      %add3A_1107 = arith.addi %add3A_1104, %add3A_1106 : i32
      %add3A_1108 = vector.broadcast %add3A_1107 : i32 to vector<16xi32>
      %add3A_1109 = arith.addi %iota3A_1105, %add3A_1108 : vector<16xi32>
      %swap3A_1110 = arith.constant 1 : i32
      %swap3A_1111 = arith.index_cast %swap3A_1110 : i32 to index
      %swap3A_1112 = arith.constant 0 : index
      %swap3A_1113 = tpu.vector_load %arg10[%swap3A_1111, %swap3A_1112] {strides = array<i32>} : memref<2x128xi32, #tpu.memory_space<vmem>>, vector<16xi32>,
      tpu.vector_store %arg10[%swap3A_1111, %swap3A_1112], %add3A_1109 {strides = array<i32>} : memref<2x128xi32, #tpu.memory_space<vmem>>, vector<16xi32>,
      %iota3A_1114 = tpu.iota {dimensions = array<i32: 0>} : vector<16xi32>
      %add3A_1115 = arith.constant 16 : i32
      %add3A_1116 = arith.addi %add3A_1104, %add3A_1115 : i32
      %add3A_1117 = vector.broadcast %add3A_1116 : i32 to vector<16xi32>
      %add3A_1118 = arith.addi %iota3A_1114, %add3A_1117 : vector<16xi32>
      %swap3A_1119 = arith.constant 1 : i32
      %swap3A_1120 = arith.index_cast %swap3A_1119 : i32 to index
      %swap3A_1121 = arith.constant 16 : index
      %swap3A_1122 = tpu.vector_load %arg10[%swap3A_1120, %swap3A_1121] {strides = array<i32>} : memref<2x128xi32, #tpu.memory_space<vmem>>, vector<16xi32>,
      tpu.vector_store %arg10[%swap3A_1120, %swap3A_1121], %add3A_1118 {strides = array<i32>} : memref<2x128xi32, #tpu.memory_space<vmem>>, vector<16xi32>,
      %iota3A_1123 = tpu.iota {dimensions = array<i32: 0>} : vector<16xi32>
      %add3A_1124 = arith.constant 32 : i32
      %add3A_1125 = arith.addi %add3A_1104, %add3A_1124 : i32
      %add3A_1126 = vector.broadcast %add3A_1125 : i32 to vector<16xi32>
      %add3A_1127 = arith.addi %iota3A_1123, %add3A_1126 : vector<16xi32>
      %swap3A_1128 = arith.constant 1 : i32
      %swap3A_1129 = arith.index_cast %swap3A_1128 : i32 to index
      %swap3A_1130 = arith.constant 32 : index
      %swap3A_1131 = tpu.vector_load %arg10[%swap3A_1129, %swap3A_1130] {strides = array<i32>} : memref<2x128xi32, #tpu.memory_space<vmem>>, vector<16xi32>,
      tpu.vector_store %arg10[%swap3A_1129, %swap3A_1130], %add3A_1127 {strides = array<i32>} : memref<2x128xi32, #tpu.memory_space<vmem>>, vector<16xi32>,
      %iota3A_1132 = tpu.iota {dimensions = array<i32: 0>} : vector<16xi32>
      %add3A_1133 = arith.constant 48 : i32
      %add3A_1134 = arith.addi %add3A_1104, %add3A_1133 : i32
      %add3A_1135 = vector.broadcast %add3A_1134 : i32 to vector<16xi32>
      %add3A_1136 = arith.addi %iota3A_1132, %add3A_1135 : vector<16xi32>
      %swap3A_1137 = arith.constant 1 : i32
      %swap3A_1138 = arith.index_cast %swap3A_1137 : i32 to index
      %swap3A_1139 = arith.constant 48 : index
      %swap3A_1140 = tpu.vector_load %arg10[%swap3A_1138, %swap3A_1139] {strides = array<i32>} : memref<2x128xi32, #tpu.memory_space<vmem>>, vector<16xi32>,
      tpu.vector_store %arg10[%swap3A_1138, %swap3A_1139], %add3A_1136 {strides = array<i32>} : memref<2x128xi32, #tpu.memory_space<vmem>>, vector<16xi32>,
      %iota3A_1141 = tpu.iota {dimensions = array<i32: 0>} : vector<16xi32>
      %add3A_1142 = arith.constant 64 : i32
      %add3A_1143 = arith.addi %add3A_1104, %add3A_1142 : i32
      %add3A_1144 = vector.broadcast %add3A_1143 : i32 to vector<16xi32>
      %add3A_1145 = arith.addi %iota3A_1141, %add3A_1144 : vector<16xi32>
      %swap3A_1146 = arith.constant 1 : i32
      %swap3A_1147 = arith.index_cast %swap3A_1146 : i32 to index
      %swap3A_1148 = arith.constant 64 : index
      %swap3A_1149 = tpu.vector_load %arg10[%swap3A_1147, %swap3A_1148] {strides = array<i32>} : memref<2x128xi32, #tpu.memory_space<vmem>>, vector<16xi32>,
      tpu.vector_store %arg10[%swap3A_1147, %swap3A_1148], %add3A_1145 {strides = array<i32>} : memref<2x128xi32, #tpu.memory_space<vmem>>, vector<16xi32>,
      %iota3A_1150 = tpu.iota {dimensions = array<i32: 0>} : vector<16xi32>
      %add3A_1151 = arith.constant 80 : i32
      %add3A_1152 = arith.addi %add3A_1104, %add3A_1151 : i32
      %add3A_1153 = vector.broadcast %add3A_1152 : i32 to vector<16xi32>
      %add3A_1154 = arith.addi %iota3A_1150, %add3A_1153 : vector<16xi32>
      %swap3A_1155 = arith.constant 1 : i32
      %swap3A_1156 = arith.index_cast %swap3A_1155 : i32 to index
      %swap3A_1157 = arith.constant 80 : index
      %swap3A_1158 = tpu.vector_load %arg10[%swap3A_1156, %swap3A_1157] {strides = array<i32>} : memref<2x128xi32, #tpu.memory_space<vmem>>, vector<16xi32>,
      tpu.vector_store %arg10[%swap3A_1156, %swap3A_1157], %add3A_1154 {strides = array<i32>} : memref<2x128xi32, #tpu.memory_space<vmem>>, vector<16xi32>,
      %iota3A_1159 = tpu.iota {dimensions = array<i32: 0>} : vector<16xi32>
      %add3A_1160 = arith.constant 96 : i32
      %add3A_1161 = arith.addi %add3A_1104, %add3A_1160 : i32
      %add3A_1162 = vector.broadcast %add3A_1161 : i32 to vector<16xi32>
      %add3A_1163 = arith.addi %iota3A_1159, %add3A_1162 : vector<16xi32>
      %swap3A_1164 = arith.constant 1 : i32
      %swap3A_1165 = arith.index_cast %swap3A_1164 : i32 to index
      %swap3A_1166 = arith.constant 96 : index
      %swap3A_1167 = tpu.vector_load %arg10[%swap3A_1165, %swap3A_1166] {strides = array<i32>} : memref<2x128xi32, #tpu.memory_space<vmem>>, vector<16xi32>,
      tpu.vector_store %arg10[%swap3A_1165, %swap3A_1166], %add3A_1163 {strides = array<i32>} : memref<2x128xi32, #tpu.memory_space<vmem>>, vector<16xi32>,
      %iota3A_1168 = tpu.iota {dimensions = array<i32: 0>} : vector<16xi32>
      %add3A_1169 = arith.constant 112 : i32
      %add3A_1170 = arith.addi %add3A_1104, %add3A_1169 : i32
      %add3A_1171 = vector.broadcast %add3A_1170 : i32 to vector<16xi32>
      %add3A_1172 = arith.addi %iota3A_1168, %add3A_1171 : vector<16xi32>
      %swap3A_1173 = arith.constant 1 : i32
      %swap3A_1174 = arith.index_cast %swap3A_1173 : i32 to index
      %swap3A_1175 = arith.constant 112 : index
      %swap3A_1176 = tpu.vector_load %arg10[%swap3A_1174, %swap3A_1175] {strides = array<i32>} : memref<2x128xi32, #tpu.memory_space<vmem>>, vector<16xi32>,
      tpu.vector_store %arg10[%swap3A_1174, %swap3A_1175], %add3A_1172 {strides = array<i32>} : memref<2x128xi32, #tpu.memory_space<vmem>>, vector<16xi32>,
      %dma_start3A_1177 = arith.constant 1 : i32
      %dma_start3A_1178 = arith.constant 1 : i32
      %dma_start3A_1179 = arith.constant 0 : i32
      %dma_start3A_1180 = arith.constant 0 : i32
      %dma_start3A_1181 = tpu.memref_slice %arg12[%dma_start3A_1178, %dma_start3A_1179, %dma_start3A_1180] : memref<2x128x128xf32, #tpu.memory_space<vmem>> -> memref<1x128x128xf32, #tpu.memory_space<vmem>>
      %dma_start3A_1182 = tpu.memref_squeeze %dma_start3A_1181 : memref<1x128x128xf32, #tpu.memory_space<vmem>> -> memref<128x128xf32, #tpu.memory_space<vmem>>
      %dma_start3A_1183 = arith.constant 0 : i32
      %dma_start3A_1184 = tpu.memref_slice %arg10[%dma_start3A_1177, %dma_start3A_1183] : memref<2x128xi32, #tpu.memory_space<vmem>> -> memref<1x128xi32, #tpu.memory_space<vmem>>
      %dma_start3A_1185 = tpu.memref_squeeze %dma_start3A_1184 : memref<1x128xi32, #tpu.memory_space<vmem>> -> memref<128xi32, #tpu.memory_space<vmem>>
      %dma_start3A_1186 = arith.constant 0 : i32
      %dma_start3A_1187 = arith.constant 0 : i32
      %dma_start3A_1188 = tpu.memref_slice %arg2[%dma_start3A_1186, %dma_start3A_1187] : memref<131072x128xf32, #tpu.memory_space<hbm>> -> memref<131072x128xf32, #tpu.memory_space<hbm>>
      tpu.enqueue_indirect_dma source(%dma_start3A_1188 : memref<131072x128xf32, #tpu.memory_space<hbm>>) target(%dma_start3A_1182 : memref<128x128xf32, #tpu.memory_space<vmem>>) offsets(%dma_start3A_1185 : memref<128xi32, #tpu.memory_space<vmem>>) semaphore(%arg17 : memref<!tpu.dma_semaphore, #tpu.memory_space<semaphore_mem>>)
      scf.yield %scan3A_1082#0, %scan3A_1082#1, %scan3A_1082#2, %scan3A_1082#3, %scan3A_1082#4, %scan3A_1082#5, %scan3A_1082#6, %scan3A_1082#7, %scan3A_1082#8, %scan3A_1082#9, %scan3A_1082#10, %scan3A_1082#11, %scan3A_1082#12, %scan3A_1082#13, %scan3A_1082#14, %scan3A_1082#15 : vector<16xf32>, vector<16xf32>, vector<16xf32>, vector<16xf32>, vector<16xf32>, vector<16xf32>, vector<16xf32>, vector<16xf32>, vector<16xf32>, vector<16xf32>, vector<16xf32>, vector<16xf32>, vector<16xf32>, vector<16xf32>, vector<16xf32>, vector<16xf32>
    }
    %scan3A_222 = arith.constant 32 : i32
    %dma_wait3A = arith.constant 0 : i32
    %dma_wait3A_223 = arith.constant 0 : i32
    %dma_wait3A_224 = arith.constant 0 : i32
    %dma_wait3A_225 = arith.constant 0 : i32
    %dma_wait3A_226 = tpu.memref_slice %arg12[%dma_wait3A_223, %dma_wait3A_224, %dma_wait3A_225] : memref<2x128x128xf32, #tpu.memory_space<vmem>> -> memref<1x128x128xf32, #tpu.memory_space<vmem>>
    %dma_wait3A_227 = tpu.memref_squeeze %dma_wait3A_226 : memref<1x128x128xf32, #tpu.memory_space<vmem>> -> memref<128x128xf32, #tpu.memory_space<vmem>>
    %dma_wait3A_228 = arith.constant 0 : i32
    %dma_wait3A_229 = tpu.memref_slice %arg10[%dma_wait3A, %dma_wait3A_228] : memref<2x128xi32, #tpu.memory_space<vmem>> -> memref<1x128xi32, #tpu.memory_space<vmem>>
    %dma_wait3A_230 = tpu.memref_squeeze %dma_wait3A_229 : memref<1x128xi32, #tpu.memory_space<vmem>> -> memref<128xi32, #tpu.memory_space<vmem>>
    %dma_wait3A_231 = arith.constant 0 : i32
    %dma_wait3A_232 = arith.constant 0 : i32
    %dma_wait3A_233 = tpu.memref_slice %arg2[%dma_wait3A_231, %dma_wait3A_232] : memref<131072x128xf32, #tpu.memory_space<hbm>> -> memref<131072x128xf32, #tpu.memory_space<hbm>>
    tpu.wait_indirect_dma semaphore(%arg17 : memref<!tpu.dma_semaphore, #tpu.memory_space<semaphore_mem>>) src(%dma_wait3A_233 : memref<131072x128xf32, #tpu.memory_space<hbm>>) dst(%dma_wait3A_227 : memref<128x128xf32, #tpu.memory_space<vmem>>)
    %dma_wait3A_234 = arith.constant 1 : i32
    %dma_wait3A_235 = arith.constant 1 : i32
    %dma_wait3A_236 = arith.constant 0 : i32
    %dma_wait3A_237 = arith.constant 0 : i32
    %dma_wait3A_238 = tpu.memref_slice %arg12[%dma_wait3A_235, %dma_wait3A_236, %dma_wait3A_237] : memref<2x128x128xf32, #tpu.memory_space<vmem>> -> memref<1x128x128xf32, #tpu.memory_space<vmem>>
    %dma_wait3A_239 = tpu.memref_squeeze %dma_wait3A_238 : memref<1x128x128xf32, #tpu.memory_space<vmem>> -> memref<128x128xf32, #tpu.memory_space<vmem>>
    %dma_wait3A_240 = arith.constant 0 : i32
    %dma_wait3A_241 = tpu.memref_slice %arg10[%dma_wait3A_234, %dma_wait3A_240] : memref<2x128xi32, #tpu.memory_space<vmem>> -> memref<1x128xi32, #tpu.memory_space<vmem>>
    %dma_wait3A_242 = tpu.memref_squeeze %dma_wait3A_241 : memref<1x128xi32, #tpu.memory_space<vmem>> -> memref<128xi32, #tpu.memory_space<vmem>>
    %dma_wait3A_243 = arith.constant 0 : i32
    %dma_wait3A_244 = arith.constant 0 : i32
    %dma_wait3A_245 = tpu.memref_slice %arg2[%dma_wait3A_243, %dma_wait3A_244] : memref<131072x128xf32, #tpu.memory_space<hbm>> -> memref<131072x128xf32, #tpu.memory_space<hbm>>
    tpu.wait_indirect_dma semaphore(%arg17 : memref<!tpu.dma_semaphore, #tpu.memory_space<semaphore_mem>>) src(%dma_wait3A_245 : memref<131072x128xf32, #tpu.memory_space<hbm>>) dst(%dma_wait3A_239 : memref<128x128xf32, #tpu.memory_space<vmem>>)
    %min3A = arith.minimumf %scan3A_221#0, %scan3A_221#1 : vector<16xf32>
    %max3A = arith.maximumf %scan3A_221#8, %scan3A_221#9 : vector<16xf32>
    %min3A_246 = arith.minimumf %min3A, %scan3A_221#2 : vector<16xf32>
    %max3A_247 = arith.maximumf %max3A, %scan3A_221#10 : vector<16xf32>
    %min3A_248 = arith.minimumf %min3A_246, %scan3A_221#3 : vector<16xf32>
    %max3A_249 = arith.maximumf %max3A_247, %scan3A_221#11 : vector<16xf32>
    %min3A_250 = arith.minimumf %min3A_248, %scan3A_221#4 : vector<16xf32>
    %max3A_251 = arith.maximumf %max3A_249, %scan3A_221#12 : vector<16xf32>
    %min3A_252 = arith.minimumf %min3A_250, %scan3A_221#5 : vector<16xf32>
    %max3A_253 = arith.maximumf %max3A_251, %scan3A_221#13 : vector<16xf32>
    %min3A_254 = arith.minimumf %min3A_252, %scan3A_221#6 : vector<16xf32>
    %max3A_255 = arith.maximumf %max3A_253, %scan3A_221#14 : vector<16xf32>
    %min3A_256 = arith.minimumf %min3A_254, %scan3A_221#7 : vector<16xf32>
    %max3A_257 = arith.maximumf %max3A_255, %scan3A_221#15 : vector<16xf32>
    %swap3A_258 = arith.constant 0 : i32
    %swap3A_259 = arith.index_cast %swap3A_258 : i32 to index
    %swap3A_260 = arith.constant 0 : index
    %swap3A_261 = tpu.vector_load %arg14[%swap3A_259, %swap3A_260] {strides = array<i32>} : memref<2x16xf32, #tpu.memory_space<vmem>>, vector<16xf32>,
    tpu.vector_store %arg14[%swap3A_259, %swap3A_260], %min3A_256 {strides = array<i32>} : memref<2x16xf32, #tpu.memory_space<vmem>>, vector<16xf32>,
    %swap3A_262 = arith.constant 1 : i32
    %swap3A_263 = arith.index_cast %swap3A_262 : i32 to index
    %swap3A_264 = arith.constant 0 : index
    %swap3A_265 = tpu.vector_load %arg14[%swap3A_263, %swap3A_264] {strides = array<i32>} : memref<2x16xf32, #tpu.memory_space<vmem>>, vector<16xf32>,
    tpu.vector_store %arg14[%swap3A_263, %swap3A_264], %max3A_257 {strides = array<i32>} : memref<2x16xf32, #tpu.memory_space<vmem>>, vector<16xf32>,
    "tpu.region"() ({
      %run_scoped3A = tpu.sem_alloc : memref<!tpu.dma_semaphore, #tpu.memory_space<semaphore_mem>>
      %dma_start3A_925 = arith.constant 0 : i32
      %dma_start3A_926 = arith.constant 0 : i32
      %dma_start3A_927 = tpu.memref_slice %arg16[%arg1, %dma_start3A_925, %dma_start3A_926] : memref<16x2x16xf32, #tpu.memory_space<vmem_shared>> -> memref<1x2x16xf32, #tpu.memory_space<vmem_shared>>
      %dma_start3A_928 = tpu.memref_squeeze %dma_start3A_927 : memref<1x2x16xf32, #tpu.memory_space<vmem_shared>> -> memref<2x16xf32, #tpu.memory_space<vmem_shared>>
      %dma_start3A_929 = arith.constant 0 : i32
      %dma_start3A_930 = arith.constant 0 : i32
      %dma_start3A_931 = tpu.memref_slice %arg16[%arg1, %dma_start3A_929, %dma_start3A_930] : memref<16x2x16xf32, #tpu.memory_space<vmem_shared>> -> memref<1x2x16xf32, #tpu.memory_space<vmem_shared>>
      %dma_start3A_932 = tpu.memref_squeeze %dma_start3A_931 : memref<1x2x16xf32, #tpu.memory_space<vmem_shared>> -> memref<2x16xf32, #tpu.memory_space<vmem_shared>>
      tpu.enqueue_dma source(%arg14 : memref<2x16xf32, #tpu.memory_space<vmem>>) target(%dma_start3A_932 : memref<2x16xf32, #tpu.memory_space<vmem_shared>>) target_semaphore(%run_scoped3A : memref<!tpu.dma_semaphore, #tpu.memory_space<semaphore_mem>>)
      %dma_wait3A_933 = arith.constant 0 : i32
      %dma_wait3A_934 = arith.constant 0 : i32
      %dma_wait3A_935 = tpu.memref_slice %arg16[%arg1, %dma_wait3A_933, %dma_wait3A_934] : memref<16x2x16xf32, #tpu.memory_space<vmem_shared>> -> memref<1x2x16xf32, #tpu.memory_space<vmem_shared>>
      %dma_wait3A_936 = tpu.memref_squeeze %dma_wait3A_935 : memref<1x2x16xf32, #tpu.memory_space<vmem_shared>> -> memref<2x16xf32, #tpu.memory_space<vmem_shared>>
      %dma_wait3A_937 = arith.constant 0 : i32
      %dma_wait3A_938 = arith.constant 0 : i32
      %dma_wait3A_939 = tpu.memref_slice %arg16[%arg1, %dma_wait3A_937, %dma_wait3A_938] : memref<16x2x16xf32, #tpu.memory_space<vmem_shared>> -> memref<1x2x16xf32, #tpu.memory_space<vmem_shared>>
      %dma_wait3A_940 = tpu.memref_squeeze %dma_wait3A_939 : memref<1x2x16xf32, #tpu.memory_space<vmem_shared>> -> memref<2x16xf32, #tpu.memory_space<vmem_shared>>
      tpu.wait_dma2 semaphore(%run_scoped3A : memref<!tpu.dma_semaphore, #tpu.memory_space<semaphore_mem>>) src(%arg14 : memref<2x16xf32, #tpu.memory_space<vmem>>) dst(%dma_wait3A_940 : memref<2x16xf32, #tpu.memory_space<vmem_shared>>)
      tpu.yield
    }) : () -> ()
    %barrier3A = arith.constant 0 : index
    tpu.barrier barrier_id(%barrier3A)
    "tpu.region"() ({
      %run_scoped3A = tpu.sem_alloc : memref<!tpu.dma_semaphore, #tpu.memory_space<semaphore_mem>>
      tpu.enqueue_dma source(%arg16 : memref<16x2x16xf32, #tpu.memory_space<vmem_shared>>) target(%arg15 : memref<16x2x16xf32, #tpu.memory_space<vmem>>) target_semaphore(%run_scoped3A : memref<!tpu.dma_semaphore, #tpu.memory_space<semaphore_mem>>)
      tpu.wait_dma2 semaphore(%run_scoped3A : memref<!tpu.dma_semaphore, #tpu.memory_space<semaphore_mem>>) src(%arg16 : memref<16x2x16xf32, #tpu.memory_space<vmem_shared>>) dst(%arg15 : memref<16x2x16xf32, #tpu.memory_space<vmem>>)
      tpu.yield
    }) : () -> ()
    %get3A = arith.constant 0 : i32
    %get3A_266 = arith.constant 0 : i32
    %get3A_267 = arith.index_cast %get3A : i32 to index
    %get3A_268 = arith.index_cast %get3A_266 : i32 to index
    %get3A_269 = arith.constant 0 : index
    %get3A_270 = tpu.vector_load %arg15[%get3A_267, %get3A_268, %get3A_269] {strides = array<i32>} : memref<16x2x16xf32, #tpu.memory_space<vmem>>, vector<16xf32>,
    %min3A_271 = arith.minimumf %min3A_256, %get3A_270 : vector<16xf32>
    %get3A_272 = arith.constant 0 : i32
    %get3A_273 = arith.constant 1 : i32
    %get3A_274 = arith.index_cast %get3A_272 : i32 to index
    %get3A_275 = arith.index_cast %get3A_273 : i32 to index
    %get3A_276 = arith.constant 0 : index
    %get3A_277 = tpu.vector_load %arg15[%get3A_274, %get3A_275, %get3A_276] {strides = array<i32>} : memref<16x2x16xf32, #tpu.memory_space<vmem>>, vector<16xf32>,
    %max3A_278 = arith.maximumf %max3A_257, %get3A_277 : vector<16xf32>
    %get3A_279 = arith.constant 1 : i32
    %get3A_280 = arith.constant 0 : i32
    %get3A_281 = arith.index_cast %get3A_279 : i32 to index
    %get3A_282 = arith.index_cast %get3A_280 : i32 to index
    %get3A_283 = arith.constant 0 : index
    %get3A_284 = tpu.vector_load %arg15[%get3A_281, %get3A_282, %get3A_283] {strides = array<i32>} : memref<16x2x16xf32, #tpu.memory_space<vmem>>, vector<16xf32>,
    %min3A_285 = arith.minimumf %min3A_271, %get3A_284 : vector<16xf32>
    %get3A_286 = arith.constant 1 : i32
    %get3A_287 = arith.constant 1 : i32
    %get3A_288 = arith.index_cast %get3A_286 : i32 to index
    %get3A_289 = arith.index_cast %get3A_287 : i32 to index
    %get3A_290 = arith.constant 0 : index
    %get3A_291 = tpu.vector_load %arg15[%get3A_288, %get3A_289, %get3A_290] {strides = array<i32>} : memref<16x2x16xf32, #tpu.memory_space<vmem>>, vector<16xf32>,
    %max3A_292 = arith.maximumf %max3A_278, %get3A_291 : vector<16xf32>
    %get3A_293 = arith.constant 2 : i32
    %get3A_294 = arith.constant 0 : i32
    %get3A_295 = arith.index_cast %get3A_293 : i32 to index
    %get3A_296 = arith.index_cast %get3A_294 : i32 to index
    %get3A_297 = arith.constant 0 : index
    %get3A_298 = tpu.vector_load %arg15[%get3A_295, %get3A_296, %get3A_297] {strides = array<i32>} : memref<16x2x16xf32, #tpu.memory_space<vmem>>, vector<16xf32>,
    %min3A_299 = arith.minimumf %min3A_285, %get3A_298 : vector<16xf32>
    %get3A_300 = arith.constant 2 : i32
    %get3A_301 = arith.constant 1 : i32
    %get3A_302 = arith.index_cast %get3A_300 : i32 to index
    %get3A_303 = arith.index_cast %get3A_301 : i32 to index
    %get3A_304 = arith.constant 0 : index
    %get3A_305 = tpu.vector_load %arg15[%get3A_302, %get3A_303, %get3A_304] {strides = array<i32>} : memref<16x2x16xf32, #tpu.memory_space<vmem>>, vector<16xf32>,
    %max3A_306 = arith.maximumf %max3A_292, %get3A_305 : vector<16xf32>
    %get3A_307 = arith.constant 3 : i32
    %get3A_308 = arith.constant 0 : i32
    %get3A_309 = arith.index_cast %get3A_307 : i32 to index
    %get3A_310 = arith.index_cast %get3A_308 : i32 to index
    %get3A_311 = arith.constant 0 : index
    %get3A_312 = tpu.vector_load %arg15[%get3A_309, %get3A_310, %get3A_311] {strides = array<i32>} : memref<16x2x16xf32, #tpu.memory_space<vmem>>, vector<16xf32>,
    %min3A_313 = arith.minimumf %min3A_299, %get3A_312 : vector<16xf32>
    %get3A_314 = arith.constant 3 : i32
    %get3A_315 = arith.constant 1 : i32
    %get3A_316 = arith.index_cast %get3A_314 : i32 to index
    %get3A_317 = arith.index_cast %get3A_315 : i32 to index
    %get3A_318 = arith.constant 0 : index
    %get3A_319 = tpu.vector_load %arg15[%get3A_316, %get3A_317, %get3A_318] {strides = array<i32>} : memref<16x2x16xf32, #tpu.memory_space<vmem>>, vector<16xf32>,
    %max3A_320 = arith.maximumf %max3A_306, %get3A_319 : vector<16xf32>
    %get3A_321 = arith.constant 4 : i32
    %get3A_322 = arith.constant 0 : i32
    %get3A_323 = arith.index_cast %get3A_321 : i32 to index
    %get3A_324 = arith.index_cast %get3A_322 : i32 to index
    %get3A_325 = arith.constant 0 : index
    %get3A_326 = tpu.vector_load %arg15[%get3A_323, %get3A_324, %get3A_325] {strides = array<i32>} : memref<16x2x16xf32, #tpu.memory_space<vmem>>, vector<16xf32>,
    %min3A_327 = arith.minimumf %min3A_313, %get3A_326 : vector<16xf32>
    %get3A_328 = arith.constant 4 : i32
    %get3A_329 = arith.constant 1 : i32
    %get3A_330 = arith.index_cast %get3A_328 : i32 to index
    %get3A_331 = arith.index_cast %get3A_329 : i32 to index
    %get3A_332 = arith.constant 0 : index
    %get3A_333 = tpu.vector_load %arg15[%get3A_330, %get3A_331, %get3A_332] {strides = array<i32>} : memref<16x2x16xf32, #tpu.memory_space<vmem>>, vector<16xf32>,
    %max3A_334 = arith.maximumf %max3A_320, %get3A_333 : vector<16xf32>
    %get3A_335 = arith.constant 5 : i32
    %get3A_336 = arith.constant 0 : i32
    %get3A_337 = arith.index_cast %get3A_335 : i32 to index
    %get3A_338 = arith.index_cast %get3A_336 : i32 to index
    %get3A_339 = arith.constant 0 : index
    %get3A_340 = tpu.vector_load %arg15[%get3A_337, %get3A_338, %get3A_339] {strides = array<i32>} : memref<16x2x16xf32, #tpu.memory_space<vmem>>, vector<16xf32>,
    %min3A_341 = arith.minimumf %min3A_327, %get3A_340 : vector<16xf32>
    %get3A_342 = arith.constant 5 : i32
    %get3A_343 = arith.constant 1 : i32
    %get3A_344 = arith.index_cast %get3A_342 : i32 to index
    %get3A_345 = arith.index_cast %get3A_343 : i32 to index
    %get3A_346 = arith.constant 0 : index
    %get3A_347 = tpu.vector_load %arg15[%get3A_344, %get3A_345, %get3A_346] {strides = array<i32>} : memref<16x2x16xf32, #tpu.memory_space<vmem>>, vector<16xf32>,
    %max3A_348 = arith.maximumf %max3A_334, %get3A_347 : vector<16xf32>
    %get3A_349 = arith.constant 6 : i32
    %get3A_350 = arith.constant 0 : i32
    %get3A_351 = arith.index_cast %get3A_349 : i32 to index
    %get3A_352 = arith.index_cast %get3A_350 : i32 to index
    %get3A_353 = arith.constant 0 : index
    %get3A_354 = tpu.vector_load %arg15[%get3A_351, %get3A_352, %get3A_353] {strides = array<i32>} : memref<16x2x16xf32, #tpu.memory_space<vmem>>, vector<16xf32>,
    %min3A_355 = arith.minimumf %min3A_341, %get3A_354 : vector<16xf32>
    %get3A_356 = arith.constant 6 : i32
    %get3A_357 = arith.constant 1 : i32
    %get3A_358 = arith.index_cast %get3A_356 : i32 to index
    %get3A_359 = arith.index_cast %get3A_357 : i32 to index
    %get3A_360 = arith.constant 0 : index
    %get3A_361 = tpu.vector_load %arg15[%get3A_358, %get3A_359, %get3A_360] {strides = array<i32>} : memref<16x2x16xf32, #tpu.memory_space<vmem>>, vector<16xf32>,
    %max3A_362 = arith.maximumf %max3A_348, %get3A_361 : vector<16xf32>
    %get3A_363 = arith.constant 7 : i32
    %get3A_364 = arith.constant 0 : i32
    %get3A_365 = arith.index_cast %get3A_363 : i32 to index
    %get3A_366 = arith.index_cast %get3A_364 : i32 to index
    %get3A_367 = arith.constant 0 : index
    %get3A_368 = tpu.vector_load %arg15[%get3A_365, %get3A_366, %get3A_367] {strides = array<i32>} : memref<16x2x16xf32, #tpu.memory_space<vmem>>, vector<16xf32>,
    %min3A_369 = arith.minimumf %min3A_355, %get3A_368 : vector<16xf32>
    %get3A_370 = arith.constant 7 : i32
    %get3A_371 = arith.constant 1 : i32
    %get3A_372 = arith.index_cast %get3A_370 : i32 to index
    %get3A_373 = arith.index_cast %get3A_371 : i32 to index
    %get3A_374 = arith.constant 0 : index
    %get3A_375 = tpu.vector_load %arg15[%get3A_372, %get3A_373, %get3A_374] {strides = array<i32>} : memref<16x2x16xf32, #tpu.memory_space<vmem>>, vector<16xf32>,
    %max3A_376 = arith.maximumf %max3A_362, %get3A_375 : vector<16xf32>
    %get3A_377 = arith.constant 8 : i32
    %get3A_378 = arith.constant 0 : i32
    %get3A_379 = arith.index_cast %get3A_377 : i32 to index
    %get3A_380 = arith.index_cast %get3A_378 : i32 to index
    %get3A_381 = arith.constant 0 : index
    %get3A_382 = tpu.vector_load %arg15[%get3A_379, %get3A_380, %get3A_381] {strides = array<i32>} : memref<16x2x16xf32, #tpu.memory_space<vmem>>, vector<16xf32>,
    %min3A_383 = arith.minimumf %min3A_369, %get3A_382 : vector<16xf32>
    %get3A_384 = arith.constant 8 : i32
    %get3A_385 = arith.constant 1 : i32
    %get3A_386 = arith.index_cast %get3A_384 : i32 to index
    %get3A_387 = arith.index_cast %get3A_385 : i32 to index
    %get3A_388 = arith.constant 0 : index
    %get3A_389 = tpu.vector_load %arg15[%get3A_386, %get3A_387, %get3A_388] {strides = array<i32>} : memref<16x2x16xf32, #tpu.memory_space<vmem>>, vector<16xf32>,
    %max3A_390 = arith.maximumf %max3A_376, %get3A_389 : vector<16xf32>
    %get3A_391 = arith.constant 9 : i32
    %get3A_392 = arith.constant 0 : i32
    %get3A_393 = arith.index_cast %get3A_391 : i32 to index
    %get3A_394 = arith.index_cast %get3A_392 : i32 to index
    %get3A_395 = arith.constant 0 : index
    %get3A_396 = tpu.vector_load %arg15[%get3A_393, %get3A_394, %get3A_395] {strides = array<i32>} : memref<16x2x16xf32, #tpu.memory_space<vmem>>, vector<16xf32>,
    %min3A_397 = arith.minimumf %min3A_383, %get3A_396 : vector<16xf32>
    %get3A_398 = arith.constant 9 : i32
    %get3A_399 = arith.constant 1 : i32
    %get3A_400 = arith.index_cast %get3A_398 : i32 to index
    %get3A_401 = arith.index_cast %get3A_399 : i32 to index
    %get3A_402 = arith.constant 0 : index
    %get3A_403 = tpu.vector_load %arg15[%get3A_400, %get3A_401, %get3A_402] {strides = array<i32>} : memref<16x2x16xf32, #tpu.memory_space<vmem>>, vector<16xf32>,
    %max3A_404 = arith.maximumf %max3A_390, %get3A_403 : vector<16xf32>
    %get3A_405 = arith.constant 10 : i32
    %get3A_406 = arith.constant 0 : i32
    %get3A_407 = arith.index_cast %get3A_405 : i32 to index
    %get3A_408 = arith.index_cast %get3A_406 : i32 to index
    %get3A_409 = arith.constant 0 : index
    %get3A_410 = tpu.vector_load %arg15[%get3A_407, %get3A_408, %get3A_409] {strides = array<i32>} : memref<16x2x16xf32, #tpu.memory_space<vmem>>, vector<16xf32>,
    %min3A_411 = arith.minimumf %min3A_397, %get3A_410 : vector<16xf32>
    %get3A_412 = arith.constant 10 : i32
    %get3A_413 = arith.constant 1 : i32
    %get3A_414 = arith.index_cast %get3A_412 : i32 to index
    %get3A_415 = arith.index_cast %get3A_413 : i32 to index
    %get3A_416 = arith.constant 0 : index
    %get3A_417 = tpu.vector_load %arg15[%get3A_414, %get3A_415, %get3A_416] {strides = array<i32>} : memref<16x2x16xf32, #tpu.memory_space<vmem>>, vector<16xf32>,
    %max3A_418 = arith.maximumf %max3A_404, %get3A_417 : vector<16xf32>
    %get3A_419 = arith.constant 11 : i32
    %get3A_420 = arith.constant 0 : i32
    %get3A_421 = arith.index_cast %get3A_419 : i32 to index
    %get3A_422 = arith.index_cast %get3A_420 : i32 to index
    %get3A_423 = arith.constant 0 : index
    %get3A_424 = tpu.vector_load %arg15[%get3A_421, %get3A_422, %get3A_423] {strides = array<i32>} : memref<16x2x16xf32, #tpu.memory_space<vmem>>, vector<16xf32>,
    %min3A_425 = arith.minimumf %min3A_411, %get3A_424 : vector<16xf32>
    %get3A_426 = arith.constant 11 : i32
    %get3A_427 = arith.constant 1 : i32
    %get3A_428 = arith.index_cast %get3A_426 : i32 to index
    %get3A_429 = arith.index_cast %get3A_427 : i32 to index
    %get3A_430 = arith.constant 0 : index
    %get3A_431 = tpu.vector_load %arg15[%get3A_428, %get3A_429, %get3A_430] {strides = array<i32>} : memref<16x2x16xf32, #tpu.memory_space<vmem>>, vector<16xf32>,
    %max3A_432 = arith.maximumf %max3A_418, %get3A_431 : vector<16xf32>
    %get3A_433 = arith.constant 12 : i32
    %get3A_434 = arith.constant 0 : i32
    %get3A_435 = arith.index_cast %get3A_433 : i32 to index
    %get3A_436 = arith.index_cast %get3A_434 : i32 to index
    %get3A_437 = arith.constant 0 : index
    %get3A_438 = tpu.vector_load %arg15[%get3A_435, %get3A_436, %get3A_437] {strides = array<i32>} : memref<16x2x16xf32, #tpu.memory_space<vmem>>, vector<16xf32>,
    %min3A_439 = arith.minimumf %min3A_425, %get3A_438 : vector<16xf32>
    %get3A_440 = arith.constant 12 : i32
    %get3A_441 = arith.constant 1 : i32
    %get3A_442 = arith.index_cast %get3A_440 : i32 to index
    %get3A_443 = arith.index_cast %get3A_441 : i32 to index
    %get3A_444 = arith.constant 0 : index
    %get3A_445 = tpu.vector_load %arg15[%get3A_442, %get3A_443, %get3A_444] {strides = array<i32>} : memref<16x2x16xf32, #tpu.memory_space<vmem>>, vector<16xf32>,
    %max3A_446 = arith.maximumf %max3A_432, %get3A_445 : vector<16xf32>
    %get3A_447 = arith.constant 13 : i32
    %get3A_448 = arith.constant 0 : i32
    %get3A_449 = arith.index_cast %get3A_447 : i32 to index
    %get3A_450 = arith.index_cast %get3A_448 : i32 to index
    %get3A_451 = arith.constant 0 : index
    %get3A_452 = tpu.vector_load %arg15[%get3A_449, %get3A_450, %get3A_451] {strides = array<i32>} : memref<16x2x16xf32, #tpu.memory_space<vmem>>, vector<16xf32>,
    %min3A_453 = arith.minimumf %min3A_439, %get3A_452 : vector<16xf32>
    %get3A_454 = arith.constant 13 : i32
    %get3A_455 = arith.constant 1 : i32
    %get3A_456 = arith.index_cast %get3A_454 : i32 to index
    %get3A_457 = arith.index_cast %get3A_455 : i32 to index
    %get3A_458 = arith.constant 0 : index
    %get3A_459 = tpu.vector_load %arg15[%get3A_456, %get3A_457, %get3A_458] {strides = array<i32>} : memref<16x2x16xf32, #tpu.memory_space<vmem>>, vector<16xf32>,
    %max3A_460 = arith.maximumf %max3A_446, %get3A_459 : vector<16xf32>
    %get3A_461 = arith.constant 14 : i32
    %get3A_462 = arith.constant 0 : i32
    %get3A_463 = arith.index_cast %get3A_461 : i32 to index
    %get3A_464 = arith.index_cast %get3A_462 : i32 to index
    %get3A_465 = arith.constant 0 : index
    %get3A_466 = tpu.vector_load %arg15[%get3A_463, %get3A_464, %get3A_465] {strides = array<i32>} : memref<16x2x16xf32, #tpu.memory_space<vmem>>, vector<16xf32>,
    %min3A_467 = arith.minimumf %min3A_453, %get3A_466 : vector<16xf32>
    %get3A_468 = arith.constant 14 : i32
    %get3A_469 = arith.constant 1 : i32
    %get3A_470 = arith.index_cast %get3A_468 : i32 to index
    %get3A_471 = arith.index_cast %get3A_469 : i32 to index
    %get3A_472 = arith.constant 0 : index
    %get3A_473 = tpu.vector_load %arg15[%get3A_470, %get3A_471, %get3A_472] {strides = array<i32>} : memref<16x2x16xf32, #tpu.memory_space<vmem>>, vector<16xf32>,
    %max3A_474 = arith.maximumf %max3A_460, %get3A_473 : vector<16xf32>
    %get3A_475 = arith.constant 15 : i32
    %get3A_476 = arith.constant 0 : i32
    %get3A_477 = arith.index_cast %get3A_475 : i32 to index
    %get3A_478 = arith.index_cast %get3A_476 : i32 to index
    %get3A_479 = arith.constant 0 : index
    %get3A_480 = tpu.vector_load %arg15[%get3A_477, %get3A_478, %get3A_479] {strides = array<i32>} : memref<16x2x16xf32, #tpu.memory_space<vmem>>, vector<16xf32>,
    %min3A_481 = arith.minimumf %min3A_467, %get3A_480 : vector<16xf32>
    %get3A_482 = arith.constant 15 : i32
    %get3A_483 = arith.constant 1 : i32
    %get3A_484 = arith.index_cast %get3A_482 : i32 to index
    %get3A_485 = arith.index_cast %get3A_483 : i32 to index
    %get3A_486 = arith.constant 0 : index
    %get3A_487 = tpu.vector_load %arg15[%get3A_484, %get3A_485, %get3A_486] {strides = array<i32>} : memref<16x2x16xf32, #tpu.memory_space<vmem>>, vector<16xf32>,
    %max3A_488 = arith.maximumf %max3A_474, %get3A_487 : vector<16xf32>
    %reduce_min3A = arith.constant true
    %reduce_min3A_489 = vector.broadcast %reduce_min3A : i1 to vector<16xi1>
    %reduce_min3A_490 = tpu.scan <min>, %min3A_481 masked %reduce_min3A_489 : vector<16xf32>, vector<16xi1> -> vector<16xf32>
    %reduce_min3A_491 = vector.extract %reduce_min3A_490[15] : f32 from vector<16xf32>
    %broadcast_in_dim3A_492 = vector.broadcast %reduce_min3A_491 : f32 to vector<16xf32>
    %reduce_max3A = arith.constant true
    %reduce_max3A_493 = vector.broadcast %reduce_max3A : i1 to vector<16xi1>
    %reduce_max3A_494 = tpu.scan <max>, %max3A_488 masked %reduce_max3A_493 : vector<16xf32>, vector<16xi1> -> vector<16xf32>
    %reduce_max3A_495 = vector.extract %reduce_max3A_494[15] : f32 from vector<16xf32>
    %broadcast_in_dim3A_496 = vector.broadcast %reduce_max3A_495 : f32 to vector<16xf32>
    %sub3A = arith.subf %broadcast_in_dim3A_496, %broadcast_in_dim3A_492 : vector<16xf32>
    %div3A = arith.constant 3.276800e+04 : f32
    %div3A_497 = vector.broadcast %div3A : f32 to vector<16xf32>
    %div3A_498 = arith.divf %div3A_497, %sub3A : vector<16xf32>
    %get3A_499 = arith.constant 0 : index
    %get3A_500 = tpu.vector_load %arg7[%get3A_499] {strides = array<i32>} : memref<528xf32, #tpu.memory_space<vmem>>, vector<16xf32>,
    %mul3A_501 = arith.mulf %get3A_500, %sub3A : vector<16xf32>
    %add3A_502 = arith.addf %mul3A_501, %broadcast_in_dim3A_492 : vector<16xf32>
    %swap3A_503 = arith.constant 0 : index
    %swap3A_504 = tpu.vector_load %arg7[%swap3A_503] {strides = array<i32>} : memref<528xf32, #tpu.memory_space<vmem>>, vector<16xf32>,
    tpu.vector_store %arg7[%swap3A_503], %add3A_502 {strides = array<i32>} : memref<528xf32, #tpu.memory_space<vmem>>, vector<16xf32>,
    %get3A_505 = arith.constant 16 : index
    %get3A_506 = tpu.vector_load %arg7[%get3A_505] {strides = array<i32>} : memref<528xf32, #tpu.memory_space<vmem>>, vector<16xf32>,
    %mul3A_507 = arith.mulf %get3A_506, %sub3A : vector<16xf32>
    %add3A_508 = arith.addf %mul3A_507, %broadcast_in_dim3A_492 : vector<16xf32>
    %swap3A_509 = arith.constant 16 : index
    %swap3A_510 = tpu.vector_load %arg7[%swap3A_509] {strides = array<i32>} : memref<528xf32, #tpu.memory_space<vmem>>, vector<16xf32>,
    tpu.vector_store %arg7[%swap3A_509], %add3A_508 {strides = array<i32>} : memref<528xf32, #tpu.memory_space<vmem>>, vector<16xf32>,
    %get3A_511 = arith.constant 32 : index
    %get3A_512 = tpu.vector_load %arg7[%get3A_511] {strides = array<i32>} : memref<528xf32, #tpu.memory_space<vmem>>, vector<16xf32>,
    %mul3A_513 = arith.mulf %get3A_512, %sub3A : vector<16xf32>
    %add3A_514 = arith.addf %mul3A_513, %broadcast_in_dim3A_492 : vector<16xf32>
    %swap3A_515 = arith.constant 32 : index
    %swap3A_516 = tpu.vector_load %arg7[%swap3A_515] {strides = array<i32>} : memref<528xf32, #tpu.memory_space<vmem>>, vector<16xf32>,
    tpu.vector_store %arg7[%swap3A_515], %add3A_514 {strides = array<i32>} : memref<528xf32, #tpu.memory_space<vmem>>, vector<16xf32>,
    %get3A_517 = arith.constant 48 : index
    %get3A_518 = tpu.vector_load %arg7[%get3A_517] {strides = array<i32>} : memref<528xf32, #tpu.memory_space<vmem>>, vector<16xf32>,
    %mul3A_519 = arith.mulf %get3A_518, %sub3A : vector<16xf32>
    %add3A_520 = arith.addf %mul3A_519, %broadcast_in_dim3A_492 : vector<16xf32>
    %swap3A_521 = arith.constant 48 : index
    %swap3A_522 = tpu.vector_load %arg7[%swap3A_521] {strides = array<i32>} : memref<528xf32, #tpu.memory_space<vmem>>, vector<16xf32>,
    tpu.vector_store %arg7[%swap3A_521], %add3A_520 {strides = array<i32>} : memref<528xf32, #tpu.memory_space<vmem>>, vector<16xf32>,
    %get3A_523 = arith.constant 64 : index
    %get3A_524 = tpu.vector_load %arg7[%get3A_523] {strides = array<i32>} : memref<528xf32, #tpu.memory_space<vmem>>, vector<16xf32>,
    %mul3A_525 = arith.mulf %get3A_524, %sub3A : vector<16xf32>
    %add3A_526 = arith.addf %mul3A_525, %broadcast_in_dim3A_492 : vector<16xf32>
    %swap3A_527 = arith.constant 64 : index
    %swap3A_528 = tpu.vector_load %arg7[%swap3A_527] {strides = array<i32>} : memref<528xf32, #tpu.memory_space<vmem>>, vector<16xf32>,
    tpu.vector_store %arg7[%swap3A_527], %add3A_526 {strides = array<i32>} : memref<528xf32, #tpu.memory_space<vmem>>, vector<16xf32>,
    %get3A_529 = arith.constant 80 : index
    %get3A_530 = tpu.vector_load %arg7[%get3A_529] {strides = array<i32>} : memref<528xf32, #tpu.memory_space<vmem>>, vector<16xf32>,
    %mul3A_531 = arith.mulf %get3A_530, %sub3A : vector<16xf32>
    %add3A_532 = arith.addf %mul3A_531, %broadcast_in_dim3A_492 : vector<16xf32>
    %swap3A_533 = arith.constant 80 : index
    %swap3A_534 = tpu.vector_load %arg7[%swap3A_533] {strides = array<i32>} : memref<528xf32, #tpu.memory_space<vmem>>, vector<16xf32>,
    tpu.vector_store %arg7[%swap3A_533], %add3A_532 {strides = array<i32>} : memref<528xf32, #tpu.memory_space<vmem>>, vector<16xf32>,
    %get3A_535 = arith.constant 96 : index
    %get3A_536 = tpu.vector_load %arg7[%get3A_535] {strides = array<i32>} : memref<528xf32, #tpu.memory_space<vmem>>, vector<16xf32>,
    %mul3A_537 = arith.mulf %get3A_536, %sub3A : vector<16xf32>
    %add3A_538 = arith.addf %mul3A_537, %broadcast_in_dim3A_492 : vector<16xf32>
    %swap3A_539 = arith.constant 96 : index
    %swap3A_540 = tpu.vector_load %arg7[%swap3A_539] {strides = array<i32>} : memref<528xf32, #tpu.memory_space<vmem>>, vector<16xf32>,
    tpu.vector_store %arg7[%swap3A_539], %add3A_538 {strides = array<i32>} : memref<528xf32, #tpu.memory_space<vmem>>, vector<16xf32>,
    %get3A_541 = arith.constant 112 : index
    %get3A_542 = tpu.vector_load %arg7[%get3A_541] {strides = array<i32>} : memref<528xf32, #tpu.memory_space<vmem>>, vector<16xf32>,
    %mul3A_543 = arith.mulf %get3A_542, %sub3A : vector<16xf32>
    %add3A_544 = arith.addf %mul3A_543, %broadcast_in_dim3A_492 : vector<16xf32>
    %swap3A_545 = arith.constant 112 : index
    %swap3A_546 = tpu.vector_load %arg7[%swap3A_545] {strides = array<i32>} : memref<528xf32, #tpu.memory_space<vmem>>, vector<16xf32>,
    tpu.vector_store %arg7[%swap3A_545], %add3A_544 {strides = array<i32>} : memref<528xf32, #tpu.memory_space<vmem>>, vector<16xf32>,
    %get3A_547 = arith.constant 128 : index
    %get3A_548 = tpu.vector_load %arg7[%get3A_547] {strides = array<i32>} : memref<528xf32, #tpu.memory_space<vmem>>, vector<16xf32>,
    %mul3A_549 = arith.mulf %get3A_548, %sub3A : vector<16xf32>
    %add3A_550 = arith.addf %mul3A_549, %broadcast_in_dim3A_492 : vector<16xf32>
    %swap3A_551 = arith.constant 128 : index
    %swap3A_552 = tpu.vector_load %arg7[%swap3A_551] {strides = array<i32>} : memref<528xf32, #tpu.memory_space<vmem>>, vector<16xf32>,
    tpu.vector_store %arg7[%swap3A_551], %add3A_550 {strides = array<i32>} : memref<528xf32, #tpu.memory_space<vmem>>, vector<16xf32>,
    %get3A_553 = arith.constant 144 : index
    %get3A_554 = tpu.vector_load %arg7[%get3A_553] {strides = array<i32>} : memref<528xf32, #tpu.memory_space<vmem>>, vector<16xf32>,
    %mul3A_555 = arith.mulf %get3A_554, %sub3A : vector<16xf32>
    %add3A_556 = arith.addf %mul3A_555, %broadcast_in_dim3A_492 : vector<16xf32>
    %swap3A_557 = arith.constant 144 : index
    %swap3A_558 = tpu.vector_load %arg7[%swap3A_557] {strides = array<i32>} : memref<528xf32, #tpu.memory_space<vmem>>, vector<16xf32>,
    tpu.vector_store %arg7[%swap3A_557], %add3A_556 {strides = array<i32>} : memref<528xf32, #tpu.memory_space<vmem>>, vector<16xf32>,
    %get3A_559 = arith.constant 160 : index
    %get3A_560 = tpu.vector_load %arg7[%get3A_559] {strides = array<i32>} : memref<528xf32, #tpu.memory_space<vmem>>, vector<16xf32>,
    %mul3A_561 = arith.mulf %get3A_560, %sub3A : vector<16xf32>
    %add3A_562 = arith.addf %mul3A_561, %broadcast_in_dim3A_492 : vector<16xf32>
    %swap3A_563 = arith.constant 160 : index
    %swap3A_564 = tpu.vector_load %arg7[%swap3A_563] {strides = array<i32>} : memref<528xf32, #tpu.memory_space<vmem>>, vector<16xf32>,
    tpu.vector_store %arg7[%swap3A_563], %add3A_562 {strides = array<i32>} : memref<528xf32, #tpu.memory_space<vmem>>, vector<16xf32>,
    %get3A_565 = arith.constant 176 : index
    %get3A_566 = tpu.vector_load %arg7[%get3A_565] {strides = array<i32>} : memref<528xf32, #tpu.memory_space<vmem>>, vector<16xf32>,
    %mul3A_567 = arith.mulf %get3A_566, %sub3A : vector<16xf32>
    %add3A_568 = arith.addf %mul3A_567, %broadcast_in_dim3A_492 : vector<16xf32>
    %swap3A_569 = arith.constant 176 : index
    %swap3A_570 = tpu.vector_load %arg7[%swap3A_569] {strides = array<i32>} : memref<528xf32, #tpu.memory_space<vmem>>, vector<16xf32>,
    tpu.vector_store %arg7[%swap3A_569], %add3A_568 {strides = array<i32>} : memref<528xf32, #tpu.memory_space<vmem>>, vector<16xf32>,
    %get3A_571 = arith.constant 192 : index
    %get3A_572 = tpu.vector_load %arg7[%get3A_571] {strides = array<i32>} : memref<528xf32, #tpu.memory_space<vmem>>, vector<16xf32>,
    %mul3A_573 = arith.mulf %get3A_572, %sub3A : vector<16xf32>
    %add3A_574 = arith.addf %mul3A_573, %broadcast_in_dim3A_492 : vector<16xf32>
    %swap3A_575 = arith.constant 192 : index
    %swap3A_576 = tpu.vector_load %arg7[%swap3A_575] {strides = array<i32>} : memref<528xf32, #tpu.memory_space<vmem>>, vector<16xf32>,
    tpu.vector_store %arg7[%swap3A_575], %add3A_574 {strides = array<i32>} : memref<528xf32, #tpu.memory_space<vmem>>, vector<16xf32>,
    %get3A_577 = arith.constant 208 : index
    %get3A_578 = tpu.vector_load %arg7[%get3A_577] {strides = array<i32>} : memref<528xf32, #tpu.memory_space<vmem>>, vector<16xf32>,
    %mul3A_579 = arith.mulf %get3A_578, %sub3A : vector<16xf32>
    %add3A_580 = arith.addf %mul3A_579, %broadcast_in_dim3A_492 : vector<16xf32>
    %swap3A_581 = arith.constant 208 : index
    %swap3A_582 = tpu.vector_load %arg7[%swap3A_581] {strides = array<i32>} : memref<528xf32, #tpu.memory_space<vmem>>, vector<16xf32>,
    tpu.vector_store %arg7[%swap3A_581], %add3A_580 {strides = array<i32>} : memref<528xf32, #tpu.memory_space<vmem>>, vector<16xf32>,
    %get3A_583 = arith.constant 224 : index
    %get3A_584 = tpu.vector_load %arg7[%get3A_583] {strides = array<i32>} : memref<528xf32, #tpu.memory_space<vmem>>, vector<16xf32>,
    %mul3A_585 = arith.mulf %get3A_584, %sub3A : vector<16xf32>
    %add3A_586 = arith.addf %mul3A_585, %broadcast_in_dim3A_492 : vector<16xf32>
    %swap3A_587 = arith.constant 224 : index
    %swap3A_588 = tpu.vector_load %arg7[%swap3A_587] {strides = array<i32>} : memref<528xf32, #tpu.memory_space<vmem>>, vector<16xf32>,
    tpu.vector_store %arg7[%swap3A_587], %add3A_586 {strides = array<i32>} : memref<528xf32, #tpu.memory_space<vmem>>, vector<16xf32>,
    %get3A_589 = arith.constant 240 : index
    %get3A_590 = tpu.vector_load %arg7[%get3A_589] {strides = array<i32>} : memref<528xf32, #tpu.memory_space<vmem>>, vector<16xf32>,
    %mul3A_591 = arith.mulf %get3A_590, %sub3A : vector<16xf32>
    %add3A_592 = arith.addf %mul3A_591, %broadcast_in_dim3A_492 : vector<16xf32>
    %swap3A_593 = arith.constant 240 : index
    %swap3A_594 = tpu.vector_load %arg7[%swap3A_593] {strides = array<i32>} : memref<528xf32, #tpu.memory_space<vmem>>, vector<16xf32>,
    tpu.vector_store %arg7[%swap3A_593], %add3A_592 {strides = array<i32>} : memref<528xf32, #tpu.memory_space<vmem>>, vector<16xf32>,
    %get3A_595 = arith.constant 256 : index
    %get3A_596 = tpu.vector_load %arg7[%get3A_595] {strides = array<i32>} : memref<528xf32, #tpu.memory_space<vmem>>, vector<16xf32>,
    %mul3A_597 = arith.mulf %get3A_596, %sub3A : vector<16xf32>
    %add3A_598 = arith.addf %mul3A_597, %broadcast_in_dim3A_492 : vector<16xf32>
    %swap3A_599 = arith.constant 256 : index
    %swap3A_600 = tpu.vector_load %arg7[%swap3A_599] {strides = array<i32>} : memref<528xf32, #tpu.memory_space<vmem>>, vector<16xf32>,
    tpu.vector_store %arg7[%swap3A_599], %add3A_598 {strides = array<i32>} : memref<528xf32, #tpu.memory_space<vmem>>, vector<16xf32>,
    %get3A_601 = arith.constant 272 : index
    %get3A_602 = tpu.vector_load %arg7[%get3A_601] {strides = array<i32>} : memref<528xf32, #tpu.memory_space<vmem>>, vector<16xf32>,
    %mul3A_603 = arith.mulf %get3A_602, %sub3A : vector<16xf32>
    %add3A_604 = arith.addf %mul3A_603, %broadcast_in_dim3A_492 : vector<16xf32>
    %swap3A_605 = arith.constant 272 : index
    %swap3A_606 = tpu.vector_load %arg7[%swap3A_605] {strides = array<i32>} : memref<528xf32, #tpu.memory_space<vmem>>, vector<16xf32>,
    tpu.vector_store %arg7[%swap3A_605], %add3A_604 {strides = array<i32>} : memref<528xf32, #tpu.memory_space<vmem>>, vector<16xf32>,
    %get3A_607 = arith.constant 288 : index
    %get3A_608 = tpu.vector_load %arg7[%get3A_607] {strides = array<i32>} : memref<528xf32, #tpu.memory_space<vmem>>, vector<16xf32>,
    %mul3A_609 = arith.mulf %get3A_608, %sub3A : vector<16xf32>
    %add3A_610 = arith.addf %mul3A_609, %broadcast_in_dim3A_492 : vector<16xf32>
    %swap3A_611 = arith.constant 288 : index
    %swap3A_612 = tpu.vector_load %arg7[%swap3A_611] {strides = array<i32>} : memref<528xf32, #tpu.memory_space<vmem>>, vector<16xf32>,
    tpu.vector_store %arg7[%swap3A_611], %add3A_610 {strides = array<i32>} : memref<528xf32, #tpu.memory_space<vmem>>, vector<16xf32>,
    %get3A_613 = arith.constant 304 : index
    %get3A_614 = tpu.vector_load %arg7[%get3A_613] {strides = array<i32>} : memref<528xf32, #tpu.memory_space<vmem>>, vector<16xf32>,
    %mul3A_615 = arith.mulf %get3A_614, %sub3A : vector<16xf32>
    %add3A_616 = arith.addf %mul3A_615, %broadcast_in_dim3A_492 : vector<16xf32>
    %swap3A_617 = arith.constant 304 : index
    %swap3A_618 = tpu.vector_load %arg7[%swap3A_617] {strides = array<i32>} : memref<528xf32, #tpu.memory_space<vmem>>, vector<16xf32>,
    tpu.vector_store %arg7[%swap3A_617], %add3A_616 {strides = array<i32>} : memref<528xf32, #tpu.memory_space<vmem>>, vector<16xf32>,
    %get3A_619 = arith.constant 320 : index
    %get3A_620 = tpu.vector_load %arg7[%get3A_619] {strides = array<i32>} : memref<528xf32, #tpu.memory_space<vmem>>, vector<16xf32>,
    %mul3A_621 = arith.mulf %get3A_620, %sub3A : vector<16xf32>
    %add3A_622 = arith.addf %mul3A_621, %broadcast_in_dim3A_492 : vector<16xf32>
    %swap3A_623 = arith.constant 320 : index
    %swap3A_624 = tpu.vector_load %arg7[%swap3A_623] {strides = array<i32>} : memref<528xf32, #tpu.memory_space<vmem>>, vector<16xf32>,
    tpu.vector_store %arg7[%swap3A_623], %add3A_622 {strides = array<i32>} : memref<528xf32, #tpu.memory_space<vmem>>, vector<16xf32>,
    %get3A_625 = arith.constant 336 : index
    %get3A_626 = tpu.vector_load %arg7[%get3A_625] {strides = array<i32>} : memref<528xf32, #tpu.memory_space<vmem>>, vector<16xf32>,
    %mul3A_627 = arith.mulf %get3A_626, %sub3A : vector<16xf32>
    %add3A_628 = arith.addf %mul3A_627, %broadcast_in_dim3A_492 : vector<16xf32>
    %swap3A_629 = arith.constant 336 : index
    %swap3A_630 = tpu.vector_load %arg7[%swap3A_629] {strides = array<i32>} : memref<528xf32, #tpu.memory_space<vmem>>, vector<16xf32>,
    tpu.vector_store %arg7[%swap3A_629], %add3A_628 {strides = array<i32>} : memref<528xf32, #tpu.memory_space<vmem>>, vector<16xf32>,
    %get3A_631 = arith.constant 352 : index
    %get3A_632 = tpu.vector_load %arg7[%get3A_631] {strides = array<i32>} : memref<528xf32, #tpu.memory_space<vmem>>, vector<16xf32>,
    %mul3A_633 = arith.mulf %get3A_632, %sub3A : vector<16xf32>
    %add3A_634 = arith.addf %mul3A_633, %broadcast_in_dim3A_492 : vector<16xf32>
    %swap3A_635 = arith.constant 352 : index
    %swap3A_636 = tpu.vector_load %arg7[%swap3A_635] {strides = array<i32>} : memref<528xf32, #tpu.memory_space<vmem>>, vector<16xf32>,
    tpu.vector_store %arg7[%swap3A_635], %add3A_634 {strides = array<i32>} : memref<528xf32, #tpu.memory_space<vmem>>, vector<16xf32>,
    %get3A_637 = arith.constant 368 : index
    %get3A_638 = tpu.vector_load %arg7[%get3A_637] {strides = array<i32>} : memref<528xf32, #tpu.memory_space<vmem>>, vector<16xf32>,
    %mul3A_639 = arith.mulf %get3A_638, %sub3A : vector<16xf32>
    %add3A_640 = arith.addf %mul3A_639, %broadcast_in_dim3A_492 : vector<16xf32>
    %swap3A_641 = arith.constant 368 : index
    %swap3A_642 = tpu.vector_load %arg7[%swap3A_641] {strides = array<i32>} : memref<528xf32, #tpu.memory_space<vmem>>, vector<16xf32>,
    tpu.vector_store %arg7[%swap3A_641], %add3A_640 {strides = array<i32>} : memref<528xf32, #tpu.memory_space<vmem>>, vector<16xf32>,
    %get3A_643 = arith.constant 384 : index
    %get3A_644 = tpu.vector_load %arg7[%get3A_643] {strides = array<i32>} : memref<528xf32, #tpu.memory_space<vmem>>, vector<16xf32>,
    %mul3A_645 = arith.mulf %get3A_644, %sub3A : vector<16xf32>
    %add3A_646 = arith.addf %mul3A_645, %broadcast_in_dim3A_492 : vector<16xf32>
    %swap3A_647 = arith.constant 384 : index
    %swap3A_648 = tpu.vector_load %arg7[%swap3A_647] {strides = array<i32>} : memref<528xf32, #tpu.memory_space<vmem>>, vector<16xf32>,
    tpu.vector_store %arg7[%swap3A_647], %add3A_646 {strides = array<i32>} : memref<528xf32, #tpu.memory_space<vmem>>, vector<16xf32>,
    %get3A_649 = arith.constant 400 : index
    %get3A_650 = tpu.vector_load %arg7[%get3A_649] {strides = array<i32>} : memref<528xf32, #tpu.memory_space<vmem>>, vector<16xf32>,
    %mul3A_651 = arith.mulf %get3A_650, %sub3A : vector<16xf32>
    %add3A_652 = arith.addf %mul3A_651, %broadcast_in_dim3A_492 : vector<16xf32>
    %swap3A_653 = arith.constant 400 : index
    %swap3A_654 = tpu.vector_load %arg7[%swap3A_653] {strides = array<i32>} : memref<528xf32, #tpu.memory_space<vmem>>, vector<16xf32>,
    tpu.vector_store %arg7[%swap3A_653], %add3A_652 {strides = array<i32>} : memref<528xf32, #tpu.memory_space<vmem>>, vector<16xf32>,
    %get3A_655 = arith.constant 416 : index
    %get3A_656 = tpu.vector_load %arg7[%get3A_655] {strides = array<i32>} : memref<528xf32, #tpu.memory_space<vmem>>, vector<16xf32>,
    %mul3A_657 = arith.mulf %get3A_656, %sub3A : vector<16xf32>
    %add3A_658 = arith.addf %mul3A_657, %broadcast_in_dim3A_492 : vector<16xf32>
    %swap3A_659 = arith.constant 416 : index
    %swap3A_660 = tpu.vector_load %arg7[%swap3A_659] {strides = array<i32>} : memref<528xf32, #tpu.memory_space<vmem>>, vector<16xf32>,
    tpu.vector_store %arg7[%swap3A_659], %add3A_658 {strides = array<i32>} : memref<528xf32, #tpu.memory_space<vmem>>, vector<16xf32>,
    %get3A_661 = arith.constant 432 : index
    %get3A_662 = tpu.vector_load %arg7[%get3A_661] {strides = array<i32>} : memref<528xf32, #tpu.memory_space<vmem>>, vector<16xf32>,
    %mul3A_663 = arith.mulf %get3A_662, %sub3A : vector<16xf32>
    %add3A_664 = arith.addf %mul3A_663, %broadcast_in_dim3A_492 : vector<16xf32>
    %swap3A_665 = arith.constant 432 : index
    %swap3A_666 = tpu.vector_load %arg7[%swap3A_665] {strides = array<i32>} : memref<528xf32, #tpu.memory_space<vmem>>, vector<16xf32>,
    tpu.vector_store %arg7[%swap3A_665], %add3A_664 {strides = array<i32>} : memref<528xf32, #tpu.memory_space<vmem>>, vector<16xf32>,
    %get3A_667 = arith.constant 448 : index
    %get3A_668 = tpu.vector_load %arg7[%get3A_667] {strides = array<i32>} : memref<528xf32, #tpu.memory_space<vmem>>, vector<16xf32>,
    %mul3A_669 = arith.mulf %get3A_668, %sub3A : vector<16xf32>
    %add3A_670 = arith.addf %mul3A_669, %broadcast_in_dim3A_492 : vector<16xf32>
    %swap3A_671 = arith.constant 448 : index
    %swap3A_672 = tpu.vector_load %arg7[%swap3A_671] {strides = array<i32>} : memref<528xf32, #tpu.memory_space<vmem>>, vector<16xf32>,
    tpu.vector_store %arg7[%swap3A_671], %add3A_670 {strides = array<i32>} : memref<528xf32, #tpu.memory_space<vmem>>, vector<16xf32>,
    %get3A_673 = arith.constant 464 : index
    %get3A_674 = tpu.vector_load %arg7[%get3A_673] {strides = array<i32>} : memref<528xf32, #tpu.memory_space<vmem>>, vector<16xf32>,
    %mul3A_675 = arith.mulf %get3A_674, %sub3A : vector<16xf32>
    %add3A_676 = arith.addf %mul3A_675, %broadcast_in_dim3A_492 : vector<16xf32>
    %swap3A_677 = arith.constant 464 : index
    %swap3A_678 = tpu.vector_load %arg7[%swap3A_677] {strides = array<i32>} : memref<528xf32, #tpu.memory_space<vmem>>, vector<16xf32>,
    tpu.vector_store %arg7[%swap3A_677], %add3A_676 {strides = array<i32>} : memref<528xf32, #tpu.memory_space<vmem>>, vector<16xf32>,
    %get3A_679 = arith.constant 480 : index
    %get3A_680 = tpu.vector_load %arg7[%get3A_679] {strides = array<i32>} : memref<528xf32, #tpu.memory_space<vmem>>, vector<16xf32>,
    %mul3A_681 = arith.mulf %get3A_680, %sub3A : vector<16xf32>
    %add3A_682 = arith.addf %mul3A_681, %broadcast_in_dim3A_492 : vector<16xf32>
    %swap3A_683 = arith.constant 480 : index
    %swap3A_684 = tpu.vector_load %arg7[%swap3A_683] {strides = array<i32>} : memref<528xf32, #tpu.memory_space<vmem>>, vector<16xf32>,
    tpu.vector_store %arg7[%swap3A_683], %add3A_682 {strides = array<i32>} : memref<528xf32, #tpu.memory_space<vmem>>, vector<16xf32>,
    %get3A_685 = arith.constant 496 : index
    %get3A_686 = tpu.vector_load %arg7[%get3A_685] {strides = array<i32>} : memref<528xf32, #tpu.memory_space<vmem>>, vector<16xf32>,
    %mul3A_687 = arith.mulf %get3A_686, %sub3A : vector<16xf32>
    %add3A_688 = arith.addf %mul3A_687, %broadcast_in_dim3A_492 : vector<16xf32>
    %swap3A_689 = arith.constant 496 : index
    %swap3A_690 = tpu.vector_load %arg7[%swap3A_689] {strides = array<i32>} : memref<528xf32, #tpu.memory_space<vmem>>, vector<16xf32>,
    tpu.vector_store %arg7[%swap3A_689], %add3A_688 {strides = array<i32>} : memref<528xf32, #tpu.memory_space<vmem>>, vector<16xf32>,
    %get3A_691 = arith.constant 512 : index
    %get3A_692 = tpu.vector_load %arg7[%get3A_691] {strides = array<i32>} : memref<528xf32, #tpu.memory_space<vmem>>, vector<16xf32>,
    %mul3A_693 = arith.mulf %get3A_692, %sub3A : vector<16xf32>
    %add3A_694 = arith.addf %mul3A_693, %broadcast_in_dim3A_492 : vector<16xf32>
    %swap3A_695 = arith.constant 512 : index
    %swap3A_696 = tpu.vector_load %arg7[%swap3A_695] {strides = array<i32>} : memref<528xf32, #tpu.memory_space<vmem>>, vector<16xf32>,
    tpu.vector_store %arg7[%swap3A_695], %add3A_694 {strides = array<i32>} : memref<528xf32, #tpu.memory_space<vmem>>, vector<16xf32>,
    %mul3A_697 = arith.constant 4096 : i32
    %mul3A_698 = arith.muli %add3A, %mul3A_697 : i32
    %add3A_699 = arith.constant 0 : i32
    %add3A_700 = arith.addi %mul3A_698, %add3A_699 : i32
    %iota3A_701 = tpu.iota {dimensions = array<i32: 0>} : vector<16xi32>
    %add3A_702 = arith.constant 0 : i32
    %add3A_703 = arith.addi %add3A_700, %add3A_702 : i32
    %add3A_704 = vector.broadcast %add3A_703 : i32 to vector<16xi32>
    %add3A_705 = arith.addi %iota3A_701, %add3A_704 : vector<16xi32>
    %swap3A_706 = arith.constant 0 : i32
    %swap3A_707 = arith.index_cast %swap3A_706 : i32 to index
    %swap3A_708 = arith.constant 0 : index
    %swap3A_709 = tpu.vector_load %arg10[%swap3A_707, %swap3A_708] {strides = array<i32>} : memref<2x128xi32, #tpu.memory_space<vmem>>, vector<16xi32>,
    tpu.vector_store %arg10[%swap3A_707, %swap3A_708], %add3A_705 {strides = array<i32>} : memref<2x128xi32, #tpu.memory_space<vmem>>, vector<16xi32>,
    %iota3A_710 = tpu.iota {dimensions = array<i32: 0>} : vector<16xi32>
    %add3A_711 = arith.constant 16 : i32
    %add3A_712 = arith.addi %add3A_700, %add3A_711 : i32
    %add3A_713 = vector.broadcast %add3A_712 : i32 to vector<16xi32>
    %add3A_714 = arith.addi %iota3A_710, %add3A_713 : vector<16xi32>
    %swap3A_715 = arith.constant 0 : i32
    %swap3A_716 = arith.index_cast %swap3A_715 : i32 to index
    %swap3A_717 = arith.constant 16 : index
    %swap3A_718 = tpu.vector_load %arg10[%swap3A_716, %swap3A_717] {strides = array<i32>} : memref<2x128xi32, #tpu.memory_space<vmem>>, vector<16xi32>,
    tpu.vector_store %arg10[%swap3A_716, %swap3A_717], %add3A_714 {strides = array<i32>} : memref<2x128xi32, #tpu.memory_space<vmem>>, vector<16xi32>,
    %iota3A_719 = tpu.iota {dimensions = array<i32: 0>} : vector<16xi32>
    %add3A_720 = arith.constant 32 : i32
    %add3A_721 = arith.addi %add3A_700, %add3A_720 : i32
    %add3A_722 = vector.broadcast %add3A_721 : i32 to vector<16xi32>
    %add3A_723 = arith.addi %iota3A_719, %add3A_722 : vector<16xi32>
    %swap3A_724 = arith.constant 0 : i32
    %swap3A_725 = arith.index_cast %swap3A_724 : i32 to index
    %swap3A_726 = arith.constant 32 : index
    %swap3A_727 = tpu.vector_load %arg10[%swap3A_725, %swap3A_726] {strides = array<i32>} : memref<2x128xi32, #tpu.memory_space<vmem>>, vector<16xi32>,
    tpu.vector_store %arg10[%swap3A_725, %swap3A_726], %add3A_723 {strides = array<i32>} : memref<2x128xi32, #tpu.memory_space<vmem>>, vector<16xi32>,
    %iota3A_728 = tpu.iota {dimensions = array<i32: 0>} : vector<16xi32>
    %add3A_729 = arith.constant 48 : i32
    %add3A_730 = arith.addi %add3A_700, %add3A_729 : i32
    %add3A_731 = vector.broadcast %add3A_730 : i32 to vector<16xi32>
    %add3A_732 = arith.addi %iota3A_728, %add3A_731 : vector<16xi32>
    %swap3A_733 = arith.constant 0 : i32
    %swap3A_734 = arith.index_cast %swap3A_733 : i32 to index
    %swap3A_735 = arith.constant 48 : index
    %swap3A_736 = tpu.vector_load %arg10[%swap3A_734, %swap3A_735] {strides = array<i32>} : memref<2x128xi32, #tpu.memory_space<vmem>>, vector<16xi32>,
    tpu.vector_store %arg10[%swap3A_734, %swap3A_735], %add3A_732 {strides = array<i32>} : memref<2x128xi32, #tpu.memory_space<vmem>>, vector<16xi32>,
    %iota3A_737 = tpu.iota {dimensions = array<i32: 0>} : vector<16xi32>
    %add3A_738 = arith.constant 64 : i32
    %add3A_739 = arith.addi %add3A_700, %add3A_738 : i32
    %add3A_740 = vector.broadcast %add3A_739 : i32 to vector<16xi32>
    %add3A_741 = arith.addi %iota3A_737, %add3A_740 : vector<16xi32>
    %swap3A_742 = arith.constant 0 : i32
    %swap3A_743 = arith.index_cast %swap3A_742 : i32 to index
    %swap3A_744 = arith.constant 64 : index
    %swap3A_745 = tpu.vector_load %arg10[%swap3A_743, %swap3A_744] {strides = array<i32>} : memref<2x128xi32, #tpu.memory_space<vmem>>, vector<16xi32>,
    tpu.vector_store %arg10[%swap3A_743, %swap3A_744], %add3A_741 {strides = array<i32>} : memref<2x128xi32, #tpu.memory_space<vmem>>, vector<16xi32>,
    %iota3A_746 = tpu.iota {dimensions = array<i32: 0>} : vector<16xi32>
    %add3A_747 = arith.constant 80 : i32
    %add3A_748 = arith.addi %add3A_700, %add3A_747 : i32
    %add3A_749 = vector.broadcast %add3A_748 : i32 to vector<16xi32>
    %add3A_750 = arith.addi %iota3A_746, %add3A_749 : vector<16xi32>
    %swap3A_751 = arith.constant 0 : i32
    %swap3A_752 = arith.index_cast %swap3A_751 : i32 to index
    %swap3A_753 = arith.constant 80 : index
    %swap3A_754 = tpu.vector_load %arg10[%swap3A_752, %swap3A_753] {strides = array<i32>} : memref<2x128xi32, #tpu.memory_space<vmem>>, vector<16xi32>,
    tpu.vector_store %arg10[%swap3A_752, %swap3A_753], %add3A_750 {strides = array<i32>} : memref<2x128xi32, #tpu.memory_space<vmem>>, vector<16xi32>,
    %iota3A_755 = tpu.iota {dimensions = array<i32: 0>} : vector<16xi32>
    %add3A_756 = arith.constant 96 : i32
    %add3A_757 = arith.addi %add3A_700, %add3A_756 : i32
    %add3A_758 = vector.broadcast %add3A_757 : i32 to vector<16xi32>
    %add3A_759 = arith.addi %iota3A_755, %add3A_758 : vector<16xi32>
    %swap3A_760 = arith.constant 0 : i32
    %swap3A_761 = arith.index_cast %swap3A_760 : i32 to index
    %swap3A_762 = arith.constant 96 : index
    %swap3A_763 = tpu.vector_load %arg10[%swap3A_761, %swap3A_762] {strides = array<i32>} : memref<2x128xi32, #tpu.memory_space<vmem>>, vector<16xi32>,
    tpu.vector_store %arg10[%swap3A_761, %swap3A_762], %add3A_759 {strides = array<i32>} : memref<2x128xi32, #tpu.memory_space<vmem>>, vector<16xi32>,
    %iota3A_764 = tpu.iota {dimensions = array<i32: 0>} : vector<16xi32>
    %add3A_765 = arith.constant 112 : i32
    %add3A_766 = arith.addi %add3A_700, %add3A_765 : i32
    %add3A_767 = vector.broadcast %add3A_766 : i32 to vector<16xi32>
    %add3A_768 = arith.addi %iota3A_764, %add3A_767 : vector<16xi32>
    %swap3A_769 = arith.constant 0 : i32
    %swap3A_770 = arith.index_cast %swap3A_769 : i32 to index
    %swap3A_771 = arith.constant 112 : index
    %swap3A_772 = tpu.vector_load %arg10[%swap3A_770, %swap3A_771] {strides = array<i32>} : memref<2x128xi32, #tpu.memory_space<vmem>>, vector<16xi32>,
    tpu.vector_store %arg10[%swap3A_770, %swap3A_771], %add3A_768 {strides = array<i32>} : memref<2x128xi32, #tpu.memory_space<vmem>>, vector<16xi32>,
    %dma_start3A_773 = arith.constant 0 : i32
    %dma_start3A_774 = arith.constant 0 : i32
    %dma_start3A_775 = arith.constant 0 : i32
    %dma_start3A_776 = arith.constant 0 : i32
    %dma_start3A_777 = tpu.memref_slice %arg12[%dma_start3A_774, %dma_start3A_775, %dma_start3A_776] : memref<2x128x128xf32, #tpu.memory_space<vmem>> -> memref<1x128x128xf32, #tpu.memory_space<vmem>>
    %dma_start3A_778 = tpu.memref_squeeze %dma_start3A_777 : memref<1x128x128xf32, #tpu.memory_space<vmem>> -> memref<128x128xf32, #tpu.memory_space<vmem>>
    %dma_start3A_779 = arith.constant 0 : i32
    %dma_start3A_780 = tpu.memref_slice %arg10[%dma_start3A_773, %dma_start3A_779] : memref<2x128xi32, #tpu.memory_space<vmem>> -> memref<1x128xi32, #tpu.memory_space<vmem>>
    %dma_start3A_781 = tpu.memref_squeeze %dma_start3A_780 : memref<1x128xi32, #tpu.memory_space<vmem>> -> memref<128xi32, #tpu.memory_space<vmem>>
    %dma_start3A_782 = arith.constant 0 : i32
    %dma_start3A_783 = arith.constant 0 : i32
    %dma_start3A_784 = tpu.memref_slice %arg2[%dma_start3A_782, %dma_start3A_783] : memref<131072x128xf32, #tpu.memory_space<hbm>> -> memref<131072x128xf32, #tpu.memory_space<hbm>>
    tpu.enqueue_indirect_dma source(%dma_start3A_784 : memref<131072x128xf32, #tpu.memory_space<hbm>>) target(%dma_start3A_778 : memref<128x128xf32, #tpu.memory_space<vmem>>) offsets(%dma_start3A_781 : memref<128xi32, #tpu.memory_space<vmem>>) semaphore(%arg17 : memref<!tpu.dma_semaphore, #tpu.memory_space<semaphore_mem>>)
    %add3A_785 = arith.constant 128 : i32
    %add3A_786 = arith.addi %mul3A_698, %add3A_785 : i32
    %iota3A_787 = tpu.iota {dimensions = array<i32: 0>} : vector<16xi32>
    %add3A_788 = arith.constant 0 : i32
    %add3A_789 = arith.addi %add3A_786, %add3A_788 : i32
    %add3A_790 = vector.broadcast %add3A_789 : i32 to vector<16xi32>
    %add3A_791 = arith.addi %iota3A_787, %add3A_790 : vector<16xi32>
    %swap3A_792 = arith.constant 1 : i32
    %swap3A_793 = arith.index_cast %swap3A_792 : i32 to index
    %swap3A_794 = arith.constant 0 : index
    %swap3A_795 = tpu.vector_load %arg10[%swap3A_793, %swap3A_794] {strides = array<i32>} : memref<2x128xi32, #tpu.memory_space<vmem>>, vector<16xi32>,
    tpu.vector_store %arg10[%swap3A_793, %swap3A_794], %add3A_791 {strides = array<i32>} : memref<2x128xi32, #tpu.memory_space<vmem>>, vector<16xi32>,
    %iota3A_796 = tpu.iota {dimensions = array<i32: 0>} : vector<16xi32>
    %add3A_797 = arith.constant 16 : i32
    %add3A_798 = arith.addi %add3A_786, %add3A_797 : i32
    %add3A_799 = vector.broadcast %add3A_798 : i32 to vector<16xi32>
    %add3A_800 = arith.addi %iota3A_796, %add3A_799 : vector<16xi32>
    %swap3A_801 = arith.constant 1 : i32
    %swap3A_802 = arith.index_cast %swap3A_801 : i32 to index
    %swap3A_803 = arith.constant 16 : index
    %swap3A_804 = tpu.vector_load %arg10[%swap3A_802, %swap3A_803] {strides = array<i32>} : memref<2x128xi32, #tpu.memory_space<vmem>>, vector<16xi32>,
    tpu.vector_store %arg10[%swap3A_802, %swap3A_803], %add3A_800 {strides = array<i32>} : memref<2x128xi32, #tpu.memory_space<vmem>>, vector<16xi32>,
    %iota3A_805 = tpu.iota {dimensions = array<i32: 0>} : vector<16xi32>
    %add3A_806 = arith.constant 32 : i32
    %add3A_807 = arith.addi %add3A_786, %add3A_806 : i32
    %add3A_808 = vector.broadcast %add3A_807 : i32 to vector<16xi32>
    %add3A_809 = arith.addi %iota3A_805, %add3A_808 : vector<16xi32>
    %swap3A_810 = arith.constant 1 : i32
    %swap3A_811 = arith.index_cast %swap3A_810 : i32 to index
    %swap3A_812 = arith.constant 32 : index
    %swap3A_813 = tpu.vector_load %arg10[%swap3A_811, %swap3A_812] {strides = array<i32>} : memref<2x128xi32, #tpu.memory_space<vmem>>, vector<16xi32>,
    tpu.vector_store %arg10[%swap3A_811, %swap3A_812], %add3A_809 {strides = array<i32>} : memref<2x128xi32, #tpu.memory_space<vmem>>, vector<16xi32>,
    %iota3A_814 = tpu.iota {dimensions = array<i32: 0>} : vector<16xi32>
    %add3A_815 = arith.constant 48 : i32
    %add3A_816 = arith.addi %add3A_786, %add3A_815 : i32
    %add3A_817 = vector.broadcast %add3A_816 : i32 to vector<16xi32>
    %add3A_818 = arith.addi %iota3A_814, %add3A_817 : vector<16xi32>
    %swap3A_819 = arith.constant 1 : i32
    %swap3A_820 = arith.index_cast %swap3A_819 : i32 to index
    %swap3A_821 = arith.constant 48 : index
    %swap3A_822 = tpu.vector_load %arg10[%swap3A_820, %swap3A_821] {strides = array<i32>} : memref<2x128xi32, #tpu.memory_space<vmem>>, vector<16xi32>,
    tpu.vector_store %arg10[%swap3A_820, %swap3A_821], %add3A_818 {strides = array<i32>} : memref<2x128xi32, #tpu.memory_space<vmem>>, vector<16xi32>,
    %iota3A_823 = tpu.iota {dimensions = array<i32: 0>} : vector<16xi32>
    %add3A_824 = arith.constant 64 : i32
    %add3A_825 = arith.addi %add3A_786, %add3A_824 : i32
    %add3A_826 = vector.broadcast %add3A_825 : i32 to vector<16xi32>
    %add3A_827 = arith.addi %iota3A_823, %add3A_826 : vector<16xi32>
    %swap3A_828 = arith.constant 1 : i32
    %swap3A_829 = arith.index_cast %swap3A_828 : i32 to index
    %swap3A_830 = arith.constant 64 : index
    %swap3A_831 = tpu.vector_load %arg10[%swap3A_829, %swap3A_830] {strides = array<i32>} : memref<2x128xi32, #tpu.memory_space<vmem>>, vector<16xi32>,
    tpu.vector_store %arg10[%swap3A_829, %swap3A_830], %add3A_827 {strides = array<i32>} : memref<2x128xi32, #tpu.memory_space<vmem>>, vector<16xi32>,
    %iota3A_832 = tpu.iota {dimensions = array<i32: 0>} : vector<16xi32>
    %add3A_833 = arith.constant 80 : i32
    %add3A_834 = arith.addi %add3A_786, %add3A_833 : i32
    %add3A_835 = vector.broadcast %add3A_834 : i32 to vector<16xi32>
    %add3A_836 = arith.addi %iota3A_832, %add3A_835 : vector<16xi32>
    %swap3A_837 = arith.constant 1 : i32
    %swap3A_838 = arith.index_cast %swap3A_837 : i32 to index
    %swap3A_839 = arith.constant 80 : index
    %swap3A_840 = tpu.vector_load %arg10[%swap3A_838, %swap3A_839] {strides = array<i32>} : memref<2x128xi32, #tpu.memory_space<vmem>>, vector<16xi32>,
    tpu.vector_store %arg10[%swap3A_838, %swap3A_839], %add3A_836 {strides = array<i32>} : memref<2x128xi32, #tpu.memory_space<vmem>>, vector<16xi32>,
    %iota3A_841 = tpu.iota {dimensions = array<i32: 0>} : vector<16xi32>
    %add3A_842 = arith.constant 96 : i32
    %add3A_843 = arith.addi %add3A_786, %add3A_842 : i32
    %add3A_844 = vector.broadcast %add3A_843 : i32 to vector<16xi32>
    %add3A_845 = arith.addi %iota3A_841, %add3A_844 : vector<16xi32>
    %swap3A_846 = arith.constant 1 : i32
    %swap3A_847 = arith.index_cast %swap3A_846 : i32 to index
    %swap3A_848 = arith.constant 96 : index
    %swap3A_849 = tpu.vector_load %arg10[%swap3A_847, %swap3A_848] {strides = array<i32>} : memref<2x128xi32, #tpu.memory_space<vmem>>, vector<16xi32>,
    tpu.vector_store %arg10[%swap3A_847, %swap3A_848], %add3A_845 {strides = array<i32>} : memref<2x128xi32, #tpu.memory_space<vmem>>, vector<16xi32>,
    %iota3A_850 = tpu.iota {dimensions = array<i32: 0>} : vector<16xi32>
    %add3A_851 = arith.constant 112 : i32
    %add3A_852 = arith.addi %add3A_786, %add3A_851 : i32
    %add3A_853 = vector.broadcast %add3A_852 : i32 to vector<16xi32>
    %add3A_854 = arith.addi %iota3A_850, %add3A_853 : vector<16xi32>
    %swap3A_855 = arith.constant 1 : i32
    %swap3A_856 = arith.index_cast %swap3A_855 : i32 to index
    %swap3A_857 = arith.constant 112 : index
    %swap3A_858 = tpu.vector_load %arg10[%swap3A_856, %swap3A_857] {strides = array<i32>} : memref<2x128xi32, #tpu.memory_space<vmem>>, vector<16xi32>,
    tpu.vector_store %arg10[%swap3A_856, %swap3A_857], %add3A_854 {strides = array<i32>} : memref<2x128xi32, #tpu.memory_space<vmem>>, vector<16xi32>,
    %dma_start3A_859 = arith.constant 1 : i32
    %dma_start3A_860 = arith.constant 1 : i32
    %dma_start3A_861 = arith.constant 0 : i32
    %dma_start3A_862 = arith.constant 0 : i32
    %dma_start3A_863 = tpu.memref_slice %arg12[%dma_start3A_860, %dma_start3A_861, %dma_start3A_862] : memref<2x128x128xf32, #tpu.memory_space<vmem>> -> memref<1x128x128xf32, #tpu.memory_space<vmem>>
    %dma_start3A_864 = tpu.memref_squeeze %dma_start3A_863 : memref<1x128x128xf32, #tpu.memory_space<vmem>> -> memref<128x128xf32, #tpu.memory_space<vmem>>
    %dma_start3A_865 = arith.constant 0 : i32
    %dma_start3A_866 = tpu.memref_slice %arg10[%dma_start3A_859, %dma_start3A_865] : memref<2x128xi32, #tpu.memory_space<vmem>> -> memref<1x128xi32, #tpu.memory_space<vmem>>
    %dma_start3A_867 = tpu.memref_squeeze %dma_start3A_866 : memref<1x128xi32, #tpu.memory_space<vmem>> -> memref<128xi32, #tpu.memory_space<vmem>>
    %dma_start3A_868 = arith.constant 0 : i32
    %dma_start3A_869 = arith.constant 0 : i32
    %dma_start3A_870 = tpu.memref_slice %arg2[%dma_start3A_868, %dma_start3A_869] : memref<131072x128xf32, #tpu.memory_space<hbm>> -> memref<131072x128xf32, #tpu.memory_space<hbm>>
    tpu.enqueue_indirect_dma source(%dma_start3A_870 : memref<131072x128xf32, #tpu.memory_space<hbm>>) target(%dma_start3A_864 : memref<128x128xf32, #tpu.memory_space<vmem>>) offsets(%dma_start3A_867 : memref<128xi32, #tpu.memory_space<vmem>>) semaphore(%arg17 : memref<!tpu.dma_semaphore, #tpu.memory_space<semaphore_mem>>)
    %scan3A_871 = arith.constant 0 : i32
    %scan3A_872 = arith.constant 0 : i32
    %scan3A_873 = arith.constant 16 : i32
    %scan3A_874 = arith.addi %scan3A_872, %scan3A_873 : i32
    %scan3A_875 = arith.constant 1 : i32
    scf.for %scan3A_925 = %scan3A_872 to %scan3A_874 step %scan3A_875  : i32 {
      %mul3A_926 = arith.constant 2 : i32
      %mul3A_927 = arith.muli %scan3A_925, %mul3A_926 : i32
      %add3A_928 = arith.constant 0 : i32
      %add3A_929 = arith.addi %mul3A_927, %add3A_928 : i32
      %dma_wait3A_930 = arith.constant 0 : i32
      %dma_wait3A_931 = arith.constant 0 : i32
      %dma_wait3A_932 = arith.constant 0 : i32
      %dma_wait3A_933 = arith.constant 0 : i32
      %dma_wait3A_934 = tpu.memref_slice %arg12[%dma_wait3A_931, %dma_wait3A_932, %dma_wait3A_933] : memref<2x128x128xf32, #tpu.memory_space<vmem>> -> memref<1x128x128xf32, #tpu.memory_space<vmem>>
      %dma_wait3A_935 = tpu.memref_squeeze %dma_wait3A_934 : memref<1x128x128xf32, #tpu.memory_space<vmem>> -> memref<128x128xf32, #tpu.memory_space<vmem>>
      %dma_wait3A_936 = arith.constant 0 : i32
      %dma_wait3A_937 = tpu.memref_slice %arg10[%dma_wait3A_930, %dma_wait3A_936] : memref<2x128xi32, #tpu.memory_space<vmem>> -> memref<1x128xi32, #tpu.memory_space<vmem>>
      %dma_wait3A_938 = tpu.memref_squeeze %dma_wait3A_937 : memref<1x128xi32, #tpu.memory_space<vmem>> -> memref<128xi32, #tpu.memory_space<vmem>>
      %dma_wait3A_939 = arith.constant 0 : i32
      %dma_wait3A_940 = arith.constant 0 : i32
      %dma_wait3A_941 = tpu.memref_slice %arg2[%dma_wait3A_939, %dma_wait3A_940] : memref<131072x128xf32, #tpu.memory_space<hbm>> -> memref<131072x128xf32, #tpu.memory_space<hbm>>
      tpu.wait_indirect_dma semaphore(%arg17 : memref<!tpu.dma_semaphore, #tpu.memory_space<semaphore_mem>>) src(%dma_wait3A_941 : memref<131072x128xf32, #tpu.memory_space<hbm>>) dst(%dma_wait3A_935 : memref<128x128xf32, #tpu.memory_space<vmem>>)
      %ge3A = arith.constant 1 : i32
      %ge3A_942 = arith.cmpi sge, %scan3A_925, %ge3A : i32
      %convert_element_type3A = arith.extui %ge3A_942 : i1 to i32
      %cond3A = arith.constant 0 : i32
      %cond3A_943 = arith.cmpi ne, %convert_element_type3A, %cond3A : i32
      scf.if %cond3A_943 {
        %dma_wait3A_1347 = arith.constant 0 : i32
        %dma_wait3A_1348 = arith.constant 0 : i32
        %dma_wait3A_1349 = arith.constant 0 : i32
        %dma_wait3A_1350 = arith.constant 0 : i32
        %dma_wait3A_1351 = tpu.memref_slice %arg13[%dma_wait3A_1347, %dma_wait3A_1349, %dma_wait3A_1350] : memref<2x128x128xi32, #tpu.memory_space<vmem>> -> memref<1x128x128xi32, #tpu.memory_space<vmem>>
        %dma_wait3A_1352 = tpu.memref_squeeze %dma_wait3A_1351 : memref<1x128x128xi32, #tpu.memory_space<vmem>> -> memref<128x128xi32, #tpu.memory_space<vmem>>
        %dma_wait3A_1353 = arith.constant 0 : i32
        %dma_wait3A_1354 = tpu.memref_slice %arg11[%dma_wait3A_1348, %dma_wait3A_1353] : memref<2x128xi32, #tpu.memory_space<vmem>> -> memref<1x128xi32, #tpu.memory_space<vmem>>
        %dma_wait3A_1355 = tpu.memref_squeeze %dma_wait3A_1354 : memref<1x128xi32, #tpu.memory_space<vmem>> -> memref<128xi32, #tpu.memory_space<vmem>>
        %dma_wait3A_1356 = arith.constant 0 : i32
        %dma_wait3A_1357 = arith.constant 0 : i32
        %dma_wait3A_1358 = tpu.memref_slice %arg6[%dma_wait3A_1356, %dma_wait3A_1357] : memref<131072x128xi32, #tpu.memory_space<hbm>> -> memref<131072x128xi32, #tpu.memory_space<hbm>>
        tpu.wait_indirect_dma semaphore(%arg18 : memref<!tpu.dma_semaphore, #tpu.memory_space<semaphore_mem>>) src(%dma_wait3A_1352 : memref<128x128xi32, #tpu.memory_space<vmem>>) dst(%dma_wait3A_1358 : memref<131072x128xi32, #tpu.memory_space<hbm>>)
      } else {
      }
      %parallel_loop3A = arith.constant 0 : i32
      %parallel_loop3A_944 = arith.constant 1024 : i32
      %parallel_loop3A_945 = arith.constant 1 : i32
      scf.for %parallel_loop3A_1347 = %parallel_loop3A to %parallel_loop3A_944 step %parallel_loop3A_945  : i32 {
        %parallel_loop3A_1348 = arith.constant 3 : i32
        %parallel_loop3A_1349 = arith.shrsi %parallel_loop3A_1347, %parallel_loop3A_1348 : i32
        %parallel_loop3A_1350 = arith.constant 7 : i32
        %parallel_loop3A_1351 = arith.andi %parallel_loop3A_1347, %parallel_loop3A_1350 : i32
        %parallel_loop3A_1352 = arith.constant 4 : i32
        %parallel_loop3A_1353 = arith.shli %parallel_loop3A_1351, %parallel_loop3A_1352 : i32
        %parallel_loop3A_1354 = arith.constant 0 : i32
        %parallel_loop3A_1355 = arith.index_cast %parallel_loop3A_1354 : i32 to index
        %parallel_loop3A_1356 = arith.index_cast %parallel_loop3A_1349 : i32 to index
        %parallel_loop3A_1357 = arith.index_cast %parallel_loop3A_1353 : i32 to index
        %parallel_loop3A_1358 = tpu.vector_load %arg12[%parallel_loop3A_1355, %parallel_loop3A_1356, %parallel_loop3A_1357] {strides = array<i32>} : memref<2x128x128xf32, #tpu.memory_space<vmem>>, vector<16xf32>,
        %parallel_loop3A_1359 = arith.subf %parallel_loop3A_1358, %broadcast_in_dim3A_492 : vector<16xf32>
        %parallel_loop3A_1360 = arith.mulf %parallel_loop3A_1359, %div3A_498 : vector<16xf32>
        %parallel_loop3A_1361 = arith.fptosi %parallel_loop3A_1360 : vector<16xf32> to vector<16xi32>
        %parallel_loop3A_1362 = arith.constant 32783 : i32
        %parallel_loop3A_1363 = vector.broadcast %parallel_loop3A_1362 : i32 to vector<16xi32>
        %parallel_loop3A_1364 = arith.minsi %parallel_loop3A_1361, %parallel_loop3A_1363 : vector<16xi32>
        %parallel_loop3A_1365 = tpu.vector_load_idx %arg9[%parallel_loop3A_1364] : memref<32784xi32, #tpu.memory_space<vmem>>[vector<16xi32>], vector<16xi32>,
        %parallel_loop3A_1366 = tpu.vector_load_idx %arg7[%parallel_loop3A_1365] : memref<528xf32, #tpu.memory_space<vmem>>[vector<16xi32>], vector<16xf32>,
        %parallel_loop3A_1367 = arith.cmpf olt, %parallel_loop3A_1366, %parallel_loop3A_1358 : vector<16xf32>
        %parallel_loop3A_1368 = arith.constant 1 : i32
        %parallel_loop3A_1369 = arith.constant 0 : i32
        %parallel_loop3A_1370 = vector.broadcast %parallel_loop3A_1368 : i32 to vector<16xi32>
        %parallel_loop3A_1371 = vector.broadcast %parallel_loop3A_1369 : i32 to vector<16xi32>
        %parallel_loop3A_1372 = arith.select %parallel_loop3A_1367, %parallel_loop3A_1370, %parallel_loop3A_1371 : vector<16xi1>, vector<16xi32>
        %parallel_loop3A_1373 = arith.addi %parallel_loop3A_1365, %parallel_loop3A_1372 : vector<16xi32>
        %parallel_loop3A_1374 = arith.constant 1 : i32
        %parallel_loop3A_1375 = vector.broadcast %parallel_loop3A_1374 : i32 to vector<16xi32>
        %parallel_loop3A_1376 = arith.addi %parallel_loop3A_1365, %parallel_loop3A_1375 : vector<16xi32>
        %parallel_loop3A_1377 = tpu.vector_load_idx %arg7[%parallel_loop3A_1376] : memref<528xf32, #tpu.memory_space<vmem>>[vector<16xi32>], vector<16xf32>,
        %parallel_loop3A_1378 = arith.cmpf olt, %parallel_loop3A_1377, %parallel_loop3A_1358 : vector<16xf32>
        %parallel_loop3A_1379 = arith.constant 1 : i32
        %parallel_loop3A_1380 = arith.constant 0 : i32
        %parallel_loop3A_1381 = vector.broadcast %parallel_loop3A_1379 : i32 to vector<16xi32>
        %parallel_loop3A_1382 = vector.broadcast %parallel_loop3A_1380 : i32 to vector<16xi32>
        %parallel_loop3A_1383 = arith.select %parallel_loop3A_1378, %parallel_loop3A_1381, %parallel_loop3A_1382 : vector<16xi1>, vector<16xi32>
        %parallel_loop3A_1384 = arith.addi %parallel_loop3A_1373, %parallel_loop3A_1383 : vector<16xi32>
        %parallel_loop3A_1385 = tpu.vector_load_idx %arg8[%parallel_loop3A_1384] : memref<512xi32, #tpu.memory_space<vmem>>[vector<16xi32>], vector<16xi32>,
        %parallel_loop3A_1386 = arith.constant 0 : i32
        %parallel_loop3A_1387 = arith.index_cast %parallel_loop3A_1386 : i32 to index
        %parallel_loop3A_1388 = arith.index_cast %parallel_loop3A_1349 : i32 to index
        %parallel_loop3A_1389 = arith.index_cast %parallel_loop3A_1353 : i32 to index
        %parallel_loop3A_1390 = tpu.vector_load %arg13[%parallel_loop3A_1387, %parallel_loop3A_1388, %parallel_loop3A_1389] {strides = array<i32>} : memref<2x128x128xi32, #tpu.memory_space<vmem>>, vector<16xi32>,
        tpu.vector_store %arg13[%parallel_loop3A_1387, %parallel_loop3A_1388, %parallel_loop3A_1389], %parallel_loop3A_1385 {strides = array<i32>} : memref<2x128x128xi32, #tpu.memory_space<vmem>>, vector<16xi32>,
      } {sc.loop_unroll_factor = 4 : i64, sc.parallel_access}
      %mul3A_946 = arith.constant 128 : i32
      %mul3A_947 = arith.muli %add3A_929, %mul3A_946 : i32
      %add3A_948 = arith.addi %mul3A_698, %mul3A_947 : i32
      %iota3A_949 = tpu.iota {dimensions = array<i32: 0>} : vector<16xi32>
      %add3A_950 = arith.constant 0 : i32
      %add3A_951 = arith.addi %add3A_948, %add3A_950 : i32
      %add3A_952 = vector.broadcast %add3A_951 : i32 to vector<16xi32>
      %add3A_953 = arith.addi %iota3A_949, %add3A_952 : vector<16xi32>
      %swap3A_954 = arith.constant 0 : i32
      %swap3A_955 = arith.index_cast %swap3A_954 : i32 to index
      %swap3A_956 = arith.constant 0 : index
      %swap3A_957 = tpu.vector_load %arg11[%swap3A_955, %swap3A_956] {strides = array<i32>} : memref<2x128xi32, #tpu.memory_space<vmem>>, vector<16xi32>,
      tpu.vector_store %arg11[%swap3A_955, %swap3A_956], %add3A_953 {strides = array<i32>} : memref<2x128xi32, #tpu.memory_space<vmem>>, vector<16xi32>,
      %iota3A_958 = tpu.iota {dimensions = array<i32: 0>} : vector<16xi32>
      %add3A_959 = arith.constant 16 : i32
      %add3A_960 = arith.addi %add3A_948, %add3A_959 : i32
      %add3A_961 = vector.broadcast %add3A_960 : i32 to vector<16xi32>
      %add3A_962 = arith.addi %iota3A_958, %add3A_961 : vector<16xi32>
      %swap3A_963 = arith.constant 0 : i32
      %swap3A_964 = arith.index_cast %swap3A_963 : i32 to index
      %swap3A_965 = arith.constant 16 : index
      %swap3A_966 = tpu.vector_load %arg11[%swap3A_964, %swap3A_965] {strides = array<i32>} : memref<2x128xi32, #tpu.memory_space<vmem>>, vector<16xi32>,
      tpu.vector_store %arg11[%swap3A_964, %swap3A_965], %add3A_962 {strides = array<i32>} : memref<2x128xi32, #tpu.memory_space<vmem>>, vector<16xi32>,
      %iota3A_967 = tpu.iota {dimensions = array<i32: 0>} : vector<16xi32>
      %add3A_968 = arith.constant 32 : i32
      %add3A_969 = arith.addi %add3A_948, %add3A_968 : i32
      %add3A_970 = vector.broadcast %add3A_969 : i32 to vector<16xi32>
      %add3A_971 = arith.addi %iota3A_967, %add3A_970 : vector<16xi32>
      %swap3A_972 = arith.constant 0 : i32
      %swap3A_973 = arith.index_cast %swap3A_972 : i32 to index
      %swap3A_974 = arith.constant 32 : index
      %swap3A_975 = tpu.vector_load %arg11[%swap3A_973, %swap3A_974] {strides = array<i32>} : memref<2x128xi32, #tpu.memory_space<vmem>>, vector<16xi32>,
      tpu.vector_store %arg11[%swap3A_973, %swap3A_974], %add3A_971 {strides = array<i32>} : memref<2x128xi32, #tpu.memory_space<vmem>>, vector<16xi32>,
      %iota3A_976 = tpu.iota {dimensions = array<i32: 0>} : vector<16xi32>
      %add3A_977 = arith.constant 48 : i32
      %add3A_978 = arith.addi %add3A_948, %add3A_977 : i32
      %add3A_979 = vector.broadcast %add3A_978 : i32 to vector<16xi32>
      %add3A_980 = arith.addi %iota3A_976, %add3A_979 : vector<16xi32>
      %swap3A_981 = arith.constant 0 : i32
      %swap3A_982 = arith.index_cast %swap3A_981 : i32 to index
      %swap3A_983 = arith.constant 48 : index
      %swap3A_984 = tpu.vector_load %arg11[%swap3A_982, %swap3A_983] {strides = array<i32>} : memref<2x128xi32, #tpu.memory_space<vmem>>, vector<16xi32>,
      tpu.vector_store %arg11[%swap3A_982, %swap3A_983], %add3A_980 {strides = array<i32>} : memref<2x128xi32, #tpu.memory_space<vmem>>, vector<16xi32>,
      %iota3A_985 = tpu.iota {dimensions = array<i32: 0>} : vector<16xi32>
      %add3A_986 = arith.constant 64 : i32
      %add3A_987 = arith.addi %add3A_948, %add3A_986 : i32
      %add3A_988 = vector.broadcast %add3A_987 : i32 to vector<16xi32>
      %add3A_989 = arith.addi %iota3A_985, %add3A_988 : vector<16xi32>
      %swap3A_990 = arith.constant 0 : i32
      %swap3A_991 = arith.index_cast %swap3A_990 : i32 to index
      %swap3A_992 = arith.constant 64 : index
      %swap3A_993 = tpu.vector_load %arg11[%swap3A_991, %swap3A_992] {strides = array<i32>} : memref<2x128xi32, #tpu.memory_space<vmem>>, vector<16xi32>,
      tpu.vector_store %arg11[%swap3A_991, %swap3A_992], %add3A_989 {strides = array<i32>} : memref<2x128xi32, #tpu.memory_space<vmem>>, vector<16xi32>,
      %iota3A_994 = tpu.iota {dimensions = array<i32: 0>} : vector<16xi32>
      %add3A_995 = arith.constant 80 : i32
      %add3A_996 = arith.addi %add3A_948, %add3A_995 : i32
      %add3A_997 = vector.broadcast %add3A_996 : i32 to vector<16xi32>
      %add3A_998 = arith.addi %iota3A_994, %add3A_997 : vector<16xi32>
      %swap3A_999 = arith.constant 0 : i32
      %swap3A_1000 = arith.index_cast %swap3A_999 : i32 to index
      %swap3A_1001 = arith.constant 80 : index
      %swap3A_1002 = tpu.vector_load %arg11[%swap3A_1000, %swap3A_1001] {strides = array<i32>} : memref<2x128xi32, #tpu.memory_space<vmem>>, vector<16xi32>,
      tpu.vector_store %arg11[%swap3A_1000, %swap3A_1001], %add3A_998 {strides = array<i32>} : memref<2x128xi32, #tpu.memory_space<vmem>>, vector<16xi32>,
      %iota3A_1003 = tpu.iota {dimensions = array<i32: 0>} : vector<16xi32>
      %add3A_1004 = arith.constant 96 : i32
      %add3A_1005 = arith.addi %add3A_948, %add3A_1004 : i32
      %add3A_1006 = vector.broadcast %add3A_1005 : i32 to vector<16xi32>
      %add3A_1007 = arith.addi %iota3A_1003, %add3A_1006 : vector<16xi32>
      %swap3A_1008 = arith.constant 0 : i32
      %swap3A_1009 = arith.index_cast %swap3A_1008 : i32 to index
      %swap3A_1010 = arith.constant 96 : index
      %swap3A_1011 = tpu.vector_load %arg11[%swap3A_1009, %swap3A_1010] {strides = array<i32>} : memref<2x128xi32, #tpu.memory_space<vmem>>, vector<16xi32>,
      tpu.vector_store %arg11[%swap3A_1009, %swap3A_1010], %add3A_1007 {strides = array<i32>} : memref<2x128xi32, #tpu.memory_space<vmem>>, vector<16xi32>,
      %iota3A_1012 = tpu.iota {dimensions = array<i32: 0>} : vector<16xi32>
      %add3A_1013 = arith.constant 112 : i32
      %add3A_1014 = arith.addi %add3A_948, %add3A_1013 : i32
      %add3A_1015 = vector.broadcast %add3A_1014 : i32 to vector<16xi32>
      %add3A_1016 = arith.addi %iota3A_1012, %add3A_1015 : vector<16xi32>
      %swap3A_1017 = arith.constant 0 : i32
      %swap3A_1018 = arith.index_cast %swap3A_1017 : i32 to index
      %swap3A_1019 = arith.constant 112 : index
      %swap3A_1020 = tpu.vector_load %arg11[%swap3A_1018, %swap3A_1019] {strides = array<i32>} : memref<2x128xi32, #tpu.memory_space<vmem>>, vector<16xi32>,
      tpu.vector_store %arg11[%swap3A_1018, %swap3A_1019], %add3A_1016 {strides = array<i32>} : memref<2x128xi32, #tpu.memory_space<vmem>>, vector<16xi32>,
      %dma_start3A_1021 = arith.constant 0 : i32
      %dma_start3A_1022 = arith.constant 0 : i32
      %dma_start3A_1023 = arith.constant 0 : i32
      %dma_start3A_1024 = arith.constant 0 : i32
      %dma_start3A_1025 = tpu.memref_slice %arg13[%dma_start3A_1021, %dma_start3A_1023, %dma_start3A_1024] : memref<2x128x128xi32, #tpu.memory_space<vmem>> -> memref<1x128x128xi32, #tpu.memory_space<vmem>>
      %dma_start3A_1026 = tpu.memref_squeeze %dma_start3A_1025 : memref<1x128x128xi32, #tpu.memory_space<vmem>> -> memref<128x128xi32, #tpu.memory_space<vmem>>
      %dma_start3A_1027 = arith.constant 0 : i32
      %dma_start3A_1028 = tpu.memref_slice %arg11[%dma_start3A_1022, %dma_start3A_1027] : memref<2x128xi32, #tpu.memory_space<vmem>> -> memref<1x128xi32, #tpu.memory_space<vmem>>
      %dma_start3A_1029 = tpu.memref_squeeze %dma_start3A_1028 : memref<1x128xi32, #tpu.memory_space<vmem>> -> memref<128xi32, #tpu.memory_space<vmem>>
      %dma_start3A_1030 = arith.constant 0 : i32
      %dma_start3A_1031 = arith.constant 0 : i32
      %dma_start3A_1032 = tpu.memref_slice %arg6[%dma_start3A_1030, %dma_start3A_1031] : memref<131072x128xi32, #tpu.memory_space<hbm>> -> memref<131072x128xi32, #tpu.memory_space<hbm>>
      tpu.enqueue_indirect_dma source(%dma_start3A_1026 : memref<128x128xi32, #tpu.memory_space<vmem>>) target(%dma_start3A_1032 : memref<131072x128xi32, #tpu.memory_space<hbm>>) offsets(%dma_start3A_1029 : memref<128xi32, #tpu.memory_space<vmem>>) semaphore(%arg18 : memref<!tpu.dma_semaphore, #tpu.memory_space<semaphore_mem>>)
      %add3A_1033 = arith.constant 2 : i32
      %add3A_1034 = arith.addi %add3A_929, %add3A_1033 : i32
      %jit3A = arith.constant 32 : i32
      %eq3A = arith.constant 0 : i32
      %eq3A_1035 = arith.cmpi eq, %jit3A, %eq3A : i32
      %jit3A_1036 = arith.constant 1 : i32
      %select_n3A = arith.select %eq3A_1035, %jit3A_1036, %jit3A : i32
      %rem3A = arith.remsi %add3A_1034, %select_n3A : i32
      %ne3A = arith.constant 0 : i32
      %ne3A_1037 = arith.cmpi ne, %rem3A, %ne3A : i32
      %lt3A = arith.constant 0 : i32
      %lt3A_1038 = arith.cmpi slt, %rem3A, %lt3A : i32
      %lt3A_1039 = arith.constant 0 : i32
      %lt3A_1040 = arith.cmpi slt, %select_n3A, %lt3A_1039 : i32
      %ne3A_1041 = arith.xori %lt3A_1038, %lt3A_1040 : i1
      %and3A = arith.andi %ne3A_1041, %ne3A_1037 : i1
      %add3A_1042 = arith.addi %rem3A, %select_n3A : i32
      %select_n3A_1043 = arith.select %and3A, %add3A_1042, %rem3A : i32
      %mul3A_1044 = arith.constant 128 : i32
      %mul3A_1045 = arith.muli %select_n3A_1043, %mul3A_1044 : i32
      %add3A_1046 = arith.addi %mul3A_698, %mul3A_1045 : i32
      %iota3A_1047 = tpu.iota {dimensions = array<i32: 0>} : vector<16xi32>
      %add3A_1048 = arith.constant 0 : i32
      %add3A_1049 = arith.addi %add3A_1046, %add3A_1048 : i32
      %add3A_1050 = vector.broadcast %add3A_1049 : i32 to vector<16xi32>
      %add3A_1051 = arith.addi %iota3A_1047, %add3A_1050 : vector<16xi32>
      %swap3A_1052 = arith.constant 0 : i32
      %swap3A_1053 = arith.index_cast %swap3A_1052 : i32 to index
      %swap3A_1054 = arith.constant 0 : index
      %swap3A_1055 = tpu.vector_load %arg10[%swap3A_1053, %swap3A_1054] {strides = array<i32>} : memref<2x128xi32, #tpu.memory_space<vmem>>, vector<16xi32>,
      tpu.vector_store %arg10[%swap3A_1053, %swap3A_1054], %add3A_1051 {strides = array<i32>} : memref<2x128xi32, #tpu.memory_space<vmem>>, vector<16xi32>,
      %iota3A_1056 = tpu.iota {dimensions = array<i32: 0>} : vector<16xi32>
      %add3A_1057 = arith.constant 16 : i32
      %add3A_1058 = arith.addi %add3A_1046, %add3A_1057 : i32
      %add3A_1059 = vector.broadcast %add3A_1058 : i32 to vector<16xi32>
      %add3A_1060 = arith.addi %iota3A_1056, %add3A_1059 : vector<16xi32>
      %swap3A_1061 = arith.constant 0 : i32
      %swap3A_1062 = arith.index_cast %swap3A_1061 : i32 to index
      %swap3A_1063 = arith.constant 16 : index
      %swap3A_1064 = tpu.vector_load %arg10[%swap3A_1062, %swap3A_1063] {strides = array<i32>} : memref<2x128xi32, #tpu.memory_space<vmem>>, vector<16xi32>,
      tpu.vector_store %arg10[%swap3A_1062, %swap3A_1063], %add3A_1060 {strides = array<i32>} : memref<2x128xi32, #tpu.memory_space<vmem>>, vector<16xi32>,
      %iota3A_1065 = tpu.iota {dimensions = array<i32: 0>} : vector<16xi32>
      %add3A_1066 = arith.constant 32 : i32
      %add3A_1067 = arith.addi %add3A_1046, %add3A_1066 : i32
      %add3A_1068 = vector.broadcast %add3A_1067 : i32 to vector<16xi32>
      %add3A_1069 = arith.addi %iota3A_1065, %add3A_1068 : vector<16xi32>
      %swap3A_1070 = arith.constant 0 : i32
      %swap3A_1071 = arith.index_cast %swap3A_1070 : i32 to index
      %swap3A_1072 = arith.constant 32 : index
      %swap3A_1073 = tpu.vector_load %arg10[%swap3A_1071, %swap3A_1072] {strides = array<i32>} : memref<2x128xi32, #tpu.memory_space<vmem>>, vector<16xi32>,
      tpu.vector_store %arg10[%swap3A_1071, %swap3A_1072], %add3A_1069 {strides = array<i32>} : memref<2x128xi32, #tpu.memory_space<vmem>>, vector<16xi32>,
      %iota3A_1074 = tpu.iota {dimensions = array<i32: 0>} : vector<16xi32>
      %add3A_1075 = arith.constant 48 : i32
      %add3A_1076 = arith.addi %add3A_1046, %add3A_1075 : i32
      %add3A_1077 = vector.broadcast %add3A_1076 : i32 to vector<16xi32>
      %add3A_1078 = arith.addi %iota3A_1074, %add3A_1077 : vector<16xi32>
      %swap3A_1079 = arith.constant 0 : i32
      %swap3A_1080 = arith.index_cast %swap3A_1079 : i32 to index
      %swap3A_1081 = arith.constant 48 : index
      %swap3A_1082 = tpu.vector_load %arg10[%swap3A_1080, %swap3A_1081] {strides = array<i32>} : memref<2x128xi32, #tpu.memory_space<vmem>>, vector<16xi32>,
      tpu.vector_store %arg10[%swap3A_1080, %swap3A_1081], %add3A_1078 {strides = array<i32>} : memref<2x128xi32, #tpu.memory_space<vmem>>, vector<16xi32>,
      %iota3A_1083 = tpu.iota {dimensions = array<i32: 0>} : vector<16xi32>
      %add3A_1084 = arith.constant 64 : i32
      %add3A_1085 = arith.addi %add3A_1046, %add3A_1084 : i32
      %add3A_1086 = vector.broadcast %add3A_1085 : i32 to vector<16xi32>
      %add3A_1087 = arith.addi %iota3A_1083, %add3A_1086 : vector<16xi32>
      %swap3A_1088 = arith.constant 0 : i32
      %swap3A_1089 = arith.index_cast %swap3A_1088 : i32 to index
      %swap3A_1090 = arith.constant 64 : index
      %swap3A_1091 = tpu.vector_load %arg10[%swap3A_1089, %swap3A_1090] {strides = array<i32>} : memref<2x128xi32, #tpu.memory_space<vmem>>, vector<16xi32>,
      tpu.vector_store %arg10[%swap3A_1089, %swap3A_1090], %add3A_1087 {strides = array<i32>} : memref<2x128xi32, #tpu.memory_space<vmem>>, vector<16xi32>,
      %iota3A_1092 = tpu.iota {dimensions = array<i32: 0>} : vector<16xi32>
      %add3A_1093 = arith.constant 80 : i32
      %add3A_1094 = arith.addi %add3A_1046, %add3A_1093 : i32
      %add3A_1095 = vector.broadcast %add3A_1094 : i32 to vector<16xi32>
      %add3A_1096 = arith.addi %iota3A_1092, %add3A_1095 : vector<16xi32>
      %swap3A_1097 = arith.constant 0 : i32
      %swap3A_1098 = arith.index_cast %swap3A_1097 : i32 to index
      %swap3A_1099 = arith.constant 80 : index
      %swap3A_1100 = tpu.vector_load %arg10[%swap3A_1098, %swap3A_1099] {strides = array<i32>} : memref<2x128xi32, #tpu.memory_space<vmem>>, vector<16xi32>,
      tpu.vector_store %arg10[%swap3A_1098, %swap3A_1099], %add3A_1096 {strides = array<i32>} : memref<2x128xi32, #tpu.memory_space<vmem>>, vector<16xi32>,
      %iota3A_1101 = tpu.iota {dimensions = array<i32: 0>} : vector<16xi32>
      %add3A_1102 = arith.constant 96 : i32
      %add3A_1103 = arith.addi %add3A_1046, %add3A_1102 : i32
      %add3A_1104 = vector.broadcast %add3A_1103 : i32 to vector<16xi32>
      %add3A_1105 = arith.addi %iota3A_1101, %add3A_1104 : vector<16xi32>
      %swap3A_1106 = arith.constant 0 : i32
      %swap3A_1107 = arith.index_cast %swap3A_1106 : i32 to index
      %swap3A_1108 = arith.constant 96 : index
      %swap3A_1109 = tpu.vector_load %arg10[%swap3A_1107, %swap3A_1108] {strides = array<i32>} : memref<2x128xi32, #tpu.memory_space<vmem>>, vector<16xi32>,
      tpu.vector_store %arg10[%swap3A_1107, %swap3A_1108], %add3A_1105 {strides = array<i32>} : memref<2x128xi32, #tpu.memory_space<vmem>>, vector<16xi32>,
      %iota3A_1110 = tpu.iota {dimensions = array<i32: 0>} : vector<16xi32>
      %add3A_1111 = arith.constant 112 : i32
      %add3A_1112 = arith.addi %add3A_1046, %add3A_1111 : i32
      %add3A_1113 = vector.broadcast %add3A_1112 : i32 to vector<16xi32>
      %add3A_1114 = arith.addi %iota3A_1110, %add3A_1113 : vector<16xi32>
      %swap3A_1115 = arith.constant 0 : i32
      %swap3A_1116 = arith.index_cast %swap3A_1115 : i32 to index
      %swap3A_1117 = arith.constant 112 : index
      %swap3A_1118 = tpu.vector_load %arg10[%swap3A_1116, %swap3A_1117] {strides = array<i32>} : memref<2x128xi32, #tpu.memory_space<vmem>>, vector<16xi32>,
      tpu.vector_store %arg10[%swap3A_1116, %swap3A_1117], %add3A_1114 {strides = array<i32>} : memref<2x128xi32, #tpu.memory_space<vmem>>, vector<16xi32>,
      %dma_start3A_1119 = arith.constant 0 : i32
      %dma_start3A_1120 = arith.constant 0 : i32
      %dma_start3A_1121 = arith.constant 0 : i32
      %dma_start3A_1122 = arith.constant 0 : i32
      %dma_start3A_1123 = tpu.memref_slice %arg12[%dma_start3A_1120, %dma_start3A_1121, %dma_start3A_1122] : memref<2x128x128xf32, #tpu.memory_space<vmem>> -> memref<1x128x128xf32, #tpu.memory_space<vmem>>
      %dma_start3A_1124 = tpu.memref_squeeze %dma_start3A_1123 : memref<1x128x128xf32, #tpu.memory_space<vmem>> -> memref<128x128xf32, #tpu.memory_space<vmem>>
      %dma_start3A_1125 = arith.constant 0 : i32
      %dma_start3A_1126 = tpu.memref_slice %arg10[%dma_start3A_1119, %dma_start3A_1125] : memref<2x128xi32, #tpu.memory_space<vmem>> -> memref<1x128xi32, #tpu.memory_space<vmem>>
      %dma_start3A_1127 = tpu.memref_squeeze %dma_start3A_1126 : memref<1x128xi32, #tpu.memory_space<vmem>> -> memref<128xi32, #tpu.memory_space<vmem>>
      %dma_start3A_1128 = arith.constant 0 : i32
      %dma_start3A_1129 = arith.constant 0 : i32
      %dma_start3A_1130 = tpu.memref_slice %arg2[%dma_start3A_1128, %dma_start3A_1129] : memref<131072x128xf32, #tpu.memory_space<hbm>> -> memref<131072x128xf32, #tpu.memory_space<hbm>>
      tpu.enqueue_indirect_dma source(%dma_start3A_1130 : memref<131072x128xf32, #tpu.memory_space<hbm>>) target(%dma_start3A_1124 : memref<128x128xf32, #tpu.memory_space<vmem>>) offsets(%dma_start3A_1127 : memref<128xi32, #tpu.memory_space<vmem>>) semaphore(%arg17 : memref<!tpu.dma_semaphore, #tpu.memory_space<semaphore_mem>>)
      %mul3A_1131 = arith.constant 2 : i32
      %mul3A_1132 = arith.muli %scan3A_925, %mul3A_1131 : i32
      %add3A_1133 = arith.constant 1 : i32
      %add3A_1134 = arith.addi %mul3A_1132, %add3A_1133 : i32
      %dma_wait3A_1135 = arith.constant 1 : i32
      %dma_wait3A_1136 = arith.constant 1 : i32
      %dma_wait3A_1137 = arith.constant 0 : i32
      %dma_wait3A_1138 = arith.constant 0 : i32
      %dma_wait3A_1139 = tpu.memref_slice %arg12[%dma_wait3A_1136, %dma_wait3A_1137, %dma_wait3A_1138] : memref<2x128x128xf32, #tpu.memory_space<vmem>> -> memref<1x128x128xf32, #tpu.memory_space<vmem>>
      %dma_wait3A_1140 = tpu.memref_squeeze %dma_wait3A_1139 : memref<1x128x128xf32, #tpu.memory_space<vmem>> -> memref<128x128xf32, #tpu.memory_space<vmem>>
      %dma_wait3A_1141 = arith.constant 0 : i32
      %dma_wait3A_1142 = tpu.memref_slice %arg10[%dma_wait3A_1135, %dma_wait3A_1141] : memref<2x128xi32, #tpu.memory_space<vmem>> -> memref<1x128xi32, #tpu.memory_space<vmem>>
      %dma_wait3A_1143 = tpu.memref_squeeze %dma_wait3A_1142 : memref<1x128xi32, #tpu.memory_space<vmem>> -> memref<128xi32, #tpu.memory_space<vmem>>
      %dma_wait3A_1144 = arith.constant 0 : i32
      %dma_wait3A_1145 = arith.constant 0 : i32
      %dma_wait3A_1146 = tpu.memref_slice %arg2[%dma_wait3A_1144, %dma_wait3A_1145] : memref<131072x128xf32, #tpu.memory_space<hbm>> -> memref<131072x128xf32, #tpu.memory_space<hbm>>
      tpu.wait_indirect_dma semaphore(%arg17 : memref<!tpu.dma_semaphore, #tpu.memory_space<semaphore_mem>>) src(%dma_wait3A_1146 : memref<131072x128xf32, #tpu.memory_space<hbm>>) dst(%dma_wait3A_1140 : memref<128x128xf32, #tpu.memory_space<vmem>>)
      %ge3A_1147 = arith.constant 1 : i32
      %ge3A_1148 = arith.cmpi sge, %scan3A_925, %ge3A_1147 : i32
      %convert_element_type3A_1149 = arith.extui %ge3A_1148 : i1 to i32
      %cond3A_1150 = arith.constant 0 : i32
      %cond3A_1151 = arith.cmpi ne, %convert_element_type3A_1149, %cond3A_1150 : i32
      scf.if %cond3A_1151 {
        %dma_wait3A_1347 = arith.constant 1 : i32
        %dma_wait3A_1348 = arith.constant 1 : i32
        %dma_wait3A_1349 = arith.constant 0 : i32
        %dma_wait3A_1350 = arith.constant 0 : i32
        %dma_wait3A_1351 = tpu.memref_slice %arg13[%dma_wait3A_1347, %dma_wait3A_1349, %dma_wait3A_1350] : memref<2x128x128xi32, #tpu.memory_space<vmem>> -> memref<1x128x128xi32, #tpu.memory_space<vmem>>
        %dma_wait3A_1352 = tpu.memref_squeeze %dma_wait3A_1351 : memref<1x128x128xi32, #tpu.memory_space<vmem>> -> memref<128x128xi32, #tpu.memory_space<vmem>>
        %dma_wait3A_1353 = arith.constant 0 : i32
        %dma_wait3A_1354 = tpu.memref_slice %arg11[%dma_wait3A_1348, %dma_wait3A_1353] : memref<2x128xi32, #tpu.memory_space<vmem>> -> memref<1x128xi32, #tpu.memory_space<vmem>>
        %dma_wait3A_1355 = tpu.memref_squeeze %dma_wait3A_1354 : memref<1x128xi32, #tpu.memory_space<vmem>> -> memref<128xi32, #tpu.memory_space<vmem>>
        %dma_wait3A_1356 = arith.constant 0 : i32
        %dma_wait3A_1357 = arith.constant 0 : i32
        %dma_wait3A_1358 = tpu.memref_slice %arg6[%dma_wait3A_1356, %dma_wait3A_1357] : memref<131072x128xi32, #tpu.memory_space<hbm>> -> memref<131072x128xi32, #tpu.memory_space<hbm>>
        tpu.wait_indirect_dma semaphore(%arg18 : memref<!tpu.dma_semaphore, #tpu.memory_space<semaphore_mem>>) src(%dma_wait3A_1352 : memref<128x128xi32, #tpu.memory_space<vmem>>) dst(%dma_wait3A_1358 : memref<131072x128xi32, #tpu.memory_space<hbm>>)
      } else {
      }
      %parallel_loop3A_1152 = arith.constant 0 : i32
      %parallel_loop3A_1153 = arith.constant 1024 : i32
      %parallel_loop3A_1154 = arith.constant 1 : i32
      scf.for %parallel_loop3A_1347 = %parallel_loop3A_1152 to %parallel_loop3A_1153 step %parallel_loop3A_1154  : i32 {
        %parallel_loop3A_1348 = arith.constant 3 : i32
        %parallel_loop3A_1349 = arith.shrsi %parallel_loop3A_1347, %parallel_loop3A_1348 : i32
        %parallel_loop3A_1350 = arith.constant 7 : i32
        %parallel_loop3A_1351 = arith.andi %parallel_loop3A_1347, %parallel_loop3A_1350 : i32
        %parallel_loop3A_1352 = arith.constant 4 : i32
        %parallel_loop3A_1353 = arith.shli %parallel_loop3A_1351, %parallel_loop3A_1352 : i32
        %parallel_loop3A_1354 = arith.constant 1 : i32
        %parallel_loop3A_1355 = arith.index_cast %parallel_loop3A_1354 : i32 to index
        %parallel_loop3A_1356 = arith.index_cast %parallel_loop3A_1349 : i32 to index
        %parallel_loop3A_1357 = arith.index_cast %parallel_loop3A_1353 : i32 to index
        %parallel_loop3A_1358 = tpu.vector_load %arg12[%parallel_loop3A_1355, %parallel_loop3A_1356, %parallel_loop3A_1357] {strides = array<i32>} : memref<2x128x128xf32, #tpu.memory_space<vmem>>, vector<16xf32>,
        %parallel_loop3A_1359 = arith.subf %parallel_loop3A_1358, %broadcast_in_dim3A_492 : vector<16xf32>
        %parallel_loop3A_1360 = arith.mulf %parallel_loop3A_1359, %div3A_498 : vector<16xf32>
        %parallel_loop3A_1361 = arith.fptosi %parallel_loop3A_1360 : vector<16xf32> to vector<16xi32>
        %parallel_loop3A_1362 = arith.constant 32783 : i32
        %parallel_loop3A_1363 = vector.broadcast %parallel_loop3A_1362 : i32 to vector<16xi32>
        %parallel_loop3A_1364 = arith.minsi %parallel_loop3A_1361, %parallel_loop3A_1363 : vector<16xi32>
        %parallel_loop3A_1365 = tpu.vector_load_idx %arg9[%parallel_loop3A_1364] : memref<32784xi32, #tpu.memory_space<vmem>>[vector<16xi32>], vector<16xi32>,
        %parallel_loop3A_1366 = tpu.vector_load_idx %arg7[%parallel_loop3A_1365] : memref<528xf32, #tpu.memory_space<vmem>>[vector<16xi32>], vector<16xf32>,
        %parallel_loop3A_1367 = arith.cmpf olt, %parallel_loop3A_1366, %parallel_loop3A_1358 : vector<16xf32>
        %parallel_loop3A_1368 = arith.constant 1 : i32
        %parallel_loop3A_1369 = arith.constant 0 : i32
        %parallel_loop3A_1370 = vector.broadcast %parallel_loop3A_1368 : i32 to vector<16xi32>
        %parallel_loop3A_1371 = vector.broadcast %parallel_loop3A_1369 : i32 to vector<16xi32>
        %parallel_loop3A_1372 = arith.select %parallel_loop3A_1367, %parallel_loop3A_1370, %parallel_loop3A_1371 : vector<16xi1>, vector<16xi32>
        %parallel_loop3A_1373 = arith.addi %parallel_loop3A_1365, %parallel_loop3A_1372 : vector<16xi32>
        %parallel_loop3A_1374 = arith.constant 1 : i32
        %parallel_loop3A_1375 = vector.broadcast %parallel_loop3A_1374 : i32 to vector<16xi32>
        %parallel_loop3A_1376 = arith.addi %parallel_loop3A_1365, %parallel_loop3A_1375 : vector<16xi32>
        %parallel_loop3A_1377 = tpu.vector_load_idx %arg7[%parallel_loop3A_1376] : memref<528xf32, #tpu.memory_space<vmem>>[vector<16xi32>], vector<16xf32>,
        %parallel_loop3A_1378 = arith.cmpf olt, %parallel_loop3A_1377, %parallel_loop3A_1358 : vector<16xf32>
        %parallel_loop3A_1379 = arith.constant 1 : i32
        %parallel_loop3A_1380 = arith.constant 0 : i32
        %parallel_loop3A_1381 = vector.broadcast %parallel_loop3A_1379 : i32 to vector<16xi32>
        %parallel_loop3A_1382 = vector.broadcast %parallel_loop3A_1380 : i32 to vector<16xi32>
        %parallel_loop3A_1383 = arith.select %parallel_loop3A_1378, %parallel_loop3A_1381, %parallel_loop3A_1382 : vector<16xi1>, vector<16xi32>
        %parallel_loop3A_1384 = arith.addi %parallel_loop3A_1373, %parallel_loop3A_1383 : vector<16xi32>
        %parallel_loop3A_1385 = tpu.vector_load_idx %arg8[%parallel_loop3A_1384] : memref<512xi32, #tpu.memory_space<vmem>>[vector<16xi32>], vector<16xi32>,
        %parallel_loop3A_1386 = arith.constant 1 : i32
        %parallel_loop3A_1387 = arith.index_cast %parallel_loop3A_1386 : i32 to index
        %parallel_loop3A_1388 = arith.index_cast %parallel_loop3A_1349 : i32 to index
        %parallel_loop3A_1389 = arith.index_cast %parallel_loop3A_1353 : i32 to index
        %parallel_loop3A_1390 = tpu.vector_load %arg13[%parallel_loop3A_1387, %parallel_loop3A_1388, %parallel_loop3A_1389] {strides = array<i32>} : memref<2x128x128xi32, #tpu.memory_space<vmem>>, vector<16xi32>,
        tpu.vector_store %arg13[%parallel_loop3A_1387, %parallel_loop3A_1388, %parallel_loop3A_1389], %parallel_loop3A_1385 {strides = array<i32>} : memref<2x128x128xi32, #tpu.memory_space<vmem>>, vector<16xi32>,
      } {sc.loop_unroll_factor = 4 : i64, sc.parallel_access}
      %mul3A_1155 = arith.constant 128 : i32
      %mul3A_1156 = arith.muli %add3A_1134, %mul3A_1155 : i32
      %add3A_1157 = arith.addi %mul3A_698, %mul3A_1156 : i32
      %iota3A_1158 = tpu.iota {dimensions = array<i32: 0>} : vector<16xi32>
      %add3A_1159 = arith.constant 0 : i32
      %add3A_1160 = arith.addi %add3A_1157, %add3A_1159 : i32
      %add3A_1161 = vector.broadcast %add3A_1160 : i32 to vector<16xi32>
      %add3A_1162 = arith.addi %iota3A_1158, %add3A_1161 : vector<16xi32>
      %swap3A_1163 = arith.constant 1 : i32
      %swap3A_1164 = arith.index_cast %swap3A_1163 : i32 to index
      %swap3A_1165 = arith.constant 0 : index
      %swap3A_1166 = tpu.vector_load %arg11[%swap3A_1164, %swap3A_1165] {strides = array<i32>} : memref<2x128xi32, #tpu.memory_space<vmem>>, vector<16xi32>,
      tpu.vector_store %arg11[%swap3A_1164, %swap3A_1165], %add3A_1162 {strides = array<i32>} : memref<2x128xi32, #tpu.memory_space<vmem>>, vector<16xi32>,
      %iota3A_1167 = tpu.iota {dimensions = array<i32: 0>} : vector<16xi32>
      %add3A_1168 = arith.constant 16 : i32
      %add3A_1169 = arith.addi %add3A_1157, %add3A_1168 : i32
      %add3A_1170 = vector.broadcast %add3A_1169 : i32 to vector<16xi32>
      %add3A_1171 = arith.addi %iota3A_1167, %add3A_1170 : vector<16xi32>
      %swap3A_1172 = arith.constant 1 : i32
      %swap3A_1173 = arith.index_cast %swap3A_1172 : i32 to index
      %swap3A_1174 = arith.constant 16 : index
      %swap3A_1175 = tpu.vector_load %arg11[%swap3A_1173, %swap3A_1174] {strides = array<i32>} : memref<2x128xi32, #tpu.memory_space<vmem>>, vector<16xi32>,
      tpu.vector_store %arg11[%swap3A_1173, %swap3A_1174], %add3A_1171 {strides = array<i32>} : memref<2x128xi32, #tpu.memory_space<vmem>>, vector<16xi32>,
      %iota3A_1176 = tpu.iota {dimensions = array<i32: 0>} : vector<16xi32>
      %add3A_1177 = arith.constant 32 : i32
      %add3A_1178 = arith.addi %add3A_1157, %add3A_1177 : i32
      %add3A_1179 = vector.broadcast %add3A_1178 : i32 to vector<16xi32>
      %add3A_1180 = arith.addi %iota3A_1176, %add3A_1179 : vector<16xi32>
      %swap3A_1181 = arith.constant 1 : i32
      %swap3A_1182 = arith.index_cast %swap3A_1181 : i32 to index
      %swap3A_1183 = arith.constant 32 : index
      %swap3A_1184 = tpu.vector_load %arg11[%swap3A_1182, %swap3A_1183] {strides = array<i32>} : memref<2x128xi32, #tpu.memory_space<vmem>>, vector<16xi32>,
      tpu.vector_store %arg11[%swap3A_1182, %swap3A_1183], %add3A_1180 {strides = array<i32>} : memref<2x128xi32, #tpu.memory_space<vmem>>, vector<16xi32>,
      %iota3A_1185 = tpu.iota {dimensions = array<i32: 0>} : vector<16xi32>
      %add3A_1186 = arith.constant 48 : i32
      %add3A_1187 = arith.addi %add3A_1157, %add3A_1186 : i32
      %add3A_1188 = vector.broadcast %add3A_1187 : i32 to vector<16xi32>
      %add3A_1189 = arith.addi %iota3A_1185, %add3A_1188 : vector<16xi32>
      %swap3A_1190 = arith.constant 1 : i32
      %swap3A_1191 = arith.index_cast %swap3A_1190 : i32 to index
      %swap3A_1192 = arith.constant 48 : index
      %swap3A_1193 = tpu.vector_load %arg11[%swap3A_1191, %swap3A_1192] {strides = array<i32>} : memref<2x128xi32, #tpu.memory_space<vmem>>, vector<16xi32>,
      tpu.vector_store %arg11[%swap3A_1191, %swap3A_1192], %add3A_1189 {strides = array<i32>} : memref<2x128xi32, #tpu.memory_space<vmem>>, vector<16xi32>,
      %iota3A_1194 = tpu.iota {dimensions = array<i32: 0>} : vector<16xi32>
      %add3A_1195 = arith.constant 64 : i32
      %add3A_1196 = arith.addi %add3A_1157, %add3A_1195 : i32
      %add3A_1197 = vector.broadcast %add3A_1196 : i32 to vector<16xi32>
      %add3A_1198 = arith.addi %iota3A_1194, %add3A_1197 : vector<16xi32>
      %swap3A_1199 = arith.constant 1 : i32
      %swap3A_1200 = arith.index_cast %swap3A_1199 : i32 to index
      %swap3A_1201 = arith.constant 64 : index
      %swap3A_1202 = tpu.vector_load %arg11[%swap3A_1200, %swap3A_1201] {strides = array<i32>} : memref<2x128xi32, #tpu.memory_space<vmem>>, vector<16xi32>,
      tpu.vector_store %arg11[%swap3A_1200, %swap3A_1201], %add3A_1198 {strides = array<i32>} : memref<2x128xi32, #tpu.memory_space<vmem>>, vector<16xi32>,
      %iota3A_1203 = tpu.iota {dimensions = array<i32: 0>} : vector<16xi32>
      %add3A_1204 = arith.constant 80 : i32
      %add3A_1205 = arith.addi %add3A_1157, %add3A_1204 : i32
      %add3A_1206 = vector.broadcast %add3A_1205 : i32 to vector<16xi32>
      %add3A_1207 = arith.addi %iota3A_1203, %add3A_1206 : vector<16xi32>
      %swap3A_1208 = arith.constant 1 : i32
      %swap3A_1209 = arith.index_cast %swap3A_1208 : i32 to index
      %swap3A_1210 = arith.constant 80 : index
      %swap3A_1211 = tpu.vector_load %arg11[%swap3A_1209, %swap3A_1210] {strides = array<i32>} : memref<2x128xi32, #tpu.memory_space<vmem>>, vector<16xi32>,
      tpu.vector_store %arg11[%swap3A_1209, %swap3A_1210], %add3A_1207 {strides = array<i32>} : memref<2x128xi32, #tpu.memory_space<vmem>>, vector<16xi32>,
      %iota3A_1212 = tpu.iota {dimensions = array<i32: 0>} : vector<16xi32>
      %add3A_1213 = arith.constant 96 : i32
      %add3A_1214 = arith.addi %add3A_1157, %add3A_1213 : i32
      %add3A_1215 = vector.broadcast %add3A_1214 : i32 to vector<16xi32>
      %add3A_1216 = arith.addi %iota3A_1212, %add3A_1215 : vector<16xi32>
      %swap3A_1217 = arith.constant 1 : i32
      %swap3A_1218 = arith.index_cast %swap3A_1217 : i32 to index
      %swap3A_1219 = arith.constant 96 : index
      %swap3A_1220 = tpu.vector_load %arg11[%swap3A_1218, %swap3A_1219] {strides = array<i32>} : memref<2x128xi32, #tpu.memory_space<vmem>>, vector<16xi32>,
      tpu.vector_store %arg11[%swap3A_1218, %swap3A_1219], %add3A_1216 {strides = array<i32>} : memref<2x128xi32, #tpu.memory_space<vmem>>, vector<16xi32>,
      %iota3A_1221 = tpu.iota {dimensions = array<i32: 0>} : vector<16xi32>
      %add3A_1222 = arith.constant 112 : i32
      %add3A_1223 = arith.addi %add3A_1157, %add3A_1222 : i32
      %add3A_1224 = vector.broadcast %add3A_1223 : i32 to vector<16xi32>
      %add3A_1225 = arith.addi %iota3A_1221, %add3A_1224 : vector<16xi32>
      %swap3A_1226 = arith.constant 1 : i32
      %swap3A_1227 = arith.index_cast %swap3A_1226 : i32 to index
      %swap3A_1228 = arith.constant 112 : index
      %swap3A_1229 = tpu.vector_load %arg11[%swap3A_1227, %swap3A_1228] {strides = array<i32>} : memref<2x128xi32, #tpu.memory_space<vmem>>, vector<16xi32>,
      tpu.vector_store %arg11[%swap3A_1227, %swap3A_1228], %add3A_1225 {strides = array<i32>} : memref<2x128xi32, #tpu.memory_space<vmem>>, vector<16xi32>,
      %dma_start3A_1230 = arith.constant 1 : i32
      %dma_start3A_1231 = arith.constant 1 : i32
      %dma_start3A_1232 = arith.constant 0 : i32
      %dma_start3A_1233 = arith.constant 0 : i32
      %dma_start3A_1234 = tpu.memref_slice %arg13[%dma_start3A_1230, %dma_start3A_1232, %dma_start3A_1233] : memref<2x128x128xi32, #tpu.memory_space<vmem>> -> memref<1x128x128xi32, #tpu.memory_space<vmem>>
      %dma_start3A_1235 = tpu.memref_squeeze %dma_start3A_1234 : memref<1x128x128xi32, #tpu.memory_space<vmem>> -> memref<128x128xi32, #tpu.memory_space<vmem>>
      %dma_start3A_1236 = arith.constant 0 : i32
      %dma_start3A_1237 = tpu.memref_slice %arg11[%dma_start3A_1231, %dma_start3A_1236] : memref<2x128xi32, #tpu.memory_space<vmem>> -> memref<1x128xi32, #tpu.memory_space<vmem>>
      %dma_start3A_1238 = tpu.memref_squeeze %dma_start3A_1237 : memref<1x128xi32, #tpu.memory_space<vmem>> -> memref<128xi32, #tpu.memory_space<vmem>>
      %dma_start3A_1239 = arith.constant 0 : i32
      %dma_start3A_1240 = arith.constant 0 : i32
      %dma_start3A_1241 = tpu.memref_slice %arg6[%dma_start3A_1239, %dma_start3A_1240] : memref<131072x128xi32, #tpu.memory_space<hbm>> -> memref<131072x128xi32, #tpu.memory_space<hbm>>
      tpu.enqueue_indirect_dma source(%dma_start3A_1235 : memref<128x128xi32, #tpu.memory_space<vmem>>) target(%dma_start3A_1241 : memref<131072x128xi32, #tpu.memory_space<hbm>>) offsets(%dma_start3A_1238 : memref<128xi32, #tpu.memory_space<vmem>>) semaphore(%arg18 : memref<!tpu.dma_semaphore, #tpu.memory_space<semaphore_mem>>)
      %add3A_1242 = arith.constant 2 : i32
      %add3A_1243 = arith.addi %add3A_1134, %add3A_1242 : i32
      %jit3A_1244 = arith.constant 32 : i32
      %eq3A_1245 = arith.constant 0 : i32
      %eq3A_1246 = arith.cmpi eq, %jit3A_1244, %eq3A_1245 : i32
      %jit3A_1247 = arith.constant 1 : i32
      %select_n3A_1248 = arith.select %eq3A_1246, %jit3A_1247, %jit3A_1244 : i32
      %rem3A_1249 = arith.remsi %add3A_1243, %select_n3A_1248 : i32
      %ne3A_1250 = arith.constant 0 : i32
      %ne3A_1251 = arith.cmpi ne, %rem3A_1249, %ne3A_1250 : i32
      %lt3A_1252 = arith.constant 0 : i32
      %lt3A_1253 = arith.cmpi slt, %rem3A_1249, %lt3A_1252 : i32
      %lt3A_1254 = arith.constant 0 : i32
      %lt3A_1255 = arith.cmpi slt, %select_n3A_1248, %lt3A_1254 : i32
      %ne3A_1256 = arith.xori %lt3A_1253, %lt3A_1255 : i1
      %and3A_1257 = arith.andi %ne3A_1256, %ne3A_1251 : i1
      %add3A_1258 = arith.addi %rem3A_1249, %select_n3A_1248 : i32
      %select_n3A_1259 = arith.select %and3A_1257, %add3A_1258, %rem3A_1249 : i32
      %mul3A_1260 = arith.constant 128 : i32
      %mul3A_1261 = arith.muli %select_n3A_1259, %mul3A_1260 : i32
      %add3A_1262 = arith.addi %mul3A_698, %mul3A_1261 : i32
      %iota3A_1263 = tpu.iota {dimensions = array<i32: 0>} : vector<16xi32>
      %add3A_1264 = arith.constant 0 : i32
      %add3A_1265 = arith.addi %add3A_1262, %add3A_1264 : i32
      %add3A_1266 = vector.broadcast %add3A_1265 : i32 to vector<16xi32>
      %add3A_1267 = arith.addi %iota3A_1263, %add3A_1266 : vector<16xi32>
      %swap3A_1268 = arith.constant 1 : i32
      %swap3A_1269 = arith.index_cast %swap3A_1268 : i32 to index
      %swap3A_1270 = arith.constant 0 : index
      %swap3A_1271 = tpu.vector_load %arg10[%swap3A_1269, %swap3A_1270] {strides = array<i32>} : memref<2x128xi32, #tpu.memory_space<vmem>>, vector<16xi32>,
      tpu.vector_store %arg10[%swap3A_1269, %swap3A_1270], %add3A_1267 {strides = array<i32>} : memref<2x128xi32, #tpu.memory_space<vmem>>, vector<16xi32>,
      %iota3A_1272 = tpu.iota {dimensions = array<i32: 0>} : vector<16xi32>
      %add3A_1273 = arith.constant 16 : i32
      %add3A_1274 = arith.addi %add3A_1262, %add3A_1273 : i32
      %add3A_1275 = vector.broadcast %add3A_1274 : i32 to vector<16xi32>
      %add3A_1276 = arith.addi %iota3A_1272, %add3A_1275 : vector<16xi32>
      %swap3A_1277 = arith.constant 1 : i32
      %swap3A_1278 = arith.index_cast %swap3A_1277 : i32 to index
      %swap3A_1279 = arith.constant 16 : index
      %swap3A_1280 = tpu.vector_load %arg10[%swap3A_1278, %swap3A_1279] {strides = array<i32>} : memref<2x128xi32, #tpu.memory_space<vmem>>, vector<16xi32>,
      tpu.vector_store %arg10[%swap3A_1278, %swap3A_1279], %add3A_1276 {strides = array<i32>} : memref<2x128xi32, #tpu.memory_space<vmem>>, vector<16xi32>,
      %iota3A_1281 = tpu.iota {dimensions = array<i32: 0>} : vector<16xi32>
      %add3A_1282 = arith.constant 32 : i32
      %add3A_1283 = arith.addi %add3A_1262, %add3A_1282 : i32
      %add3A_1284 = vector.broadcast %add3A_1283 : i32 to vector<16xi32>
      %add3A_1285 = arith.addi %iota3A_1281, %add3A_1284 : vector<16xi32>
      %swap3A_1286 = arith.constant 1 : i32
      %swap3A_1287 = arith.index_cast %swap3A_1286 : i32 to index
      %swap3A_1288 = arith.constant 32 : index
      %swap3A_1289 = tpu.vector_load %arg10[%swap3A_1287, %swap3A_1288] {strides = array<i32>} : memref<2x128xi32, #tpu.memory_space<vmem>>, vector<16xi32>,
      tpu.vector_store %arg10[%swap3A_1287, %swap3A_1288], %add3A_1285 {strides = array<i32>} : memref<2x128xi32, #tpu.memory_space<vmem>>, vector<16xi32>,
      %iota3A_1290 = tpu.iota {dimensions = array<i32: 0>} : vector<16xi32>
      %add3A_1291 = arith.constant 48 : i32
      %add3A_1292 = arith.addi %add3A_1262, %add3A_1291 : i32
      %add3A_1293 = vector.broadcast %add3A_1292 : i32 to vector<16xi32>
      %add3A_1294 = arith.addi %iota3A_1290, %add3A_1293 : vector<16xi32>
      %swap3A_1295 = arith.constant 1 : i32
      %swap3A_1296 = arith.index_cast %swap3A_1295 : i32 to index
      %swap3A_1297 = arith.constant 48 : index
      %swap3A_1298 = tpu.vector_load %arg10[%swap3A_1296, %swap3A_1297] {strides = array<i32>} : memref<2x128xi32, #tpu.memory_space<vmem>>, vector<16xi32>,
      tpu.vector_store %arg10[%swap3A_1296, %swap3A_1297], %add3A_1294 {strides = array<i32>} : memref<2x128xi32, #tpu.memory_space<vmem>>, vector<16xi32>,
      %iota3A_1299 = tpu.iota {dimensions = array<i32: 0>} : vector<16xi32>
      %add3A_1300 = arith.constant 64 : i32
      %add3A_1301 = arith.addi %add3A_1262, %add3A_1300 : i32
      %add3A_1302 = vector.broadcast %add3A_1301 : i32 to vector<16xi32>
      %add3A_1303 = arith.addi %iota3A_1299, %add3A_1302 : vector<16xi32>
      %swap3A_1304 = arith.constant 1 : i32
      %swap3A_1305 = arith.index_cast %swap3A_1304 : i32 to index
      %swap3A_1306 = arith.constant 64 : index
      %swap3A_1307 = tpu.vector_load %arg10[%swap3A_1305, %swap3A_1306] {strides = array<i32>} : memref<2x128xi32, #tpu.memory_space<vmem>>, vector<16xi32>,
      tpu.vector_store %arg10[%swap3A_1305, %swap3A_1306], %add3A_1303 {strides = array<i32>} : memref<2x128xi32, #tpu.memory_space<vmem>>, vector<16xi32>,
      %iota3A_1308 = tpu.iota {dimensions = array<i32: 0>} : vector<16xi32>
      %add3A_1309 = arith.constant 80 : i32
      %add3A_1310 = arith.addi %add3A_1262, %add3A_1309 : i32
      %add3A_1311 = vector.broadcast %add3A_1310 : i32 to vector<16xi32>
      %add3A_1312 = arith.addi %iota3A_1308, %add3A_1311 : vector<16xi32>
      %swap3A_1313 = arith.constant 1 : i32
      %swap3A_1314 = arith.index_cast %swap3A_1313 : i32 to index
      %swap3A_1315 = arith.constant 80 : index
      %swap3A_1316 = tpu.vector_load %arg10[%swap3A_1314, %swap3A_1315] {strides = array<i32>} : memref<2x128xi32, #tpu.memory_space<vmem>>, vector<16xi32>,
      tpu.vector_store %arg10[%swap3A_1314, %swap3A_1315], %add3A_1312 {strides = array<i32>} : memref<2x128xi32, #tpu.memory_space<vmem>>, vector<16xi32>,
      %iota3A_1317 = tpu.iota {dimensions = array<i32: 0>} : vector<16xi32>
      %add3A_1318 = arith.constant 96 : i32
      %add3A_1319 = arith.addi %add3A_1262, %add3A_1318 : i32
      %add3A_1320 = vector.broadcast %add3A_1319 : i32 to vector<16xi32>
      %add3A_1321 = arith.addi %iota3A_1317, %add3A_1320 : vector<16xi32>
      %swap3A_1322 = arith.constant 1 : i32
      %swap3A_1323 = arith.index_cast %swap3A_1322 : i32 to index
      %swap3A_1324 = arith.constant 96 : index
      %swap3A_1325 = tpu.vector_load %arg10[%swap3A_1323, %swap3A_1324] {strides = array<i32>} : memref<2x128xi32, #tpu.memory_space<vmem>>, vector<16xi32>,
      tpu.vector_store %arg10[%swap3A_1323, %swap3A_1324], %add3A_1321 {strides = array<i32>} : memref<2x128xi32, #tpu.memory_space<vmem>>, vector<16xi32>,
      %iota3A_1326 = tpu.iota {dimensions = array<i32: 0>} : vector<16xi32>
      %add3A_1327 = arith.constant 112 : i32
      %add3A_1328 = arith.addi %add3A_1262, %add3A_1327 : i32
      %add3A_1329 = vector.broadcast %add3A_1328 : i32 to vector<16xi32>
      %add3A_1330 = arith.addi %iota3A_1326, %add3A_1329 : vector<16xi32>
      %swap3A_1331 = arith.constant 1 : i32
      %swap3A_1332 = arith.index_cast %swap3A_1331 : i32 to index
      %swap3A_1333 = arith.constant 112 : index
      %swap3A_1334 = tpu.vector_load %arg10[%swap3A_1332, %swap3A_1333] {strides = array<i32>} : memref<2x128xi32, #tpu.memory_space<vmem>>, vector<16xi32>,
      tpu.vector_store %arg10[%swap3A_1332, %swap3A_1333], %add3A_1330 {strides = array<i32>} : memref<2x128xi32, #tpu.memory_space<vmem>>, vector<16xi32>,
      %dma_start3A_1335 = arith.constant 1 : i32
      %dma_start3A_1336 = arith.constant 1 : i32
      %dma_start3A_1337 = arith.constant 0 : i32
      %dma_start3A_1338 = arith.constant 0 : i32
      %dma_start3A_1339 = tpu.memref_slice %arg12[%dma_start3A_1336, %dma_start3A_1337, %dma_start3A_1338] : memref<2x128x128xf32, #tpu.memory_space<vmem>> -> memref<1x128x128xf32, #tpu.memory_space<vmem>>
      %dma_start3A_1340 = tpu.memref_squeeze %dma_start3A_1339 : memref<1x128x128xf32, #tpu.memory_space<vmem>> -> memref<128x128xf32, #tpu.memory_space<vmem>>
      %dma_start3A_1341 = arith.constant 0 : i32
      %dma_start3A_1342 = tpu.memref_slice %arg10[%dma_start3A_1335, %dma_start3A_1341] : memref<2x128xi32, #tpu.memory_space<vmem>> -> memref<1x128xi32, #tpu.memory_space<vmem>>
      %dma_start3A_1343 = tpu.memref_squeeze %dma_start3A_1342 : memref<1x128xi32, #tpu.memory_space<vmem>> -> memref<128xi32, #tpu.memory_space<vmem>>
      %dma_start3A_1344 = arith.constant 0 : i32
      %dma_start3A_1345 = arith.constant 0 : i32
      %dma_start3A_1346 = tpu.memref_slice %arg2[%dma_start3A_1344, %dma_start3A_1345] : memref<131072x128xf32, #tpu.memory_space<hbm>> -> memref<131072x128xf32, #tpu.memory_space<hbm>>
      tpu.enqueue_indirect_dma source(%dma_start3A_1346 : memref<131072x128xf32, #tpu.memory_space<hbm>>) target(%dma_start3A_1340 : memref<128x128xf32, #tpu.memory_space<vmem>>) offsets(%dma_start3A_1343 : memref<128xi32, #tpu.memory_space<vmem>>) semaphore(%arg17 : memref<!tpu.dma_semaphore, #tpu.memory_space<semaphore_mem>>)
    }
    %scan3A_876 = arith.constant 16 : i32
    %dma_wait3A_877 = arith.constant 0 : i32
    %dma_wait3A_878 = arith.constant 0 : i32
    %dma_wait3A_879 = arith.constant 0 : i32
    %dma_wait3A_880 = arith.constant 0 : i32
    %dma_wait3A_881 = tpu.memref_slice %arg12[%dma_wait3A_878, %dma_wait3A_879, %dma_wait3A_880] : memref<2x128x128xf32, #tpu.memory_space<vmem>> -> memref<1x128x128xf32, #tpu.memory_space<vmem>>
    %dma_wait3A_882 = tpu.memref_squeeze %dma_wait3A_881 : memref<1x128x128xf32, #tpu.memory_space<vmem>> -> memref<128x128xf32, #tpu.memory_space<vmem>>
    %dma_wait3A_883 = arith.constant 0 : i32
    %dma_wait3A_884 = tpu.memref_slice %arg10[%dma_wait3A_877, %dma_wait3A_883] : memref<2x128xi32, #tpu.memory_space<vmem>> -> memref<1x128xi32, #tpu.memory_space<vmem>>
    %dma_wait3A_885 = tpu.memref_squeeze %dma_wait3A_884 : memref<1x128xi32, #tpu.memory_space<vmem>> -> memref<128xi32, #tpu.memory_space<vmem>>
    %dma_wait3A_886 = arith.constant 0 : i32
    %dma_wait3A_887 = arith.constant 0 : i32
    %dma_wait3A_888 = tpu.memref_slice %arg2[%dma_wait3A_886, %dma_wait3A_887] : memref<131072x128xf32, #tpu.memory_space<hbm>> -> memref<131072x128xf32, #tpu.memory_space<hbm>>
    tpu.wait_indirect_dma semaphore(%arg17 : memref<!tpu.dma_semaphore, #tpu.memory_space<semaphore_mem>>) src(%dma_wait3A_888 : memref<131072x128xf32, #tpu.memory_space<hbm>>) dst(%dma_wait3A_882 : memref<128x128xf32, #tpu.memory_space<vmem>>)
    %dma_wait3A_889 = arith.constant 0 : i32
    %dma_wait3A_890 = arith.constant 0 : i32
    %dma_wait3A_891 = arith.constant 0 : i32
    %dma_wait3A_892 = arith.constant 0 : i32
    %dma_wait3A_893 = tpu.memref_slice %arg13[%dma_wait3A_889, %dma_wait3A_891, %dma_wait3A_892] : memref<2x128x128xi32, #tpu.memory_space<vmem>> -> memref<1x128x128xi32, #tpu.memory_space<vmem>>
    %dma_wait3A_894 = tpu.memref_squeeze %dma_wait3A_893 : memref<1x128x128xi32, #tpu.memory_space<vmem>> -> memref<128x128xi32, #tpu.memory_space<vmem>>
    %dma_wait3A_895 = arith.constant 0 : i32
    %dma_wait3A_896 = tpu.memref_slice %arg11[%dma_wait3A_890, %dma_wait3A_895] : memref<2x128xi32, #tpu.memory_space<vmem>> -> memref<1x128xi32, #tpu.memory_space<vmem>>
    %dma_wait3A_897 = tpu.memref_squeeze %dma_wait3A_896 : memref<1x128xi32, #tpu.memory_space<vmem>> -> memref<128xi32, #tpu.memory_space<vmem>>
    %dma_wait3A_898 = arith.constant 0 : i32
    %dma_wait3A_899 = arith.constant 0 : i32
    %dma_wait3A_900 = tpu.memref_slice %arg6[%dma_wait3A_898, %dma_wait3A_899] : memref<131072x128xi32, #tpu.memory_space<hbm>> -> memref<131072x128xi32, #tpu.memory_space<hbm>>
    tpu.wait_indirect_dma semaphore(%arg18 : memref<!tpu.dma_semaphore, #tpu.memory_space<semaphore_mem>>) src(%dma_wait3A_894 : memref<128x128xi32, #tpu.memory_space<vmem>>) dst(%dma_wait3A_900 : memref<131072x128xi32, #tpu.memory_space<hbm>>)
    %dma_wait3A_901 = arith.constant 1 : i32
    %dma_wait3A_902 = arith.constant 1 : i32
    %dma_wait3A_903 = arith.constant 0 : i32
    %dma_wait3A_904 = arith.constant 0 : i32
    %dma_wait3A_905 = tpu.memref_slice %arg12[%dma_wait3A_902, %dma_wait3A_903, %dma_wait3A_904] : memref<2x128x128xf32, #tpu.memory_space<vmem>> -> memref<1x128x128xf32, #tpu.memory_space<vmem>>
    %dma_wait3A_906 = tpu.memref_squeeze %dma_wait3A_905 : memref<1x128x128xf32, #tpu.memory_space<vmem>> -> memref<128x128xf32, #tpu.memory_space<vmem>>
    %dma_wait3A_907 = arith.constant 0 : i32
    %dma_wait3A_908 = tpu.memref_slice %arg10[%dma_wait3A_901, %dma_wait3A_907] : memref<2x128xi32, #tpu.memory_space<vmem>> -> memref<1x128xi32, #tpu.memory_space<vmem>>
    %dma_wait3A_909 = tpu.memref_squeeze %dma_wait3A_908 : memref<1x128xi32, #tpu.memory_space<vmem>> -> memref<128xi32, #tpu.memory_space<vmem>>
    %dma_wait3A_910 = arith.constant 0 : i32
    %dma_wait3A_911 = arith.constant 0 : i32
    %dma_wait3A_912 = tpu.memref_slice %arg2[%dma_wait3A_910, %dma_wait3A_911] : memref<131072x128xf32, #tpu.memory_space<hbm>> -> memref<131072x128xf32, #tpu.memory_space<hbm>>
    tpu.wait_indirect_dma semaphore(%arg17 : memref<!tpu.dma_semaphore, #tpu.memory_space<semaphore_mem>>) src(%dma_wait3A_912 : memref<131072x128xf32, #tpu.memory_space<hbm>>) dst(%dma_wait3A_906 : memref<128x128xf32, #tpu.memory_space<vmem>>)
    %dma_wait3A_913 = arith.constant 1 : i32
    %dma_wait3A_914 = arith.constant 1 : i32
    %dma_wait3A_915 = arith.constant 0 : i32
    %dma_wait3A_916 = arith.constant 0 : i32
    %dma_wait3A_917 = tpu.memref_slice %arg13[%dma_wait3A_913, %dma_wait3A_915, %dma_wait3A_916] : memref<2x128x128xi32, #tpu.memory_space<vmem>> -> memref<1x128x128xi32, #tpu.memory_space<vmem>>
    %dma_wait3A_918 = tpu.memref_squeeze %dma_wait3A_917 : memref<1x128x128xi32, #tpu.memory_space<vmem>> -> memref<128x128xi32, #tpu.memory_space<vmem>>
    %dma_wait3A_919 = arith.constant 0 : i32
    %dma_wait3A_920 = tpu.memref_slice %arg11[%dma_wait3A_914, %dma_wait3A_919] : memref<2x128xi32, #tpu.memory_space<vmem>> -> memref<1x128xi32, #tpu.memory_space<vmem>>
    %dma_wait3A_921 = tpu.memref_squeeze %dma_wait3A_920 : memref<1x128xi32, #tpu.memory_space<vmem>> -> memref<128xi32, #tpu.memory_space<vmem>>
    %dma_wait3A_922 = arith.constant 0 : i32
    %dma_wait3A_923 = arith.constant 0 : i32
    %dma_wait3A_924 = tpu.memref_slice %arg6[%dma_wait3A_922, %dma_wait3A_923] : memref<131072x128xi32, #tpu.memory_space<hbm>> -> memref<131072x128xi32, #tpu.memory_space<hbm>>
    tpu.wait_indirect_dma semaphore(%arg18 : memref<!tpu.dma_semaphore, #tpu.memory_space<semaphore_mem>>) src(%dma_wait3A_918 : memref<128x128xi32, #tpu.memory_space<vmem>>) dst(%dma_wait3A_924 : memref<131072x128xi32, #tpu.memory_space<hbm>>)
    return
  }
}

</mosaic_0001>

<sc_bundles>
// kernel: kernel.3.cloned.1.call-start
scs
__scs_entry_jumppad:
0x0: {  	(pc) =	sbr.rel $0x88, $3  }
0x1: {  	(tag) =	ssettag $0x0;
	lr =	simm.s32 $0x1  }
0x2: {  	[smem:$0x3FA0] =	sst lr;
	_ =	strace $0xD0000000  }
0x3: {  	_ = 	snop  }
0x4: {  	_ = 	snop  }
0x5: {  	_ = 	snop  }
0x6: {  	_ = 	snop  }
0x7: {  	_ = 	snop  }
__scs_overlays_trampoline_lowered:
0x8: {  	[smem:$0x3FAF] =	sst s0  }
0x9: {  	[smem:$0x3FB0] =	sst s1  }
0xa: {  	[smem:$0x3FB1] =	sst s2  }
0xb: {  	[smem:$0x3FB2] =	sst s3  }
0xc: {  	[smem:$0x3FB3] =	sst s4  }
0xd: {  	[smem:$0x3FB4] =	sst s5  }
0xe: {  	[smem:$0x3FB5] =	sst s6  }
0xf: {  	[smem:$0x3FB6] =	sst s7  }
0x10: {  	[smem:$0x3FB7] =	sst s8  }
0x11: {  	[smem:$0x3FB8] =	sst s9;
	s0 =	simm.s32 @!p0 $0x0  }
0x12: {  	s1 =	sld [smem:$0x3F9E];
	s0 =	simm.s32 @p0 $0x1  }
0x13: {  	[smem:$0x3FB9] =	sst s0;
	s0 =	simm.s32 @!p1 $0x0  }
0x14: {  	s2 =	sld [smem:$0x3F9D];
	s0 =	simm.s32 @p1 $0x1  }
0x15: {  	[smem:$0x3FBA] =	sst s0;
	s0 =	simm.s32 @!p2 $0x0  }
0x16: {  	s3 =	sld [smem:$0x3FDB];
	s0 =	simm.s32 @p2 $0x1  }
0x17: {  	s4 =	simm.s32 $0x1BF5;
	[smem:$0x3FBC] =	sst s0  }
0x18: {  	s0 =	sld [smem:$0x3F9F];
	_ =	swait.ge [sflag:s4], $0x0  }
0x19: {  	s7 =	sld [smem:$0x3FA0]  }
0x1a: {  	s8 =	sadd.s32 $0xFFFFE003, lr  }
0x1b: {  	s9 =	sadd.s32 $0xFFFFFEF7, lr;
	s5 =	simm.s32 $0xFFFFFFFF;
	p2 =	slt.u32 s8, $0xFFFFF086  }
0x1c: {  	p1 =	slt.u32 s9, $0xF7A;
	s5 =	simm.s32 @!p2 $0x0  }
0x1d: {  	s5 =	simm.s32 @p1 $0x1;
	p0 =	seq.s32 s7, s2  }
0x1e: {  	s7 =	smul.u32 @!p0 $0xF7A, s2;
	p2 =	seq.s32 @!p0 s5, $0x0  }
0x1f: {  	s9 =	smul.u32 $0xF7A, s1;
	s8 =	simm.s32 @!p0 $0x1BF5;
	p2 =	por !p2, p0  }
0x20: {  	[sflag:s8] =	ssyncset.s32 @!p0 $0xFFFFF086;
	s6 =	sadd.s32 @!p0 s3, s7;
	s7 =	simm.s32 @!p0 $0x108  }
0x21: {  	s3 =	sadd.s32 s3, s9;
	s6 =	sadd.s32 @!p0 $0x88, s6;
	s7 =	simm.s32 @p2 $0x1082  }
0x22: {  	[simem:s7], [sflag:s8] =	dma.local @!p0 [hbm:s6], $0xF7A  }
0x23: {  	s9 =	sor.u32 $0xD0000000, s2;
	s6 =	simm.s32 $0x108;
	_ =	swait.ge @!p0 [sflag:s8], $0x0  }
0x24: {  	s3 =	sadd.s32 $0x88, s3;
	s6 =	simm.s32 @!p1 $0x1082;
	[sflag:s4] =	ssyncset.s32 $0xFFFFF086  }
0x25: {  	[simem:s6], [sflag:s4] =	dma.local [hbm:s3], $0xF7A  }
0x26: {  	[smem:$0x3FA0] =	sst s1;
	(tag) =	ssettag s2;
	_ =	strace s9  }
0x27: {  	s1 =	sld [smem:$0x3FB0]  }
0x28: {  	s2 =	sld [smem:$0x3FB1]  }
0x29: {  	s4 =	sld [smem:$0x3FB3]  }
0x2a: {  	p0 =	seq.s32 s5, $0x0;
	s5 =	sld [smem:$0x3FB4]  }
0x2b: {  	s6 =	sld [smem:$0x3FB5]  }
0x2c: {  	s7 =	sld [smem:$0x3FB6]  }
0x2d: {  	s3 =	simm.s32 $0x108;
	s8 =	sld [smem:$0x3FB7]  }
0x2e: {  	s3 =	simm.s32 @!p0 $0x1082;
	s9 =	sld [smem:$0x3FB8]  }
0x2f: {  	lr =	sadd.s32 s0, s3;
	s0 =	sld [smem:$0x3FAF]  }
0x30: {  	s3 =	sld [smem:$0x3FB2]  }
0x31: {  	[smem:$0x3FBB] =	sst s10  }
0x32: {  	s10 =	sld [smem:$0x3FB9];
	_ =	sdelay $0x3  }
0x33: {  	p0 =	seq.s32 s10, $0x1;
	s10 =	sld [smem:$0x3FBB];
	_ =	sdelay $0x3  }
0x34: {  	[smem:$0x3FBB] =	sst s10  }
0x35: {  	s10 =	sld [smem:$0x3FBA];
	_ =	sdelay $0x3  }
0x36: {  	p1 =	seq.s32 s10, $0x1;
	s10 =	sld [smem:$0x3FBB];
	_ =	sdelay $0x3  }
0x37: {  	[smem:$0x3FBB] =	sst s10  }
0x38: {  	s10 =	sld [smem:$0x3FBC]  }
0x39: {  	_ = 	snop;
	(pc) =	sbr.ind lr, $3  }
0x3a: {  	_ = 	snop  }
0x3b: {  	_ = 	snop  }
0x3c: {  	p2 =	seq.s32 s10, $0x1;
	s10 =	sld [smem:$0x3FBB]  }
0x3d: {  	_ =	shalt  }
0x3e: {  	_ =	shalt  }
0x3f: {  	_ =	shalt  }
0x40: {  	_ =	shalt  }
0x41: {  	_ =	shalt  }
0x42: {  	_ =	shalt  }
0x43: {  	_ =	shalt  }
0x44: {  	_ =	shalt  }
0x45: {  	_ =	shalt  }
0x46: {  	_ =	shalt  }
0x47: {  	_ =	shalt  }
0x48: {  	_ =	shalt  }
0x49: {  	_ =	shalt  }
0x4a: {  	_ =	shalt  }
0x4b: {  	_ =	shalt  }
0x4c: {  	_ =	shalt  }
0x4d: {  	_ =	shalt  }
0x4e: {  	_ =	shalt  }
0x4f: {  	_ =	shalt  }
0x50: {  	_ =	shalt  }
0x51: {  	_ =	shalt  }
0x52: {  	_ =	shalt  }
0x53: {  	_ =	shalt  }
0x54: {  	_ =	shalt  }
0x55: {  	_ =	shalt  }
0x56: {  	_ =	shalt  }
0x57: {  	_ =	shalt  }
0x58: {  	_ =	shalt  }
0x59: {  	_ =	shalt  }
0x5a: {  	_ =	shalt  }
0x5b: {  	_ =	shalt  }
0x5c: {  	_ =	shalt  }
0x5d: {  	_ =	shalt  }
0x5e: {  	_ =	shalt  }
0x5f: {  	_ =	shalt  }
0x60: {  	_ =	shalt  }
0x61: {  	_ =	shalt  }
0x62: {  	_ =	shalt  }
0x63: {  	_ =	shalt  }
0x64: {  	_ =	shalt  }
0x65: {  	_ =	shalt  }
0x66: {  	_ =	shalt  }
0x67: {  	_ =	shalt  }
0x68: {  	_ =	shalt  }
0x69: {  	_ =	shalt  }
0x6a: {  	_ =	shalt  }
0x6b: {  	_ =	shalt  }
0x6c: {  	_ =	shalt  }
0x6d: {  	_ =	shalt  }
0x6e: {  	_ =	shalt  }
0x6f: {  	_ =	shalt  }
0x70: {  	_ =	shalt  }
0x71: {  	_ =	shalt  }
0x72: {  	_ =	shalt  }
0x73: {  	_ =	shalt  }
0x74: {  	_ =	shalt  }
0x75: {  	_ =	shalt  }
0x76: {  	_ =	shalt  }
0x77: {  	_ =	shalt  }
0x78: {  	_ =	shalt  }
0x79: {  	_ =	shalt  }
0x7a: {  	_ =	shalt  }
0x7b: {  	_ =	shalt  }
0x7c: {  	_ =	shalt  }
0x7d: {  	_ =	shalt  }
0x7e: {  	_ =	shalt  }
0x7f: {  	_ =	shalt  }
0x80: {  	_ =	shalt  }
0x81: {  	_ =	shalt  }
0x82: {  	_ =	shalt  }
0x83: {  	_ =	shalt  }
0x84: {  	_ =	shalt  }
0x85: {  	_ =	shalt  }
0x86: {  	_ =	shalt  }
0x87: {  	_ =	shalt  }
.Lfunc_end0:
.L_simem_size_0:
called_computation_lowered:
.L_overlay_start_0:
0x88: {  	s2 =	sld [smem:$0x3FD9]  }
0x89: {  	s3 =	sld [smem:$0x3FFE];
	_ =	sdelay $0x1  }
0x8a: {  	s1 =	srdreg.scid  }
0x8b: {  	s0 =	sand.u32 $0x1, s1  }
0x8c: {  	s17 =	sshll.u32 s0, $0xA;
	s2 =	sadd.s32 s3, s2  }
0x8d: {  	s2 =	sadd.s32 s2, s17  }
0x8e: {  	[smem:$0x3FC7] =	sst s2  }
0x8f: {  	_ = 	snop  }
0x90: {  	s2 =	sld [smem:$0x3FC9]  }
0x91: {  	s18 =	sld [smem:$0x3FD0];
	(tm) =	ssettm $0x1  }
0x92: {  	s4 =	sld [smem:$0x3FFB];
	_ =	sdelay $0x3  }
0x93: {  	_ =	strace s4  }
0x94: {  	s4 =	sld [smem:$0x3FFC];
	_ =	sdelay $0x3  }
0x95: {  	_ =	strace s4  }
0x96: {  	s4 =	sld [smem:$0x3FFD];
	_ =	sdelay $0x3  }
0x97: {  	_ =	strace s4  }
0x98: {  	_ =	strace $0x8FFFFFFF  }
0x99: {  	s19 =	sld [smem:$0x3FDB];
	_ =	sdelay $0x1  }
0x9a: {  	s5 =	simm.s32 $_scs_section_size  }
0x9b: {  	s6 =	simm.s32 $_size__tile_overlayer_lowered;
	s7 =	simm.s32 $_tile_overlayer_lowered  }
0x9c: {  	s22 =	simm.s32 $0x1BFF;
	s21 =	sshll.u32 s7, $0x1;
	s4 =	sadd.s32 s5, s19  }
0x9d: {  	s8 =	simm.s32 $0x0;
	s20 =	sshll.u32 s6, $0x1;
	s6 =	sadd.s32 s21, s4  }
0x9e: {  	[timem:s8], [sflag:s22] =	dma.local [hbm:s6], s20  }
0x9f: {  	_ =	swait.ge [sflag:s22], s20  }
0xa0: {  	s5 =	ssub.s32 $0x0, s20;
	[sflag:s22] =	ssyncset.done $0x0  }
0xa1: {  	[sflag:s22] =	ssyncadd.s32 s5;
	_ =	sdelay $0x1  }
0xa2: {  	s23 =	simm.s32 $0x1B8B  }
0xa3: {  	_ =	swait.ge [sflag:s23], $0x1  }
0xa4: {  	[sflag:s23] =	ssyncset.done $0x0  }
0xa5: {  	s25 =	simm.s32 $0x1B8E;
	s24 =	sld [smem:$0x3FFE];
	[sflag:s23] =	ssyncadd.s32 $0xFFFFFFFF  }
0xa6: {  	s26 =	simm.s32 $execute0_lowered;
	[smem:$0x3FD2] =	sst s25  }
0xa7: {  	s6 =	sshll.u32 s26, $0x1;
	_ =	strace $0x80000046;
	[dreg:$0x1] =	wrdreg $0xFFFFFFFF  }
0xa8: {  	s28 =	simm.s32 $_size_execute0_lowered;
	s4 =	sadd.s32 s4, s6;
	[dreg:$0x0] =	wrdreg $0x0  }
0xa9: {  	s6 =	sshll.u32 s28, $0x1;
	[dreg:$0x2] =	wrdreg s4  }
0xaa: {  	[dreg:$0x3] =	wrdreg s6  }
0xab: {  	[dreg:$0x4] =	wrdreg $0xC0  }
0xac: {  	_ =	task [dreg:s8], $0x5FFFF  }
0xad: {  	[dreg:$0x1] =	wrdreg $0xFFFFFFFF  }
0xae: {  	[dreg:$0x0] =	wrdreg $0x60  }
0xaf: {  	[dreg:$0x2] =	wrdreg s2  }
0xb0: {  	[dreg:$0x3] =	wrdreg s24  }
0xb1: {  	[dreg:$0x4] =	wrdreg s18  }
0xb2: {  	[dreg:$0x5] =	wrdreg $0x198000  }
0xb3: {  	[dreg:$0x6] =	wrdreg $0x9  }
0xb4: {  	_ =	task.clear_ibuf [dreg:s8], $0x7FFFF;
	_ =	strace $0x90000046  }
0xb5: {  	s29 =	simm.s32 $0x9;
	_ =	strace $0x80000048  }
0xb6: {  	_ =	swait.ge [sflag:s29], $0x1  }
0xb7: {  	[sflag:s29] =	ssyncadd.s32 $0xFFFFFFFF  }
0xb8: {  	_ =	strace $0x90000048  }
0xb9: {  	_ =	sfence  }
0xba: {  	s30 =	sld [smem:$0x0];
	_ =	sdelay $0x2  }
0xbb: {  	s31 =	sshll.u32 s1, $0xD;
	s1 =	sshrl.u32 s1, $0x2  }
0xbc: {  	s3 =	sand.u32 $0x4000, s31;
	s1 =	sadd.s32 s1, s30  }
0xbd: {  	s0 =	sor.u32 s3, s0;
	s1 =	sshll.u32 s1, $0x11  }
0xbe: {  	s0 =	sor.u32 s1, s0  }
0xbf: {  	s0 =	sadd.s32 $0x8F2B, s0  }
0xc0: {  	[sflag:s0] =	ssyncadd.remote.s32 $0x1  }
0xc1: {  	_ =	sfence.sel $0xFFFF  }
0xc2: {  	[dreg:$0x0] =	wrdreg $0xFFFFFFFF;
	(pc) =	sbr.abs _section_cstart, $3  }
0xc3: {  	[dreg:$0x1] =	wrdreg $0xFFFFFFFF  }
0xc4: {  	_ =	task.clear_ibuf [dreg:s8], $0x2FFFF;
	_ =	strace $0x9FFFFFFF  }
0xc5: {  	(tm) =	ssettm $0x7FFFFFFF  }
tec
execute0_lowered:
.L_overlay_start_1:
0x0: {  	(tag) =	ssettag $0x1  }
0x1: {  	s1 =	rddreg [dreg:$0x0]  }
0x2: {  	s0 =	rddreg [dreg:$0x1]  }
0x3: {  	s2 =	rddreg [dreg:$0x2]  }
0x4: {  	s21 =	rddreg [dreg:$0x3]  }
0x5: {  	s3 =	srdreg.scid;
	_ =	strace $0x80000047;
	s9 =	stileid.u32  }
0x6: {  	s4 =	sadd.s32 $0x400, s0;
	s3 =	sand.u32 $0x1, s3;
	s22 =	sadd.s32 $0x200, s0  }
0x7: {  	s0 =	sadd.s32 $0x600, s0;
	s8 =	sshll.u32 s9, $0xD;
	[dreg:$0x5] =	wrdreg s4  }
0x8: {  	s10 =	sshll.u32 s9, $0x8;
	[dreg:$0x6] =	wrdreg s22;
	s23 =	ssub.s32 $0x2, s3  }
0x9: {  	[dreg:$0x7] =	wrdreg s0;
	s25 =	sor.u32 $0x10, s8;
	s5 =	sor.u32 $0x20, s8  }
0xa: {  	s6 =	sor.u32 $0x30, s8;
	s7 =	sor.u32 $0x40, s8;
	s11 =	sor.u32 $0x50, s8  }
0xb: {  	s12 =	sor.u32 $0x60, s8;
	s13 =	sor.u32 $0x70, s8;
	s14 =	sor.u32 $0x80, s8  }
0xc: {  	s15 =	sor.u32 $0x90, s8;
	s16 =	sor.u32 $0xA0, s8;
	s17 =	sor.u32 $0xB0, s8  }
0xd: {  	s18 =	sor.u32 $0xC0, s8;
	s19 =	sor.u32 $0xD0, s8;
	s3 =	sshll.u32 s3, $0xC  }
0xe: {  	s20 =	sor.u32 $0xE0, s8;
	s26 =	sadd.s32 s10, s21;
	s31 =	sor.u32 $0xF0, s8  }
0xf: {  	v0 =	vlaneseq.u32;
	s24 =	sshrl.u32 s23, $0x1;
	s9 =	sor.u32 s3, s8;
	[dreg:$0x8] =	wrdreg s26  }
0x10: {  	v10 =	vor.u32 s16, v0;
	v11 =	vor.u32 s17, v0;
	v12 =	vor.u32 s18, v0;
	s16 =	simm.s32 $0x80;
	s17 =	simm.s32 $0x8500;
	s18 =	simm.s32 $0x8700  }
0x11: {  	v1 =	vor.u32 s25, v0;
	v13 =	vor.u32 s19, v0;
	v14 =	vor.u32 s20, v0;
	s19 =	simm.s32 $0x8580;
	s20 =	simm.s32 $0xC700;
	s0 =	ssub.s32 s23, s24  }
0x12: {  	v33 =	vimm.s32 $0x0;
	v31 =	vor.u32 s8, v0;
	s21 =	sor.u32 $0x10, s9;
	[tilespmem:$0x1FF70] =	vst v1;
	v1 =	vor.u32 s5, v0;
	s4 =	sor.u32 $0x20, s9;
	s5 =	sor.u32 $0x30, s9  }
0x13: {  	v15 =	vor.u32 s31, v0;
	s22 =	sor.u32 $0x60, s9;
	s23 =	sor.u32 $0x70, s9;
	s24 =	sor.u32 $0x80, s9;
	v32 =	vor.u32 s9, v0;
	[tilespmem:$0x1FF80] =	vst v1;
	v1 =	vor.u32 s6, v0  }
0x14: {  	s25 =	sor.u32 $0x90, s9;
	s26 =	sor.u32 $0xA0, s9;
	s28 =	sor.u32 $0xB0, s9;
	v16 =	vor.u32 s21, v0;
	v17 =	vor.u32 s4, v0;
	[tilespmem:$0x1FF90] =	vst v1;
	v1 =	vor.u32 s7, v0  }
0x15: {  	s29 =	sor.u32 $0xC0, s9;
	s30 =	sor.u32 $0xD0, s9;
	s10 =	sor.u32 $0xE0, s9;
	v18 =	vor.u32 s5, v0;
	v21 =	vor.u32 s22, v0;
	[tilespmem:$0x1FFA0] =	vst v1;
	v1 =	vor.u32 s11, v0  }
0x16: {  	s31 =	sor.u32 $0xF0, s9;
	s6 =	sor.u32 $0x40, s9;
	v23 =	vor.u32 s24, v0;
	v24 =	vor.u32 s25, v0;
	s21 =	simm.s32 $0x1;
	[tilespmem:$0x1FFB0] =	vst v1;
	v1 =	vor.u32 s12, v0  }
0x17: {  	v25 =	vor.u32 s26, v0;
	v26 =	vor.u32 s28, v0;
	s24 =	simm.s32 $0x8600;
	s25 =	simm.s32 $0x10700;
	s26 =	simm.s32 $0x8680;
	[tilespmem:$0x1FFC0] =	vst v1;
	v1 =	vor.u32 s13, v0  }
0x18: {  	v27 =	vor.u32 s29, v0;
	v28 =	vor.u32 s30, v0;
	s28 =	simm.s32 $0x14700;
	s29 =	simm.s32 $0x2;
	s30 =	simm.s32 $0x0;
	[tilespmem:$0x1FFD0] =	vst v1;
	v1 =	vor.u32 s14, v0  }
0x19: {  	v22 =	vor.u32 s23, v0;
	v29 =	vor.u32 s10, v0;
	s7 =	sor.u32 $0x50, s9;
	s11 =	smax.u32 s0, $0x1;
	s12 =	simm.s32 $0x0;
	[tilespmem:$0x1FFE0] =	vst v1;
	v1 =	vor.u32 s15, v0  }
0x1a: {  	v30 =	vor.u32 s31, v0;
	v19 =	vor.u32 s6, v0;
	v20 =	vor.u32 s7, v0;
	s13 =	simm.s32 $0x3;
	s14 =	simm.s32 $0x280;
	s15 =	simm.s32 $0x480;
	[tilespmem:$0x1FFF0] =	vst v1  }
.LBB2_1:
0x1b: {  	s0 =	rddreg [dreg:$0x5]  }
0x1c: {  	[tilespmem:s12], [sflag:$0x3] =	stream.linear.gather [hbm4b:s0+s12], $0x280, $0x38;
	[tilespmem:$0x19820] =	vst v63  }
0x1d: {  	_ =	swait.ge [sflag:s13], $0x280  }
0x1e: {  	[sflag:s13] =	ssyncset.done $0x0  }
0x1f: {  	s23 =	rddreg [dreg:$0x6];
	[sflag:s13] =	ssyncadd.s32 $0xFFFFFD80  }
0x20: {  	[tilespmem:s14], [sflag:$0x3] =	stream.linear.gather [hbm4b:s23+s12], $0x200, $0x38;
	[tilespmem:$0x19820] =	vst v63  }
0x21: {  	_ =	swait.ge [sflag:s13], $0x200  }
0x22: {  	[sflag:s13] =	ssyncset.done $0x0  }
0x23: {  	s31 =	rddreg [dreg:$0x7];
	[sflag:s13] =	ssyncadd.s32 $0xFFFFFE00  }
0x24: {  	[tilespmem:s15], [sflag:$0x3] =	stream.linear.gather [hbm4b:s31+s12], $0x8080, $0x38;
	[tilespmem:$0x19820] =	vst v63  }
0x25: {  	_ =	swait.ge [sflag:s13], $0x8080  }
0x26: {  	v1 =	vld [tilespmem:$0x1FF70];
	_ =	sdelay $0x2  }
0x27: {  	[sflag:s13] =	ssyncset.done $0x0  }
0x28: {  	[sflag:s13] =	ssyncadd.s32 $0xFFFF7F80  }
0x29: {  	[tilespmem:$0x8510] =	vst v1;
	v1 =	vld [tilespmem:$0x1FF80];
	_ =	sdelay $0x4  }
0x2a: {  	[tilespmem:$0x8520] =	vst v1;
	v1 =	vld [tilespmem:$0x1FF90];
	_ =	sdelay $0x4  }
0x2b: {  	[tilespmem:$0x8530] =	vst v1;
	v1 =	vld [tilespmem:$0x1FFA0];
	_ =	sdelay $0x4  }
0x2c: {  	[tilespmem:$0x8540] =	vst v1;
	v1 =	vld [tilespmem:$0x1FFB0];
	_ =	sdelay $0x4  }
0x2d: {  	[tilespmem:$0x8550] =	vst v1;
	v1 =	vld [tilespmem:$0x1FFC0];
	_ =	sdelay $0x4  }
0x2e: {  	[tilespmem:$0x8560] =	vst v1;
	v1 =	vld [tilespmem:$0x1FFD0];
	_ =	sdelay $0x4  }
0x2f: {  	[tilespmem:$0x8570] =	vst v1;
	v1 =	vld [tilespmem:$0x1FFE0]  }
0x30: {  	[tilespmem:$0x8500] =	vst v31  }
0x31: {  	[tilespmem:s18], [sflag:$0x1] =	stream.indirect.gather [hbm4b:s1+s16], $0x80, s17, s16, $0xb8;
	[tilespmem:$0x19820] =	vst v63  }
0x32: {  	[tilespmem:$0x85A0] =	vst v10  }
0x33: {  	[tilespmem:$0x85B0] =	vst v11  }
0x34: {  	[tilespmem:$0x8580] =	vst v1;
	v1 =	vld [tilespmem:$0x1FFF0]  }
0x35: {  	v44 =	vimm.f32 $+Inf;
	[tilespmem:$0x85C0] =	vst v12  }
0x36: {  	v45 =	vimm.f32 $-Inf;
	v34 =	vimm.f32 $-Inf;
	v35 =	vimm.f32 $-Inf;
	[tilespmem:$0x85D0] =	vst v13  }
0x37: {  	v36 =	vimm.f32 $-Inf;
	v38 =	vimm.f32 $-Inf;
	v40 =	vimm.f32 $-Inf;
	[tilespmem:$0x85E0] =	vst v14  }
0x38: {  	v47 =	vimm.f32 $-Inf;
	v37 =	vimm.f32 $+Inf;
	v39 =	vimm.f32 $+Inf;
	[tilespmem:$0x85F0] =	vst v15  }
0x39: {  	v41 =	vimm.f32 $+Inf;
	v42 =	vimm.f32 $+Inf;
	v43 =	vimm.f32 $+Inf;
	s0 =	simm.s32 $0x0;
	[tilespmem:$0x8590] =	vst v1  }
0x3a: {  	v48 =	vimm.f32 $+Inf;
	v49 =	vimm.f32 $+Inf;
	v1 =	vimm.f32 $-Inf;
	[tilespmem:s20], [sflag:$0x1] =	stream.indirect.gather [hbm4b:s1+s16], $0x80, s19, s16, $0xb8;
	[tilespmem:$0x19820] =	vst v63  }
.LBB2_2:
0x3b: {  	_ =	swait.ge [sflag:s21], $0x4000  }
0x3c: {  	[sflag:s21] =	ssyncset.done $0x0  }
0x3d: {  	s5 =	simm.s32 $0x0;
	[sflag:s21] =	ssyncadd.s32 $0xFFFFC000  }
0x3e: {  	v53 =	vld [tilespmem:s5+$0x8770]  }
0x3f: {  	v54 =	vld [tilespmem:s5+$0x8700]  }
0x40: {  	v55 =	vld [tilespmem:s5+$0x8710]  }
0x41: {  	v52 =	vld [tilespmem:s5+$0x8720]  }
0x42: {  	v51 =	vld [tilespmem:s5+$0x8730]  }
0x43: {  	v50 =	vld [tilespmem:s5+$0x8740]  }
0x44: {  	v46 =	vmin.f32 v44, v53;
	v44 =	vmax.f32 v45, v53;
	v45 =	vmin.f32 v49, v54;
	v53 =	vld [tilespmem:s5+$0x8750]  }
0x45: {  	s4 =	simm.s32 $0x80;
	s3 =	simm.s32 $0x400;
	v47 =	vmax.f32 v47, v54;
	v48 =	vmin.f32 v48, v55;
	v49 =	vmax.f32 v1, v55;
	v54 =	vld [tilespmem:s5+$0x8760]  }
.LBB2_3:
0x46: {  	p0 =	sne.s32 s3, $0xFE00;
	v1 =	vld [tilespmem:s4+$0x8770];
	v43 =	vmin.f32 v43, v52;
	v40 =	vmax.f32 v40, v52  }
0x47: {  	v55 =	vld [tilespmem:s4+$0x8700];
	v42 =	vmin.f32 v42, v51;
	v38 =	vmax.f32 v38, v51  }
0x48: {  	v56 =	vld [tilespmem:s4+$0x8710];
	v41 =	vmin.f32 v41, v50;
	v36 =	vmax.f32 v36, v50  }
.Ltmp0:
0x49: {  	v52 =	vld [tilespmem:s4+$0x8720];
	v39 =	vmin.f32 v39, v53;
	v35 =	vmax.f32 v35, v53;
	(pc) =	sbr.rel @p0 .LBB2_3-.Ltmp0, $4  }
0x4a: {  	v51 =	vld [tilespmem:s4+$0x8730];
	v37 =	vmin.f32 v37, v54;
	v34 =	vmax.f32 v34, v54  }
0x4b: {  	v50 =	vld [tilespmem:s4+$0x8740];
	v46 =	vmin.f32 v46, v1;
	v44 =	vmax.f32 v44, v1  }
0x4c: {  	v45 =	vmin.f32 v45, v55;
	v47 =	vmax.f32 v47, v55;
	v53 =	vld [tilespmem:s4+$0x8750]  }
0x4d: {  	v48 =	vmin.f32 v48, v56;
	v49 =	vmax.f32 v49, v56;
	v54 =	vld [tilespmem:s4+$0x8760];
	s4 =	sshra.s32 s3, $0x2;
	s3 =	sadd.s32 $0x200, s3  }
0x4e: {  	v1 =	vld [tilespmem:s4+$0x8770]  }
0x4f: {  	v55 =	vld [tilespmem:s4+$0x8700]  }
0x50: {  	v56 =	vld [tilespmem:s4+$0x8710];
	s3 =	sshll.u32 s0, $0x8  }
0x51: {  	v57 =	vld [tilespmem:s4+$0x8720];
	s5 =	sadd.s32 $0x100, s3  }
0x52: {  	v58 =	vld [tilespmem:s4+$0x8730];
	s5 =	sand.u32 $0x1F00, s5  }
0x53: {  	v59 =	vld [tilespmem:s4+$0x8740];
	s5 =	sor.u32 s8, s5  }
0x54: {  	v60 =	vld [tilespmem:s4+$0x8750];
	v62 =	vor.u32 s5, v0;
	s31 =	sor.u32 $0x10, s5  }
0x55: {  	v61 =	vld [tilespmem:s4+$0x8760];
	s6 =	sor.u32 $0x20, s5;
	[tilespmem:$0x8500] =	vst v62;
	v7 =	vor.u32 s31, v0  }
0x56: {  	s7 =	sor.u32 $0x30, s5;
	v4 =	vor.u32 s6, v0;
	[tilespmem:$0x8510] =	vst v7  }
0x57: {  	s10 =	sor.u32 $0x40, s5;
	v5 =	vor.u32 s7, v0;
	[tilespmem:$0x8520] =	vst v4  }
0x58: {  	s22 =	sor.u32 $0x50, s5;
	v6 =	vor.u32 s10, v0;
	[tilespmem:$0x8530] =	vst v5  }
0x59: {  	s23 =	sor.u32 $0x60, s5;
	[tilespmem:$0x8540] =	vst v6;
	v7 =	vor.u32 s22, v0  }
0x5a: {  	s31 =	sor.u32 $0x70, s5;
	v4 =	vor.u32 s23, v0;
	[tilespmem:$0x8550] =	vst v7  }
0x5b: {  	v5 =	vor.u32 s31, v0;
	[tilespmem:$0x8560] =	vst v4  }
0x5c: {  	[tilespmem:$0x8570] =	vst v5  }
0x5d: {  	[tilespmem:s18], [sflag:$0x1] =	stream.indirect.gather [hbm4b:s1+s16], $0x80, s17, s16, $0xb8;
	[tilespmem:$0x19820] =	vst v63  }
0x5e: {  	v43 =	vmin.f32 v43, v52;
	v40 =	vmax.f32 v40, v52;
	_ =	swait.ge [sflag:s21], $0x4000  }
0x5f: {  	v42 =	vmin.f32 v42, v51;
	v38 =	vmax.f32 v38, v51;
	v41 =	vmin.f32 v41, v50;
	[sflag:s21] =	ssyncset.done $0x0  }
0x60: {  	v36 =	vmax.f32 v36, v50;
	v39 =	vmin.f32 v39, v53;
	v35 =	vmax.f32 v35, v53;
	s6 =	simm.s32 $0x0;
	[sflag:s21] =	ssyncadd.s32 $0xFFFFC000  }
0x61: {  	v37 =	vmin.f32 v37, v54;
	v34 =	vmax.f32 v34, v54;
	v52 =	vmin.f32 v46, v1;
	v6 =	vld [tilespmem:s6+$0xC770]  }
0x62: {  	v1 =	vmax.f32 v44, v1;
	v2 =	vmin.f32 v48, v56;
	v56 =	vmax.f32 v49, v56;
	v63 =	vld [tilespmem:s6+$0xC700]  }
0x63: {  	v49 =	vmin.f32 v43, v57;
	v48 =	vmin.f32 v42, v58;
	v46 =	vmin.f32 v41, v59;
	v3 =	vld [tilespmem:s6+$0xC710]  }
0x64: {  	v43 =	vmax.f32 v36, v59;
	v44 =	vmin.f32 v39, v60;
	v41 =	vmax.f32 v35, v60;
	v53 =	vld [tilespmem:s6+$0xC720]  }
0x65: {  	v42 =	vmin.f32 v37, v61;
	v36 =	vmax.f32 v34, v61;
	v7 =	vmin.f32 v45, v55;
	v51 =	vld [tilespmem:s6+$0xC730]  }
0x66: {  	v55 =	vmax.f32 v47, v55;
	v47 =	vmax.f32 v40, v57;
	v45 =	vmax.f32 v38, v58;
	v50 =	vld [tilespmem:s6+$0xC740]  }
0x67: {  	v38 =	vmin.f32 v52, v6;
	v34 =	vmax.f32 v1, v6;
	v35 =	vmin.f32 v7, v63;
	v52 =	vld [tilespmem:s6+$0xC750]  }
0x68: {  	s4 =	simm.s32 $0x80;
	s5 =	simm.s32 $0x400;
	v54 =	vld [tilespmem:s6+$0xC760];
	v37 =	vmax.f32 v55, v63;
	v39 =	vmin.f32 v2, v3;
	v40 =	vmax.f32 v56, v3  }
.LBB2_5:
0x69: {  	p0 =	sne.s32 s5, $0xFE00;
	v1 =	vld [tilespmem:s4+$0xC770];
	v49 =	vmin.f32 v49, v53;
	v47 =	vmax.f32 v47, v53  }
0x6a: {  	v2 =	vld [tilespmem:s4+$0xC700];
	v48 =	vmin.f32 v48, v51;
	v45 =	vmax.f32 v45, v51  }
0x6b: {  	v3 =	vld [tilespmem:s4+$0xC710];
	v46 =	vmin.f32 v46, v50;
	v43 =	vmax.f32 v43, v50  }
.Ltmp1:
0x6c: {  	v53 =	vld [tilespmem:s4+$0xC720];
	v44 =	vmin.f32 v44, v52;
	v41 =	vmax.f32 v41, v52;
	(pc) =	sbr.rel @p0 .LBB2_5-.Ltmp1, $4  }
0x6d: {  	v51 =	vld [tilespmem:s4+$0xC730];
	v42 =	vmin.f32 v42, v54;
	v36 =	vmax.f32 v36, v54  }
0x6e: {  	v50 =	vld [tilespmem:s4+$0xC740];
	v38 =	vmin.f32 v38, v1;
	v34 =	vmax.f32 v34, v1  }
0x6f: {  	v35 =	vmin.f32 v35, v2;
	v37 =	vmax.f32 v37, v2;
	v52 =	vld [tilespmem:s4+$0xC750]  }
0x70: {  	v39 =	vmin.f32 v39, v3;
	v40 =	vmax.f32 v40, v3;
	v54 =	vld [tilespmem:s4+$0xC760];
	s4 =	sshra.s32 s5, $0x2;
	s5 =	sadd.s32 $0x200, s5  }
0x71: {  	v1 =	vld [tilespmem:s4+$0xC770]  }
0x72: {  	v2 =	vld [tilespmem:s4+$0xC700]  }
0x73: {  	v3 =	vld [tilespmem:s4+$0xC710]  }
0x74: {  	v55 =	vld [tilespmem:s4+$0xC720];
	s3 =	sadd.s32 $0x180, s3  }
0x75: {  	v56 =	vld [tilespmem:s4+$0xC730];
	s3 =	sand.u32 $0x1F80, s3  }
0x76: {  	v57 =	vld [tilespmem:s4+$0xC740];
	v61 =	vmin.f32 v49, v53;
	s3 =	sor.u32 s8, s3  }
0x77: {  	v58 =	vld [tilespmem:s4+$0xC750];
	v53 =	vmax.f32 v47, v53;
	v46 =	vmin.f32 v46, v50;
	v60 =	vor.u32 s3, v0;
	s6 =	sor.u32 $0x10, s3  }
0x78: {  	v59 =	vld [tilespmem:s4+$0xC760];
	v50 =	vmax.f32 v43, v50;
	s7 =	sor.u32 $0x20, s3;
	s10 =	sor.u32 $0x30, s3;
	v62 =	vmin.f32 v44, v52;
	[tilespmem:$0x8580] =	vst v60;
	v4 =	vor.u32 s6, v0  }
0x79: {  	s22 =	sor.u32 $0x40, s3;
	v5 =	vor.u32 s7, v0;
	v60 =	vmin.f32 v48, v51;
	v6 =	vor.u32 s10, v0;
	[tilespmem:$0x8590] =	vst v4  }
0x7a: {  	s23 =	sor.u32 $0x50, s3;
	s31 =	sor.u32 $0x60, s3;
	s3 =	sor.u32 $0x70, s3;
	v51 =	vmax.f32 v45, v51;
	v7 =	vor.u32 s22, v0;
	v63 =	vmin.f32 v42, v54;
	[tilespmem:$0x85A0] =	vst v5  }
0x7b: {  	s0 =	sadd.s32 $0x1, s0;
	v43 =	vor.u32 s3, v0;
	[tilespmem:$0x85B0] =	vst v6;
	v4 =	vor.u32 s23, v0;
	v5 =	vmax.f32 v41, v52  }
0x7c: {  	p0 =	sne.s32 s0, $0x20;
	[tilespmem:$0x85C0] =	vst v7;
	v6 =	vor.u32 s31, v0;
	v7 =	vmax.f32 v36, v54;
	v44 =	vmin.f32 v38, v1  }
.Ltmp2:
0x7d: {  	v45 =	vmax.f32 v34, v1;
	v49 =	vmin.f32 v35, v2;
	v47 =	vmax.f32 v37, v2;
	(pc) =	sbr.rel @p0 .LBB2_2-.Ltmp2, $4  }
0x7e: {  	[tilespmem:$0x85F0] =	vst v43;
	v48 =	vmin.f32 v39, v3;
	v1 =	vmax.f32 v40, v3;
	v43 =	vmin.f32 v61, v55  }
0x7f: {  	v40 =	vmax.f32 v53, v55;
	v42 =	vmin.f32 v60, v56;
	v38 =	vmax.f32 v51, v56;
	[tilespmem:$0x85D0] =	vst v4  }
0x80: {  	v41 =	vmin.f32 v46, v57;
	v36 =	vmax.f32 v50, v57;
	v39 =	vmin.f32 v62, v58;
	[tilespmem:$0x85E0] =	vst v6  }
0x81: {  	v37 =	vmin.f32 v63, v59;
	v35 =	vmax.f32 v5, v58;
	v34 =	vmax.f32 v7, v59;
	[tilespmem:s20], [sflag:$0x1] =	stream.indirect.gather [hbm4b:s1+s16], $0x80, s19, s16, $0xb8;
	[tilespmem:$0x19820] =	vst v63  }
0x82: {  	v2 =	vmin.f32 v49, v48  }
0x83: {  	_ =	swait.ge [sflag:s21], $0x4000;
	v1 =	vmax.f32 v47, v1;
	v2 =	vmin.f32 v2, v43  }
0x84: {  	[sflag:s21] =	ssyncset.done $0x0;
	v1 =	vmax.f32 v1, v40;
	v2 =	vmin.f32 v2, v42  }
0x85: {  	[sflag:s21] =	ssyncadd.s32 $0xFFFFC000;
	v1 =	vmax.f32 v1, v38;
	v2 =	vmin.f32 v2, v41  }
0x86: {  	_ =	swait.ge [sflag:s21], $0x4000;
	v1 =	vmax.f32 v1, v36;
	v2 =	vmin.f32 v2, v39  }
0x87: {  	[sflag:s21] =	ssyncset.done $0x0;
	v1 =	vmax.f32 v1, v35;
	v2 =	vmin.f32 v2, v37  }
0x88: {  	[sflag:s21] =	ssyncadd.s32 $0xFFFFC000;
	v1 =	vmax.f32 v1, v34;
	v2 =	vmin.f32 v2, v44  }
0x89: {  	v1 =	vmax.f32 v1, v45;
	[tilespmem:$0x18700] =	vst v2  }
0x8a: {  	s3 =	simm.s32 $0x18700;
	s0 =	rddreg [dreg:$0x8];
	[tilespmem:$0x18780] =	vst v1  }
0x8b: {  	[spmem:s0] =	stream.linear.scatter [tilespmem:s3], [sflag:$0x3], $0x100, $0x38;
	[tilespmem:$0x19820] =	vst v63  }
0x8c: {  	_ =	swait.ge [sflag:s13], $0x100  }
0x8d: {  	[sflag:s13] =	ssyncset.done $0x0  }
0x8e: {  	[sflag:s13] =	ssyncadd.s32 $0xFFFFFF00  }
0x8f: {  	[bflag:$0x0] =	sbarrier.arrive $0xFFFF  }
0x90: {  	s23 =	simm.s32 $0x18800;
	s22 =	rddreg [dreg:$0x3]  }
0x91: {  	[tilespmem:s23], [sflag:$0x3] =	stream.linear.gather [spmem:s22], $0x1000, $0x38;
	[tilespmem:$0x19820] =	vst v63  }
0x92: {  	_ =	swait.ge [sflag:s13], $0x1000  }
0x93: {  	[sflag:s13] =	ssyncset.done $0x0  }
0x94: {  	[sflag:s13] =	ssyncadd.s32 $0xFFFFF000  }
0x95: {  	v3 =	vld [tilespmem:$0x18800]  }
0x96: {  	v34 =	vld [tilespmem:$0x18880]  }
0x97: {  	v56 =	vld [tilespmem:$0x18900]  }
0x98: {  	v36 =	vld [tilespmem:$0x18980]  }
0x99: {  	v57 =	vld [tilespmem:$0x18A00]  }
0x9a: {  	v38 =	vld [tilespmem:$0x18A80]  }
0x9b: {  	v58 =	vld [tilespmem:$0x18B00]  }
0x9c: {  	v40 =	vld [tilespmem:$0x18B80]  }
0x9d: {  	v59 =	vld [tilespmem:$0x18C00]  }
0x9e: {  	v42 =	vld [tilespmem:$0x18C80]  }
0x9f: {  	v60 =	vld [tilespmem:$0x18D00]  }
0xa0: {  	v61 =	vld [tilespmem:$0x18D80]  }
0xa1: {  	v62 =	vld [tilespmem:$0x18E00]  }
0xa2: {  	v46 =	vld [tilespmem:$0x18E80]  }
0xa3: {  	v63 =	vld [tilespmem:$0x18F00]  }
0xa4: {  	v6 =	vld [tilespmem:$0x18F80]  }
0xa5: {  	v7 =	vld [tilespmem:$0x19000]  }
0xa6: {  	v50 =	vld [tilespmem:$0x19080]  }
0xa7: {  	v51 =	vld [tilespmem:$0x19100]  }
0xa8: {  	v52 =	vld [tilespmem:$0x19180]  }
0xa9: {  	v2 =	vmin.f32 v2, v3;
	v3 =	vld [tilespmem:$0x19200]  }
0xaa: {  	v1 =	vmax.f32 v1, v34;
	v2 =	vmin.f32 v2, v56;
	v56 =	vld [tilespmem:$0x19280]  }
0xab: {  	v1 =	vmax.f32 v1, v36;
	v2 =	vmin.f32 v2, v57;
	v57 =	vld [tilespmem:$0x19300]  }
0xac: {  	v1 =	vmax.f32 v1, v38;
	v2 =	vmin.f32 v2, v58;
	v58 =	vld [tilespmem:$0x19380]  }
0xad: {  	v1 =	vmax.f32 v1, v40;
	v2 =	vmin.f32 v2, v59;
	v59 =	vld [tilespmem:$0x19400]  }
0xae: {  	v1 =	vmax.f32 v1, v42;
	v2 =	vmin.f32 v2, v60;
	v60 =	vld [tilespmem:$0x19480]  }
0xaf: {  	v1 =	vmax.f32 v1, v61;
	v61 =	vld [tilespmem:$0x19500];
	v2 =	vmin.f32 v2, v62  }
0xb0: {  	v1 =	vmax.f32 v1, v46;
	v62 =	vld [tilespmem:$0x19580];
	v2 =	vmin.f32 v2, v63  }
0xb1: {  	v1 =	vmax.f32 v1, v6;
	v63 =	vld [tilespmem:$0x19600];
	v2 =	vmin.f32 v2, v7  }
0xb2: {  	v6 =	vld [tilespmem:$0x19680];
	v1 =	vmax.f32 v1, v50;
	v2 =	vmin.f32 v2, v51  }
0xb3: {  	v1 =	vmax.f32 v1, v52;
	v2 =	vmin.f32 v2, v3;
	v3 =	vld [tilespmem:$0x19700]  }
0xb4: {  	v7 =	vld [tilespmem:$0x19780];
	v1 =	vmax.f32 v1, v56;
	v2 =	vmin.f32 v2, v57  }
0xb5: {  	v1 =	vmax.f32 v1, v58;
	v2 =	vmin.f32 v2, v59  }
0xb6: {  	v1 =	vmax.f32 v1, v60;
	v2 =	vmin.f32 v2, v61  }
0xb7: {  	v1 =	vmax.f32 v1, v62;
	v2 =	vmin.f32 v2, v63  }
0xb8: {  	v1 =	vmax.f32 v1, v6;
	v2 =	vmin.f32 v2, v3  }
0xb9: {  	v1 =	vmax.f32 v1, v7;
	(xrf0) =	vmin.scan.msk.f32 $0xffff, v2  }
0xba: {  	(xrf0) =	vmax.scan.msk.f32 $0xffff, v1;
	_ =	sdelay $0x4  }
0xbb: {  	v1, _, _ =	vpop (xrf0)  }
0xbc: {  	v3 =	vld [tilespmem:$0x0];
	v2, _, _ =	vpop (xrf0)  }
0xbd: {  	[tilespmem:$0x8500] =	vst v32;
	v42 =	vld [tilespmem:$0x10];
	v2 =	vsub.f32 v2, v1  }
0xbe: {  	v43 =	vld [tilespmem:$0x20];
	[tilespmem:$0x8510] =	vst v16  }
0xbf: {  	[tilespmem:$0x8520] =	vst v17;
	v35 =	vbroadcast v2, $0xF;
	v2 =	vld [tilespmem:$0x30]  }
0xc0: {  	v44 =	vld [tilespmem:$0x40];
	[tilespmem:$0x8530] =	vst v18  }
0xc1: {  	[tilespmem:$0x8540] =	vst v19;
	v34 =	vbroadcast v1, $0xF;
	v1 =	vmul.f32 v35, v3;
	v3 =	vld [tilespmem:$0x50]  }
0xc2: {  	v45 =	vld [tilespmem:$0x60];
	[tilespmem:$0x8550] =	vst v20;
	v36 =	vmul.f32 v35, v42  }
0xc3: {  	[tilespmem:$0x8560] =	vst v21;
	v46 =	vld [tilespmem:$0x70];
	v37 =	vmul.f32 v35, v43;
	v1 =	vadd.f32 v1, v34  }
0xc4: {  	v47 =	vld [tilespmem:$0x80];
	[tilespmem:$0x8570] =	vst v22;
	v36 =	vadd.f32 v36, v34;
	v2 =	vmul.f32 v2, v35  }
0xc5: {  	v49 =	vld [tilespmem:$0x90];
	v48 =	vmul.f32 v44, v35;
	[tilespmem:$0x0] =	vst v1;
	v1 =	vadd.f32 v37, v34  }
0xc6: {  	v50 =	vld [tilespmem:$0xA0];
	[tilespmem:$0x10] =	vst v36;
	v2 =	vadd.f32 v2, v34;
	v3 =	vmul.f32 v3, v35  }
0xc7: {  	v52 =	vld [tilespmem:$0xB0];
	v51 =	vmul.f32 v45, v35;
	[tilespmem:$0x20] =	vst v1;
	v1 =	vadd.f32 v48, v34  }
0xc8: {  	v53 =	vld [tilespmem:$0xC0];
	[tilespmem:$0x30] =	vst v2;
	v2 =	vadd.f32 v3, v34;
	v3 =	vmul.f32 v46, v35  }
0xc9: {  	v55 =	vld [tilespmem:$0xD0];
	v54 =	vmul.f32 v47, v35;
	[tilespmem:$0x40] =	vst v1;
	v1 =	vadd.f32 v51, v34  }
0xca: {  	v56 =	vld [tilespmem:$0xE0];
	[tilespmem:$0x50] =	vst v2;
	v2 =	vadd.f32 v3, v34;
	v3 =	vmul.f32 v49, v35  }
0xcb: {  	v57 =	vld [tilespmem:$0xF0];
	v36 =	vmul.f32 v50, v35;
	[tilespmem:$0x60] =	vst v1;
	v1 =	vadd.f32 v54, v34  }
0xcc: {  	v58 =	vld [tilespmem:$0x100];
	[tilespmem:$0x70] =	vst v2;
	v2 =	vadd.f32 v3, v34;
	v3 =	vmul.f32 v52, v35  }
0xcd: {  	v60 =	vld [tilespmem:$0x110];
	v59 =	vmul.f32 v53, v35;
	[tilespmem:$0x80] =	vst v1;
	v1 =	vadd.f32 v36, v34  }
0xce: {  	v61 =	vld [tilespmem:$0x120];
	[tilespmem:$0x90] =	vst v2;
	v2 =	vadd.f32 v3, v34;
	v3 =	vmul.f32 v55, v35  }
0xcf: {  	v63 =	vld [tilespmem:$0x130];
	v62 =	vmul.f32 v56, v35;
	[tilespmem:$0xA0] =	vst v1;
	v1 =	vadd.f32 v59, v34  }
0xd0: {  	v6 =	vld [tilespmem:$0x140];
	[tilespmem:$0xB0] =	vst v2;
	v2 =	vadd.f32 v3, v34;
	v3 =	vmul.f32 v57, v35  }
0xd1: {  	v7 =	vmul.f32 v58, v35;
	v44 =	vld [tilespmem:$0x150];
	[tilespmem:$0xC0] =	vst v1;
	v1 =	vadd.f32 v62, v34  }
0xd2: {  	v45 =	vld [tilespmem:$0x160];
	[tilespmem:$0xD0] =	vst v2;
	v2 =	vadd.f32 v3, v34;
	v3 =	vmul.f32 v60, v35  }
0xd3: {  	v47 =	vld [tilespmem:$0x170];
	v46 =	vmul.f32 v61, v35;
	[tilespmem:$0xE0] =	vst v1;
	v1 =	vadd.f32 v7, v34  }
0xd4: {  	v48 =	vld [tilespmem:$0x180];
	[tilespmem:$0xF0] =	vst v2;
	v2 =	vadd.f32 v3, v34;
	v3 =	vmul.f32 v63, v35  }
0xd5: {  	v50 =	vld [tilespmem:$0x190];
	v49 =	vmul.f32 v6, v35;
	[tilespmem:$0x100] =	vst v1;
	v1 =	vadd.f32 v46, v34  }
0xd6: {  	v51 =	vld [tilespmem:$0x1A0];
	[tilespmem:$0x110] =	vst v2;
	v2 =	vadd.f32 v3, v34;
	v3 =	vmul.f32 v44, v35  }
0xd7: {  	v53 =	vld [tilespmem:$0x1B0];
	v52 =	vmul.f32 v45, v35;
	[tilespmem:$0x120] =	vst v1;
	v1 =	vadd.f32 v49, v34  }
0xd8: {  	v54 =	vld [tilespmem:$0x1C0];
	[tilespmem:$0x130] =	vst v2;
	v2 =	vadd.f32 v3, v34;
	v3 =	vmul.f32 v47, v35  }
0xd9: {  	v56 =	vld [tilespmem:$0x1D0];
	v55 =	vmul.f32 v48, v35;
	[tilespmem:$0x140] =	vst v1;
	v1 =	vadd.f32 v52, v34  }
0xda: {  	v57 =	vld [tilespmem:$0x1E0];
	[tilespmem:$0x150] =	vst v2;
	v2 =	vadd.f32 v3, v34;
	v3 =	vmul.f32 v50, v35  }
0xdb: {  	v58 =	vmul.f32 v51, v35;
	v59 =	vld [tilespmem:$0x1F0];
	[tilespmem:$0x160] =	vst v1;
	v1 =	vadd.f32 v55, v34  }
0xdc: {  	v60 =	vld [tilespmem:$0x200];
	[tilespmem:$0x170] =	vst v2;
	v2 =	vadd.f32 v3, v34;
	v3 =	vmul.f32 v53, v35  }
0xdd: {  	v61 =	vmul.f32 v54, v35;
	[tilespmem:$0x180] =	vst v1;
	v1 =	vadd.f32 v58, v34  }
0xde: {  	[tilespmem:$0x190] =	vst v2;
	v2 =	vadd.f32 v3, v34;
	v3 =	vmul.f32 v56, v35  }
0xdf: {  	v62 =	vmul.f32 v57, v35;
	[tilespmem:$0x1A0] =	vst v1;
	v1 =	vadd.f32 v61, v34  }
0xe0: {  	[tilespmem:$0x1B0] =	vst v2;
	v2 =	vadd.f32 v3, v34;
	v3 =	vmul.f32 v59, v35  }
0xe1: {  	v63 =	vmul.f32 v60, v35;
	[tilespmem:$0x1C0] =	vst v1;
	v1 =	vadd.f32 v62, v34  }
0xe2: {  	[tilespmem:$0x1D0] =	vst v2;
	v2 =	vadd.f32 v3, v34  }
0xe3: {  	[tilespmem:$0x1E0] =	vst v1;
	v1 =	vadd.f32 v63, v34  }
0xe4: {  	[tilespmem:$0x1F0] =	vst v2  }
0xe5: {  	(erf) = vrcp.f32 v35;
	[tilespmem:$0x200] =	vst v1  }
0xe6: {  	[tilespmem:s18], [sflag:$0x1] =	stream.indirect.gather [hbm4b:s1+s16], $0x80, s17, s16, $0xb8;
	[tilespmem:$0x19820] =	vst v63  }
0xe7: {  	[tilespmem:$0x8580] =	vst v23  }
0xe8: {  	[tilespmem:$0x8590] =	vst v24  }
0xe9: {  	[tilespmem:$0x85A0] =	vst v25  }
0xea: {  	[tilespmem:$0x85B0] =	vst v26  }
0xeb: {  	[tilespmem:$0x85C0] =	vst v27  }
0xec: {  	[tilespmem:$0x85D0] =	vst v28  }
0xed: {  	[tilespmem:$0x85E0] =	vst v29  }
0xee: {  	s31 =	simm.s32 $0x0;
	[tilespmem:$0x85F0] =	vst v30;
	v1 =	vpop (erf)  }
0xef: {  	[tilespmem:s20], [sflag:$0x1] =	stream.indirect.gather [hbm4b:s1+s16], $0x80, s19, s16, $0xb8;
	v35 =	vmul.f32 $3.276800000e+04, v1;
	[tilespmem:$0x19820] =	vst v63  }
.LBB2_8:
0xf0: {  	_ =	swait.ge [sflag:s21], $0x4000  }
0xf1: {  	p0 =	seq.s32 s31, $0x0;
	[sflag:s21] =	ssyncset.done $0x0  }
0xf2: {  	s0 =	simm.s32 @!p0 $0x2;
	[sflag:s21] =	ssyncadd.s32 $0xFFFFC000  }
0xf3: {  	_ =	swait.ge @!p0 [sflag:s0], $0x4000  }
0xf4: {  	[sflag:s0] =	ssyncset.done @!p0 $0x0  }
0xf5: {  	s7 =	simm.s32 $0x8720;
	[sflag:s0] =	ssyncadd.s32 @!p0 $0xFFFFC000  }
0xf6: {  	v1 =	vld [tilespmem:s7+$0x10]  }
0xf7: {  	v2 =	vld [tilespmem:s7+$0xFFFFFFE0]  }
0xf8: {  	v40 =	vld [tilespmem:s7+$0xFFFFFFF0]  }
0xf9: {  	v42 =	vld [tilespmem:s7+$0x0];
	_ =	sdelay $0x2  }
0xfa: {  	v3 =	vsub.f32 v1, v34  }
0xfb: {  	v36 =	vsub.f32 v2, v34;
	v37 =	vsub.f32 v40, v34  }
0xfc: {  	v38 =	vsub.f32 v42, v34;
	v3 =	vmul.f32 v3, v35  }
0xfd: {  	v36 =	vmul.f32 v36, v35;
	v37 =	vmul.f32 v37, v35  }
0xfe: {  	v38 =	vmul.f32 v38, v35;
	v3 =	vtrunc.f32 v3  }
0xff: {  	v37 =	vtrunc.f32 v37;
	v3 =	vcvt.f32.s32 v3  }
0x100: {  	s10 =	simm.s32 $0x8760;
	v37 =	vcvt.f32.s32 v37  }
0x101: {  	v39 =	vld [tilespmem:s10+$0x10];
	v36 =	vtrunc.f32 v36;
	v38 =	vtrunc.f32 v38;
	vm0 =	vlt.s32 v3, $0x800F  }
0x102: {  	v36 =	vcvt.f32.s32 v36;
	vm1 =	vlt.s32 v37, $0x800F;
	v3 =	vnsel vm0, $0x800F, v3  }
0x103: {  	v38 =	vcvt.f32.s32 v38;
	v37 =	vnsel vm1, $0x800F, v37  }
0x104: {  	v43 =	vld [tilespmem:s10+$0xFFFFFFE0];
	vm0 =	vlt.s32 v36, $0x800F  }
0x105: {  	v36 =	vnsel vm0, $0x800F, v36;
	vm0 =	vlt.s32 v38, $0x800F  }
0x106: {  	v45 =	vld [tilespmem:s10+$0xFFFFFFF0];
	v41 =	vsub.f32 v39, v34;
	v38 =	vnsel vm0, $0x800F, v38  }
0x107: {  	v3 =	vld.idx.msk [tilespmem:v3+s15+$0x0], $0xffff  }
0x108: {  	v57 =	vmul.f32 v41, v35;
	v41 =	vld.idx.msk [tilespmem:v37+s15+$0x0], $0xffff  }
0x109: {  	v46 =	vld [tilespmem:s10+$0x0];
	v59 =	vsub.f32 v43, v34  }
0x10a: {  	v44 =	vld.idx.msk [tilespmem:v36+s15+$0x0], $0xffff  }
0x10b: {  	v36 =	vtrunc.f32 v57;
	v47 =	vld.idx.msk [tilespmem:v38+s15+$0x0], $0xffff;
	v38 =	vmul.f32 v59, v35  }
0x10c: {  	s22 =	simm.s32 $0x87A0;
	v36 =	vcvt.f32.s32 v36  }
0x10d: {  	v50 =	vld [tilespmem:s22+$0x10];
	v48 =	vsub.f32 v45, v34;
	v38 =	vtrunc.f32 v38  }
0x10e: {  	vm0 =	vlt.s32 v36, $0x800F;
	v58 =	vadd.s32 $0x1, v3;
	v38 =	vcvt.f32.s32 v38  }
0x10f: {  	v49 =	vsub.f32 v46, v34;
	v36 =	vnsel vm0, $0x800F, v36;
	v51 =	vld.idx.msk [tilespmem:v3+s12+$0x0], $0xffff  }
0x110: {  	v48 =	vmul.f32 v48, v35;
	v52 =	vadd.s32 $0x1, v44;
	vm0 =	vlt.s32 v38, $0x800F;
	v54 =	vld.idx.msk [tilespmem:v41+s12+$0x0], $0xffff  }
0x111: {  	v57 =	vnsel vm0, $0x800F, v38;
	v38 =	vld [tilespmem:s22+$0xFFFFFFE0]  }
0x112: {  	v63 =	vsub.f32 v50, v34;
	v49 =	vmul.f32 v49, v35;
	v48 =	vtrunc.f32 v48;
	v53 =	vld.idx.msk [tilespmem:v44+s12+$0x0], $0xffff  }
0x113: {  	v48 =	vcvt.f32.s32 v48;
	v37 =	vld.idx.msk [tilespmem:v58+s12+$0x0], $0xffff  }
0x114: {  	v5 =	vmul.f32 v63, v35;
	v49 =	vtrunc.f32 v49;
	v56 =	vld.idx.msk [tilespmem:v36+s15+$0x0], $0xffff  }
0x115: {  	v49 =	vcvt.f32.s32 v49;
	vm1 =	vlt.s32 v48, $0x800F;
	v58 =	vadd.s32 $0x1, v47;
	v60 =	vld.idx.msk [tilespmem:v52+s12+$0x0], $0xffff  }
0x116: {  	v48 =	vnsel vm1, $0x800F, v48;
	v36 =	vld [tilespmem:s22+$0xFFFFFFF0]  }
0x117: {  	vm2 =	vlt.s32 v49, $0x800F;
	v55 =	vld.idx.msk [tilespmem:v47+s12+$0x0], $0xffff;
	vm0 =	vlt.f32 v51, v1;
	v51 =	vtrunc.f32 v5  }
0x118: {  	v57 =	vld.idx.msk [tilespmem:v57+s15+$0x0], $0xffff;
	v61 =	vsel vm0, $0x1, v33;
	vm0 =	vlt.f32 v37, v1;
	v1 =	vnsel vm2, $0x800F, v49  }
0x119: {  	v3 =	vadd.s32 v61, v3;
	v37 =	vld [tilespmem:s22+$0x0];
	v49 =	vadd.s32 $0x1, v41;
	v52 =	vadd.s32 $0x1, v56  }
0x11a: {  	v58 =	vld.idx.msk [tilespmem:v58+s12+$0x0], $0xffff;
	v62 =	vsel vm0, $0x1, v33;
	vm0 =	vlt.f32 v53, v2;
	vm1 =	vlt.f32 v60, v2  }
0x11b: {  	v2 =	vld.idx.msk [tilespmem:v48+s15+$0x0], $0xffff;
	v48 =	vsub.f32 v36, v34;
	v59 =	vsel vm0, $0x1, v33;
	vm0 =	vlt.f32 v54, v40  }
0x11c: {  	s23 =	simm.s32 $0x87E0;
	v4 =	vsel vm1, $0x1, v33;
	v44 =	vadd.s32 v59, v44;
	v53 =	vsel vm0, $0x1, v33;
	v6 =	vld.idx.msk [tilespmem:v56+s12+$0x0], $0xffff  }
0x11d: {  	v60 =	vsub.f32 v38, v34;
	v44 =	vadd.s32 v4, v44;
	v53 =	vadd.s32 v53, v41;
	v41 =	vld [tilespmem:s23+$0x10]  }
0x11e: {  	v51 =	vcvt.f32.s32 v51;
	v3 =	vadd.s32 v62, v3;
	vm0 =	vlt.f32 v55, v42;
	v1 =	vld.idx.msk [tilespmem:v1+s15+$0x0], $0xffff  }
0x11f: {  	v48 =	vmul.f32 v48, v35;
	v60 =	vmul.f32 v60, v35;
	v7 =	vsub.f32 v37, v34;
	v52 =	vld.idx.msk [tilespmem:v52+s12+$0x0], $0xffff  }
0x120: {  	v61 =	vadd.s32 $0x1, v57;
	v55 =	vsel vm0, $0x1, v33;
	vm0 =	vlt.s32 v51, $0x800F;
	v49 =	vld.idx.msk [tilespmem:v49+s12+$0x0], $0xffff  }
0x121: {  	v48 =	vtrunc.f32 v48;
	v55 =	vadd.s32 v55, v47;
	v54 =	vld.idx.msk [tilespmem:v57+s12+$0x0], $0xffff;
	v59 =	vmul.f32 v7, v35  }
0x122: {  	v48 =	vcvt.f32.s32 v48;
	v62 =	vld.idx.msk [tilespmem:v44+s14+$0x0], $0xffff;
	v44 =	vnsel vm0, $0x800F, v51;
	vm0 =	vlt.f32 v6, v39  }
0x123: {  	v3 =	vld.idx.msk [tilespmem:v3+s14+$0x0], $0xffff;
	v63 =	vtrunc.f32 v59;
	v6 =	vtrunc.f32 v60;
	v5 =	vsel vm0, $0x1, v33  }
0x124: {  	v7 =	vld.idx.msk [tilespmem:v2+s12+$0x0], $0xffff;
	vm0 =	vlt.f32 v52, v39;
	v51 =	vcvt.f32.s32 v63;
	v39 =	vcvt.f32.s32 v6  }
0x125: {  	v6 =	vld.idx.msk [tilespmem:v61+s12+$0x0], $0xffff;
	v61 =	vadd.s32 $0x1, v2;
	v56 =	vadd.s32 v5, v56;
	v4 =	vsel vm0, $0x1, v33  }
0x126: {  	v63 =	vadd.s32 $0x1, v1;
	vm0 =	vlt.s32 v48, $0x800F;
	v56 =	vadd.s32 v4, v56;
	v5 =	vld.idx.msk [tilespmem:v1+s12+$0x0], $0xffff  }
0x127: {  	vm1 =	vlt.s32 v51, $0x800F;
	vm2 =	vlt.s32 v39, $0x800F;
	v48 =	vnsel vm0, $0x800F, v48;
	v59 =	vld.idx.msk [tilespmem:v44+s15+$0x0], $0xffff  }
0x128: {  	v51 =	vnsel vm1, $0x800F, v51;
	vm1 =	vlt.f32 v49, v40;
	v40 =	vld [tilespmem:s23+$0x0];
	v44 =	vnsel vm2, $0x800F, v39  }
0x129: {  	vm0 =	vlt.f32 v54, v43;
	v4 =	vsub.f32 v41, v34;
	v39 =	vld [tilespmem:s23+$0xFFFFFFF0];
	vm2 =	vlt.f32 v58, v42  }
0x12a: {  	vm3 =	vlt.f32 v7, v45;
	v7 =	vsel vm0, $0x1, v33;
	v54 =	vsel vm1, $0x1, v33;
	v42 =	vld [tilespmem:s23+$0xFFFFFFE0]  }
0x12b: {  	v4 =	vmul.f32 v4, v35;
	v58 =	vsel vm2, $0x1, v33;
	v57 =	vadd.s32 v7, v57;
	v52 =	vld.idx.msk [tilespmem:v56+s14+$0x0], $0xffff  }
0x12c: {  	vm1 =	vlt.f32 v6, v43;
	v56 =	vsel vm3, $0x1, v33;
	v47 =	vld.idx.msk [tilespmem:v48+s15+$0x0], $0xffff;
	v60 =	vadd.s32 $0x1, v59  }
0x12d: {  	vm0 =	vlt.f32 v5, v46;
	v5 =	vsel vm1, $0x1, v33;
	v43 =	vadd.s32 v56, v2;
	v49 =	vld.idx.msk [tilespmem:v44+s15+$0x0], $0xffff  }
0x12e: {  	v48 =	vld.idx.msk [tilespmem:v51+s15+$0x0], $0xffff;
	v51 =	vsub.f32 v40, v34;
	v44 =	vsel vm0, $0x1, v33;
	v2 =	vadd.s32 v5, v57  }
0x12f: {  	v61 =	vld.idx.msk [tilespmem:v61+s12+$0x0], $0xffff;
	v4 =	vtrunc.f32 v4;
	v57 =	vsub.f32 v39, v34;
	v44 =	vadd.s32 v44, v1  }
0x130: {  	v1 =	vadd.s32 v54, v53;
	v54 =	vsub.f32 v42, v34;
	v51 =	vmul.f32 v51, v35;
	v53 =	vld.idx.msk [tilespmem:v59+s12+$0x0], $0xffff  }
0x131: {  	v6 =	vadd.s32 v58, v55;
	v4 =	vcvt.f32.s32 v4;
	v5 =	vmul.f32 v57, v35;
	v56 =	vld.idx.msk [tilespmem:v60+s12+$0x0], $0xffff  }
0x132: {  	v63 =	vld.idx.msk [tilespmem:v63+s12+$0x0], $0xffff;
	v54 =	vmul.f32 v54, v35;
	v51 =	vtrunc.f32 v51;
	v57 =	vadd.s32 $0x1, v49  }
0x133: {  	vm0 =	vlt.s32 v4, $0x800F;
	v5 =	vtrunc.f32 v5;
	v58 =	vcvt.f32.s32 v51;
	v2 =	vld.idx.msk [tilespmem:v2+s14+$0x0], $0xffff  }
0x134: {  	v4 =	vnsel vm0, $0x800F, v4;
	v5 =	vcvt.f32.s32 v5;
	v54 =	vtrunc.f32 v54;
	v60 =	vld.idx.msk [tilespmem:v47+s12+$0x0], $0xffff  }
0x135: {  	s4 =	simm.s32 $0x10720;
	v51 =	vcvt.f32.s32 v54;
	vm2 =	vlt.s32 v58, $0x800F;
	v7 =	vld.idx.msk [tilespmem:v49+s12+$0x0], $0xffff;
	vm1 =	vlt.f32 v53, v50  }
0x136: {  	[tilespmem:s4+$0x10] =	vst v3;
	v54 =	vadd.s32 $0x1, v47;
	v55 =	vld.idx.msk [tilespmem:v48+s12+$0x0], $0xffff;
	v3 =	vsel vm1, $0x1, v33;
	vm3 =	vlt.f32 v56, v50  }
0x137: {  	s3 =	simm.s32 $0x10760;
	vm1 =	vlt.s32 v51, $0x800F;
	v3 =	vadd.s32 v3, v59;
	v57 =	vld.idx.msk [tilespmem:v57+s12+$0x0], $0xffff;
	v50 =	vsel vm3, $0x1, v33  }
0x138: {  	[tilespmem:s3+$0x10] =	vst v52;
	vm0 =	vlt.s32 v5, $0x800F;
	v59 =	vnsel vm1, $0x800F, v51;
	v51 =	vld.idx.msk [tilespmem:v1+s14+$0x0], $0xffff;
	v52 =	vadd.s32 v50, v3  }
0x139: {  	[tilespmem:s4+$0xFFFFFFE0] =	vst v62;
	v58 =	vnsel vm2, $0x800F, v58;
	v53 =	vadd.s32 $0x1, v48;
	vm1 =	vlt.f32 v61, v45;
	v45 =	vld.idx.msk [tilespmem:v6+s14+$0x0], $0xffff  }
0x13a: {  	s5 =	simm.s32 $0xC;
	s6 =	simm.s32 $0x8820;
	s0 =	sshll.u32 s31, $0x8;
	v56 =	vnsel vm0, $0x800F, v5;
	[tilespmem:s3+$0xFFFFFFE0] =	vst v2;
	vm0 =	vlt.f32 v63, v46;
	v50 =	vld.idx.msk [tilespmem:v4+s15+$0x0], $0xffff;
	vm2 =	vlt.f32 v7, v38  }
.LBB2_9:
0x13b: {  	v1 =	vld [tilespmem:s6+$0x10];
	s5 =	sadd.s32 $0x4, s5;
	v2 =	vsel vm2, $0x1, v33;
	vm2 =	vlt.f32 v60, v36;
	v3 =	vsel vm1, $0x1, v33;
	v4 =	vmovc v36;
	v36 =	vmovc v39  }
0x13c: {  	vm1 =	vlt.f32 v55, v37;
	v6 =	vsel vm0, $0x1, v33;
	v7 =	vmovc v37;
	v37 =	vmovc v40;
	v39 =	vld [tilespmem:s6+$0xFFFFFFF0];
	p1 =	slt.u32 s5, $0x3FC;
	v5 =	vsel vm2, $0x1, v33  }
0x13d: {  	v2 =	vadd.s32 v2, v49;
	vm0 =	vlt.f32 v57, v38;
	v46 =	vsel vm1, $0x1, v33;
	v38 =	vmovc v42;
	v52 =	vld.idx.msk [tilespmem:v52+s14+$0x0], $0xffff  }
0x13e: {  	v49 =	vsel vm0, $0x1, v33;
	v5 =	vadd.s32 v5, v47;
	v46 =	vadd.s32 v46, v48;
	v40 =	vld [tilespmem:s6+$0x0];
	[tilespmem:s4+$0xFFFFFFF0] =	vst v51  }
0x13f: {  	v3 =	vadd.s32 v3, v43;
	v51 =	vadd.s32 $0x1, v50;
	v2 =	vadd.s32 v49, v2;
	v43 =	vmovc v5;
	v42 =	vld [tilespmem:s6+$0xFFFFFFE0]  }
0x140: {  	v6 =	vadd.s32 v6, v44;
	v44 =	vmov v46;
	v5 =	vsub.f32 v1, v34;
	v49 =	vld.idx.msk [tilespmem:v59+s15+$0x0], $0xffff;
	[tilespmem:s4+$0x0] =	vst v45;
	s4 =	smov.u32 s3  }
0x141: {  	v45 =	vsub.f32 v39, v34;
	v47 =	vld.idx.msk [tilespmem:v56+s15+$0x0], $0xffff  }
0x142: {  	s3 =	sadd.s32 $0x40, s3;
	v5 =	vmul.f32 v5, v35;
	v48 =	vld.idx.msk [tilespmem:v58+s15+$0x0], $0xffff  }
0x143: {  	v45 =	vmul.f32 v45, v35;
	v46 =	vsub.f32 v40, v34;
	v55 =	vld.idx.msk [tilespmem:v50+s12+$0x0], $0xffff;
	[tilespmem:s3+$0x10] =	vst v52  }
0x144: {  	v52 =	vsub.f32 v42, v34;
	v5 =	vtrunc.f32 v5;
	v51 =	vld.idx.msk [tilespmem:v51+s12+$0x0], $0xffff  }
0x145: {  	v46 =	vmul.f32 v46, v35;
	v5 =	vcvt.f32.s32 v5;
	v61 =	vld.idx.msk [tilespmem:v54+s12+$0x0], $0xffff  }
0x146: {  	v45 =	vtrunc.f32 v45;
	v54 =	vadd.s32 $0x1, v49;
	v52 =	vmul.f32 v52, v35;
	v62 =	vld.idx.msk [tilespmem:v53+s12+$0x0], $0xffff  }
0x147: {  	v45 =	vcvt.f32.s32 v45;
	v46 =	vtrunc.f32 v46;
	vm0 =	vlt.s32 v5, $0x800F;
	v2 =	vld.idx.msk [tilespmem:v2+s14+$0x0], $0xffff  }
0x148: {  	v52 =	vtrunc.f32 v52;
	v46 =	vcvt.f32.s32 v46;
	v5 =	vnsel vm0, $0x800F, v5;
	v63 =	vld.idx.msk [tilespmem:v49+s12+$0x0], $0xffff  }
0x149: {  	vm0 =	vlt.s32 v45, $0x800F;
	vm1 =	vlt.f32 v55, v41;
	v52 =	vcvt.f32.s32 v52;
	v60 =	vld.idx.msk [tilespmem:v47+s12+$0x0], $0xffff  }
.Ltmp3:
0x14a: {  	v53 =	vsel vm1, $0x1, v33;
	vm1 =	vlt.f32 v51, v41;
	v41 =	vmovc v1;
	vm2 =	vlt.s32 v46, $0x800F;
	v55 =	vld.idx.msk [tilespmem:v48+s12+$0x0], $0xffff;
	(pc) =	sbr.rel @p1 .LBB2_9-.Ltmp3, $4  }
0x14b: {  	v1 =	vadd.s32 v53, v50;
	v50 =	vsel vm1, $0x1, v33;
	vm3 =	vlt.s32 v52, $0x800F;
	v57 =	vld.idx.msk [tilespmem:v54+s12+$0x0], $0xffff  }
0x14c: {  	v56 =	vnsel vm0, $0x800F, v45;
	v59 =	vnsel vm3, $0x800F, v52;
	v52 =	vadd.s32 v50, v1;
	v51 =	vld.idx.msk [tilespmem:v3+s14+$0x0], $0xffff  }
0x14d: {  	v53 =	vadd.s32 $0x1, v48;
	v58 =	vnsel vm2, $0x800F, v46;
	v54 =	vadd.s32 $0x1, v47;
	v50 =	vld.idx.msk [tilespmem:v5+s15+$0x0], $0xffff;
	[tilespmem:s3+$0xFFFFFFE0] =	vst v2  }
0x14e: {  	s6 =	sadd.s32 $0x40, s6;
	vm1 =	vlt.f32 v61, v4;
	vm0 =	vlt.f32 v62, v7;
	vm2 =	vlt.f32 v63, v38;
	v45 =	vld.idx.msk [tilespmem:v6+s14+$0x0], $0xffff  }
0x14f: {  	_ =	sdelay $0x3  }
0x150: {  	v2 =	vld.idx.msk [tilespmem:v59+s15+$0x0], $0xffff  }
0x151: {  	v3 =	vld.idx.msk [tilespmem:v56+s15+$0x0], $0xffff  }
0x152: {  	v4 =	vld.idx.msk [tilespmem:v58+s15+$0x0], $0xffff;
	v1 =	vadd.s32 $0x1, v50;
	_ =	sdelay $0x1  }
0x153: {  	v7 =	vsel vm2, $0x1, v33;
	v54 =	vld.idx.msk [tilespmem:v54+s12+$0x0], $0xffff  }
0x154: {  	v7 =	vadd.s32 v7, v49;
	v49 =	vld.idx.msk [tilespmem:v53+s12+$0x0], $0xffff  }
0x155: {  	v5 =	vld.idx.msk [tilespmem:v50+s12+$0x0], $0xffff  }
0x156: {  	vm3 =	vlt.f32 v60, v36;
	v46 =	vsel vm1, $0x1, v33;
	v6 =	vadd.s32 $0x1, v2;
	v1 =	vld.idx.msk [tilespmem:v1+s12+$0x0], $0xffff  }
0x157: {  	vm6 =	vlt.f32 v55, v37;
	vm7 =	vlt.f32 v57, v38;
	v57 =	vadd.s32 $0x1, v3;
	v53 =	vld.idx.msk [tilespmem:v2+s12+$0x0], $0xffff  }
0x158: {  	v55 =	vsel vm0, $0x1, v33;
	v61 =	vsel vm3, $0x1, v33;
	v62 =	vsel vm6, $0x1, v33;
	v56 =	vld.idx.msk [tilespmem:v3+s12+$0x0], $0xffff  }
0x159: {  	v63 =	vsel vm7, $0x1, v33;
	v38 =	vadd.s32 v62, v48;
	v60 =	vadd.s32 $0x1, v4;
	v62 =	vld.idx.msk [tilespmem:v4+s12+$0x0], $0xffff  }
0x15a: {  	v47 =	vadd.s32 v61, v47;
	v7 =	vadd.s32 v63, v7;
	vm8 =	vlt.f32 v5, v41  }
0x15b: {  	vm11 =	vlt.f32 v54, v36;
	vm12 =	vlt.f32 v49, v37;
	v63 =	vsel vm8, $0x1, v33;
	v61 =	vld.idx.msk [tilespmem:v6+s12+$0x0], $0xffff  }
0x15c: {  	v6 =	vadd.s32 v46, v43;
	v48 =	vadd.s32 v63, v50;
	v54 =	vld.idx.msk [tilespmem:v57+s12+$0x0], $0xffff;
	v57 =	vsel vm11, $0x1, v33  }
0x15d: {  	vm9 =	vlt.f32 v1, v41;
	v1 =	vadd.s32 v55, v44;
	vm10 =	vlt.f32 v53, v42  }
0x15e: {  	vm13 =	vlt.f32 v56, v39;
	v56 =	vld.idx.msk [tilespmem:v60+s12+$0x0], $0xffff;
	vm15 =	vlt.f32 v62, v40;
	v60 =	vsel vm12, $0x1, v33  }
0x15f: {  	v62 =	vadd.s32 v57, v47;
	v50 =	vsel vm9, $0x1, v33;
	v55 =	vsel vm10, $0x1, v33  }
0x160: {  	v58 =	vsel vm13, $0x1, v33;
	v43 =	vsel vm15, $0x1, v33;
	v63 =	vadd.s32 v60, v38  }
0x161: {  	v59 =	vld.idx.msk [tilespmem:v52+s14+$0x0], $0xffff;
	v41 =	vadd.s32 v50, v48;
	vm14 =	vlt.f32 v61, v42;
	v2 =	vadd.s32 v55, v2  }
0x162: {  	v61 =	vld.idx.msk [tilespmem:v7+s14+$0x0], $0xffff;
	v3 =	vadd.s32 v58, v3;
	vm4 =	vlt.f32 v54, v39;
	v5 =	vsel vm14, $0x1, v33  }
0x163: {  	v6 =	vld.idx.msk [tilespmem:v6+s14+$0x0], $0xffff;
	v42 =	vsel vm4, $0x1, v33;
	v2 =	vadd.s32 v5, v2;
	vm5 =	vlt.f32 v56, v40  }
0x164: {  	[tilespmem:s4+$0xFFFFFFF0] =	vst v51;
	v4 =	vadd.s32 v43, v4;
	v3 =	vadd.s32 v42, v3;
	v1 =	vld.idx.msk [tilespmem:v1+s14+$0x0], $0xffff;
	v44 =	vsel vm5, $0x1, v33  }
0x165: {  	s10 =	sadd.s32 $0x40, s3;
	[tilespmem:s4+$0x0] =	vst v45;
	v46 =	vld.idx.msk [tilespmem:v62+s14+$0x0], $0xffff;
	v4 =	vadd.s32 v44, v4  }
0x166: {  	[tilespmem:s10+$0x10] =	vst v59;
	v47 =	vld.idx.msk [tilespmem:v63+s14+$0x0], $0xffff  }
0x167: {  	v45 =	vld.idx.msk [tilespmem:v41+s14+$0x0], $0xffff;
	[tilespmem:s10+$0xFFFFFFE0] =	vst v61  }
0x168: {  	[tilespmem:s3+$0xFFFFFFF0] =	vst v6;
	v2 =	vld.idx.msk [tilespmem:v2+s14+$0x0], $0xffff  }
0x169: {  	[tilespmem:s3+$0x0] =	vst v1;
	v1 =	vld.idx.msk [tilespmem:v3+s14+$0x0], $0xffff  }
0x16a: {  	[tilespmem:s10+$0xFFFFFFF0] =	vst v46;
	v3 =	vld.idx.msk [tilespmem:v4+s14+$0x0], $0xffff  }
0x16b: {  	s22 =	sadd.s32 $0x40, s10;
	[tilespmem:s10+$0x0] =	vst v47  }
0x16c: {  	[tilespmem:s22+$0x10] =	vst v45  }
0x16d: {  	[tilespmem:s22+$0xFFFFFFE0] =	vst v2  }
0x16e: {  	s4 =	sor.u32 s9, s0;
	[tilespmem:s22+$0xFFFFFFF0] =	vst v1  }
0x16f: {  	s23 =	sor.u32 $0x10, s4;
	v1 =	vor.u32 s4, v0;
	[tilespmem:s22+$0x0] =	vst v3  }
0x170: {  	s5 =	sor.u32 $0x20, s4;
	[tilespmem:$0x8600] =	vst v1;
	v1 =	vor.u32 s23, v0  }
0x171: {  	s6 =	sor.u32 $0x30, s4;
	[tilespmem:$0x8610] =	vst v1;
	v1 =	vor.u32 s5, v0  }
0x172: {  	s7 =	sor.u32 $0x40, s4;
	[tilespmem:$0x8620] =	vst v1;
	v1 =	vor.u32 s6, v0  }
0x173: {  	s10 =	sor.u32 $0x50, s4;
	[tilespmem:$0x8630] =	vst v1;
	v1 =	vor.u32 s7, v0  }
0x174: {  	s22 =	sor.u32 $0x60, s4;
	s5 =	sadd.s32 $0x100, s0;
	[tilespmem:$0x8640] =	vst v1;
	v1 =	vor.u32 s10, v0  }
0x175: {  	s23 =	sor.u32 $0x70, s4;
	s3 =	sand.u32 $0xF00, s5;
	[tilespmem:$0x8650] =	vst v1;
	v1 =	vor.u32 s22, v0  }
0x176: {  	s3 =	sor.u32 s9, s3;
	[tilespmem:$0x8660] =	vst v1;
	v1 =	vor.u32 s23, v0  }
0x177: {  	s5 =	sor.u32 $0x10, s3;
	[tilespmem:$0x8670] =	vst v1  }
0x178: {  	v1 =	vor.u32 s3, v0;
	[hbm4b:s2+s16] =	stream.indirect.scatter [tilespmem:s25], [sflag:$0x2], $0x80, s24, s16, $0xb8;
	[tilespmem:$0x19820] =	vst v63  }
0x179: {  	s6 =	sor.u32 $0x20, s3;
	[tilespmem:$0x8500] =	vst v1;
	v1 =	vor.u32 s5, v0  }
0x17a: {  	s7 =	sor.u32 $0x30, s3;
	[tilespmem:$0x8510] =	vst v1;
	v1 =	vor.u32 s6, v0  }
0x17b: {  	s10 =	sor.u32 $0x40, s3;
	[tilespmem:$0x8520] =	vst v1;
	v1 =	vor.u32 s7, v0  }
0x17c: {  	s22 =	sor.u32 $0x50, s3;
	[tilespmem:$0x8530] =	vst v1;
	v1 =	vor.u32 s10, v0  }
0x17d: {  	s23 =	sor.u32 $0x60, s3;
	[tilespmem:$0x8540] =	vst v1;
	v1 =	vor.u32 s22, v0  }
0x17e: {  	s3 =	sor.u32 $0x70, s3;
	[tilespmem:$0x8550] =	vst v1;
	v1 =	vor.u32 s23, v0  }
0x17f: {  	[tilespmem:$0x8560] =	vst v1;
	v1 =	vor.u32 s3, v0  }
0x180: {  	[tilespmem:$0x8570] =	vst v1  }
0x181: {  	[tilespmem:s18], [sflag:$0x1] =	stream.indirect.gather [hbm4b:s1+s16], $0x80, s17, s16, $0xb8;
	[tilespmem:$0x19820] =	vst v63  }
0x182: {  	_ =	swait.ge [sflag:s21], $0x4000  }
0x183: {  	[sflag:s21] =	ssyncset.done $0x0  }
0x184: {  	s3 =	simm.s32 @!p0 $0x2;
	[sflag:s21] =	ssyncadd.s32 $0xFFFFC000  }
0x185: {  	_ =	swait.ge @!p0 [sflag:s3], $0x4000  }
0x186: {  	[sflag:s3] =	ssyncset.done @!p0 $0x0  }
0x187: {  	[sflag:s3] =	ssyncadd.s32 @!p0 $0xFFFFC000;
	s3 =	simm.s32 $0x0  }
0x188: {  	v1 =	vld [tilespmem:s3+$0xC730]  }
0x189: {  	v2 =	vld [tilespmem:s3+$0xC700]  }
0x18a: {  	v41 =	vld [tilespmem:s3+$0xC710]  }
0x18b: {  	s22 =	simm.s32 $0x40;
	v43 =	vld [tilespmem:s3+$0xC720]  }
0x18c: {  	v7 =	vld [tilespmem:s22+$0xC730];
	_ =	sdelay $0x2  }
0x18d: {  	v37 =	vld [tilespmem:s22+$0xC720];
	v3 =	vsub.f32 v1, v34;
	v48 =	vsub.f32 v2, v34  }
0x18e: {  	v49 =	vsub.f32 v41, v34;
	v50 =	vsub.f32 v43, v34  }
0x18f: {  	v51 =	vsub.f32 v7, v34;
	v3 =	vmul.f32 v3, v35;
	v4 =	vmul.f32 v48, v35  }
0x190: {  	v5 =	vmul.f32 v49, v35;
	v6 =	vmul.f32 v50, v35  }
0x191: {  	v38 =	vmul.f32 v51, v35;
	v3 =	vtrunc.f32 v3  }
0x192: {  	v45 =	vld [tilespmem:s22+$0xC700];
	v56 =	vsub.f32 v37, v34;
	v4 =	vtrunc.f32 v4;
	v3 =	vcvt.f32.s32 v3  }
0x193: {  	v5 =	vtrunc.f32 v5;
	v4 =	vcvt.f32.s32 v4  }
0x194: {  	v46 =	vmul.f32 v56, v35;
	v5 =	vcvt.f32.s32 v5;
	vm6 =	vlt.s32 v3, $0x800F  }
0x195: {  	v6 =	vtrunc.f32 v6;
	vm7 =	vlt.s32 v4, $0x800F;
	v3 =	vnsel vm6, $0x800F, v3  }
0x196: {  	v6 =	vcvt.f32.s32 v6;
	vm8 =	vlt.s32 v5, $0x800F;
	v4 =	vnsel vm7, $0x800F, v4  }
0x197: {  	v53 =	vsub.f32 v45, v34;
	v38 =	vtrunc.f32 v38;
	v5 =	vnsel vm8, $0x800F, v5  }
0x198: {  	v46 =	vtrunc.f32 v46;
	v38 =	vcvt.f32.s32 v38;
	vm9 =	vlt.s32 v6, $0x800F  }
0x199: {  	v36 =	vld [tilespmem:s22+$0xC710];
	v40 =	vmul.f32 v53, v35;
	v46 =	vcvt.f32.s32 v46;
	v6 =	vnsel vm9, $0x800F, v6  }
0x19a: {  	vm10 =	vlt.s32 v38, $0x800F;
	v3 =	vld.idx.msk [tilespmem:v3+s15+$0x0], $0xffff  }
0x19b: {  	v40 =	vtrunc.f32 v40;
	vm15 =	vlt.s32 v46, $0x800F;
	v38 =	vnsel vm10, $0x800F, v38;
	v4 =	vld.idx.msk [tilespmem:v4+s15+$0x0], $0xffff  }
0x19c: {  	s23 =	simm.s32 $0x80;
	v40 =	vcvt.f32.s32 v40;
	v46 =	vnsel vm15, $0x800F, v46;
	v5 =	vld.idx.msk [tilespmem:v5+s15+$0x0], $0xffff  }
0x19d: {  	v51 =	vld [tilespmem:s23+$0xC730]  }
0x19e: {  	vm11 =	vlt.s32 v40, $0x800F;
	v6 =	vld.idx.msk [tilespmem:v6+s15+$0x0], $0xffff  }
0x19f: {  	v54 =	vsub.f32 v36, v34;
	v61 =	vnsel vm11, $0x800F, v40;
	v40 =	vld [tilespmem:s23+$0xC700]  }
0x1a0: {  	v44 =	vld.idx.msk [tilespmem:v38+s15+$0x0], $0xffff;
	v52 =	vadd.s32 $0x1, v3  }
0x1a1: {  	v42 =	vmul.f32 v54, v35;
	v46 =	vld.idx.msk [tilespmem:v46+s15+$0x0], $0xffff  }
0x1a2: {  	v55 =	vld.idx.msk [tilespmem:v3+s12+$0x0], $0xffff  }
0x1a3: {  	v42 =	vtrunc.f32 v42;
	v58 =	vld.idx.msk [tilespmem:v4+s12+$0x0], $0xffff  }
0x1a4: {  	v42 =	vcvt.f32.s32 v42;
	v47 =	vadd.s32 $0x1, v5;
	v59 =	vld.idx.msk [tilespmem:v5+s12+$0x0], $0xffff  }
0x1a5: {  	v57 =	vadd.s32 $0x1, v4;
	v39 =	vld.idx.msk [tilespmem:v52+s12+$0x0], $0xffff  }
0x1a6: {  	vm13 =	vlt.s32 v42, $0x800F;
	v50 =	vld.idx.msk [tilespmem:v6+s12+$0x0], $0xffff  }
0x1a7: {  	v42 =	vnsel vm13, $0x800F, v42;
	v52 =	vld.idx.msk [tilespmem:v61+s15+$0x0], $0xffff  }
0x1a8: {  	v63 =	vadd.s32 $0x1, v44;
	v53 =	vadd.s32 $0x1, v6;
	v61 =	vld.idx.msk [tilespmem:v44+s12+$0x0], $0xffff;
	vm12 =	vlt.f32 v55, v1  }
0x1a9: {  	v47 =	vld.idx.msk [tilespmem:v47+s12+$0x0], $0xffff;
	vm4 =	vlt.f32 v58, v2;
	v58 =	vsub.f32 v51, v34;
	vm5 =	vlt.f32 v59, v41  }
0x1aa: {  	v59 =	vsub.f32 v40, v34;
	v60 =	vsel vm12, $0x1, v33;
	vm14 =	vlt.f32 v39, v1;
	v1 =	vld.idx.msk [tilespmem:v57+s12+$0x0], $0xffff  }
0x1ab: {  	v38 =	vld [tilespmem:s23+$0xC710];
	vm7 =	vlt.f32 v50, v43;
	v3 =	vadd.s32 v60, v3;
	v60 =	vmul.f32 v58, v35  }
0x1ac: {  	v54 =	vsel vm5, $0x1, v33;
	v56 =	vsel vm7, $0x1, v33;
	v39 =	vld [tilespmem:s23+$0xC720];
	v57 =	vsel vm4, $0x1, v33  }
0x1ad: {  	vm9 =	vlt.f32 v61, v7;
	v5 =	vadd.s32 v54, v5;
	v49 =	vtrunc.f32 v60  }
0x1ae: {  	v53 =	vld.idx.msk [tilespmem:v53+s12+$0x0], $0xffff;
	v4 =	vadd.s32 v57, v4;
	v57 =	vadd.s32 $0x1, v52;
	v49 =	vcvt.f32.s32 v49  }
0x1af: {  	vm15 =	vlt.f32 v47, v41;
	v62 =	vsel vm14, $0x1, v33;
	vm6 =	vlt.f32 v1, v2;
	v1 =	vld.idx.msk [tilespmem:v42+s15+$0x0], $0xffff  }
0x1b0: {  	s5 =	simm.s32 $0xC0;
	v48 =	vld.idx.msk [tilespmem:v63+s12+$0x0], $0xffff;
	v3 =	vadd.s32 v62, v3;
	v62 =	vsub.f32 v38, v34;
	vm8 =	vlt.s32 v49, $0x800F  }
0x1b1: {  	v41 =	vld [tilespmem:s5+$0xC720];
	v60 =	vsel vm9, $0x1, v33;
	v63 =	vsub.f32 v39, v34;
	v49 =	vnsel vm8, $0x800F, v49  }
0x1b2: {  	v44 =	vadd.s32 v60, v44;
	v60 =	vld.idx.msk [tilespmem:v46+s12+$0x0], $0xffff;
	v55 =	vmul.f32 v62, v35;
	v42 =	vmul.f32 v59, v35  }
0x1b3: {  	v2 =	vsel vm6, $0x1, v33;
	v54 =	vld.idx.msk [tilespmem:v57+s12+$0x0], $0xffff;
	vm6 =	vlt.f32 v53, v43;
	v50 =	vmul.f32 v63, v35  }
0x1b4: {  	v43 =	vld [tilespmem:s5+$0xC710];
	v2 =	vadd.s32 v2, v4;
	v42 =	vtrunc.f32 v42;
	v4 =	vtrunc.f32 v55  }
0x1b5: {  	vm10 =	vlt.f32 v48, v7;
	v55 =	vld.idx.msk [tilespmem:v52+s12+$0x0], $0xffff;
	v42 =	vcvt.f32.s32 v42;
	v61 =	vtrunc.f32 v50  }
0x1b6: {  	v6 =	vadd.s32 v56, v6;
	v63 =	vsel vm10, $0x1, v33;
	v7 =	vcvt.f32.s32 v61;
	v57 =	vld.idx.msk [tilespmem:v49+s15+$0x0], $0xffff  }
0x1b7: {  	v4 =	vcvt.f32.s32 v4;
	v50 =	vadd.s32 v63, v44;
	vm11 =	vlt.s32 v42, $0x800F;
	v62 =	vld.idx.msk [tilespmem:v1+s12+$0x0], $0xffff  }
0x1b8: {  	v59 =	vadd.s32 $0x1, v46;
	v49 =	vnsel vm11, $0x800F, v42;
	v42 =	vld [tilespmem:s5+$0xC730];
	vm13 =	vlt.s32 v7, $0x800F  }
0x1b9: {  	v3 =	vld.idx.msk [tilespmem:v3+s14+$0x0], $0xffff;
	v58 =	vsel vm6, $0x1, v33;
	vm12 =	vlt.s32 v4, $0x800F;
	v7 =	vnsel vm13, $0x800F, v7  }
0x1ba: {  	vm8 =	vlt.f32 v60, v37;
	v44 =	vld [tilespmem:s5+$0xC700];
	v4 =	vnsel vm12, $0x800F, v4;
	vm14 =	vlt.f32 v55, v45  }
0x1bb: {  	v63 =	vsel vm8, $0x1, v33;
	v56 =	vadd.s32 $0x1, v1;
	v2 =	vld.idx.msk [tilespmem:v2+s14+$0x0], $0xffff;
	v47 =	vsel vm14, $0x1, v33  }
0x1bc: {  	vm9 =	vlt.f32 v54, v45;
	v53 =	vld.idx.msk [tilespmem:v50+s14+$0x0], $0xffff;
	v61 =	vadd.s32 v47, v52;
	vm7 =	vlt.f32 v62, v36  }
0x1bd: {  	v60 =	vadd.s32 $0x1, v57;
	v47 =	vld.idx.msk [tilespmem:v49+s15+$0x0], $0xffff;
	v62 =	vsub.f32 v42, v34;
	v48 =	vsel vm7, $0x1, v33  }
0x1be: {  	v54 =	vsel vm9, $0x1, v33;
	v50 =	vld.idx.msk [tilespmem:v7+s15+$0x0], $0xffff;
	v7 =	vsub.f32 v43, v34;
	v45 =	vadd.s32 v48, v1  }
0x1bf: {  	v48 =	vld.idx.msk [tilespmem:v4+s15+$0x0], $0xffff;
	v1 =	vadd.s32 v54, v61;
	v61 =	vsub.f32 v44, v34;
	v52 =	vmul.f32 v62, v35  }
0x1c0: {  	v55 =	vsel vm15, $0x1, v33;
	v49 =	vadd.s32 v58, v6;
	v54 =	vld.idx.msk [tilespmem:v57+s12+$0x0], $0xffff;
	v6 =	vmul.f32 v7, v35  }
0x1c1: {  	v5 =	vadd.s32 v55, v5;
	v55 =	vld.idx.msk [tilespmem:v56+s12+$0x0], $0xffff;
	v4 =	vmul.f32 v61, v35;
	v52 =	vtrunc.f32 v52  }
0x1c2: {  	v60 =	vld.idx.msk [tilespmem:v60+s12+$0x0], $0xffff;
	v61 =	vsub.f32 v41, v34;
	v6 =	vtrunc.f32 v6;
	v62 =	vcvt.f32.s32 v52  }
0x1c3: {  	v46 =	vadd.s32 v63, v46;
	v56 =	vld.idx.msk [tilespmem:v59+s12+$0x0], $0xffff;
	v58 =	vadd.s32 $0x1, v47;
	v6 =	vcvt.f32.s32 v6  }
0x1c4: {  	v4 =	vtrunc.f32 v4;
	v63 =	vmul.f32 v61, v35;
	vm10 =	vlt.s32 v62, $0x800F;
	v8 =	vld.idx.msk [tilespmem:v1+s14+$0x0], $0xffff  }
0x1c5: {  	v4 =	vcvt.f32.s32 v4;
	v1 =	vld.idx.msk [tilespmem:v47+s12+$0x0], $0xffff;
	vm12 =	vlt.f32 v54, v51;
	v7 =	vnsel vm10, $0x800F, v62  }
0x1c6: {  	vm13 =	vlt.s32 v6, $0x800F;
	v54 =	vadd.s32 $0x1, v50;
	v52 =	vtrunc.f32 v63;
	v59 =	vld.idx.msk [tilespmem:v50+s12+$0x0], $0xffff  }
0x1c7: {  	[tilespmem:s3+$0x14730] =	vst v3;
	vm14 =	vlt.f32 v60, v51;
	v3 =	vsel vm12, $0x1, v33;
	v9 =	vcvt.f32.s32 v52;
	v62 =	vld.idx.msk [tilespmem:v48+s12+$0x0], $0xffff  }
0x1c8: {  	[tilespmem:s3+$0x14700] =	vst v2;
	v61 =	vld.idx.msk [tilespmem:v58+s12+$0x0], $0xffff;
	v58 =	vnsel vm13, $0x800F, v6;
	v2 =	vadd.s32 v3, v57;
	v3 =	vsel vm14, $0x1, v33  }
0x1c9: {  	[tilespmem:s22+$0x14730] =	vst v53;
	vm11 =	vlt.s32 v4, $0x800F;
	v52 =	vld.idx.msk [tilespmem:v5+s14+$0x0], $0xffff;
	v53 =	vadd.s32 v3, v2;
	vm15 =	vlt.s32 v9, $0x800F  }
0x1ca: {  	s6 =	simm.s32 $0xC;
	s7 =	simm.s32 $0x400;
	v57 =	vadd.s32 $0x1, v48;
	v63 =	vnsel vm11, $0x800F, v4;
	v60 =	vnsel vm15, $0x800F, v9;
	[tilespmem:s22+$0x14700] =	vst v8;
	v51 =	vld.idx.msk [tilespmem:v7+s15+$0x0], $0xffff  }
.LBB2_11:
0x1cb: {  	s10 =	sshra.s32 s7, $0x2;
	s6 =	sadd.s32 $0x4, s6;
	vm0 =	vlt.f32 v1, v40;
	vm1 =	vlt.f32 v55, v36;
	vm2 =	vlt.f32 v56, v37;
	v1 =	vld.idx.msk [tilespmem:v49+s14+$0x0], $0xffff  }
0x1cc: {  	v36 =	vmovc v38;
	v2 =	vld [tilespmem:s10+$0xC730];
	p0 =	slt.u32 s6, $0x3FC;
	v3 =	vsel vm0, $0x1, v33;
	vm0 =	vlt.f32 v62, v38;
	v4 =	vsel vm1, $0x1, v33;
	v38 =	vmovc v43  }
0x1cd: {  	v37 =	vmovc v39;
	v7 =	vsel vm2, $0x1, v33;
	v5 =	vld [tilespmem:s10+$0xC700];
	v6 =	vsel vm0, $0x1, v33;
	vm0 =	vlt.f32 v59, v39;
	v39 =	vmovc v41  }
0x1ce: {  	v3 =	vadd.s32 v3, v47;
	vm1 =	vlt.f32 v61, v40;
	v40 =	vmovc v44;
	v8 =	vsel vm0, $0x1, v33;
	v9 =	vld.idx.msk [tilespmem:v53+s14+$0x0], $0xffff  }
0x1cf: {  	v44 =	vsel vm1, $0x1, v33;
	v6 =	vadd.s32 v6, v48;
	v43 =	vld [tilespmem:s10+$0xC710];
	v8 =	vadd.s32 v8, v50;
	[tilespmem:s3+$0x14710] =	vst v52  }
0x1d0: {  	v4 =	vadd.s32 v4, v45;
	v52 =	vadd.s32 $0x1, v51;
	v3 =	vadd.s32 v44, v3;
	v45 =	vmovc v6;
	v41 =	vld [tilespmem:s10+$0xC720]  }
0x1d1: {  	v49 =	vadd.s32 v7, v46;
	v46 =	vmov v8;
	v6 =	vsub.f32 v2, v34;
	v47 =	vld.idx.msk [tilespmem:v63+s15+$0x0], $0xffff;
	[tilespmem:s3+$0x14720] =	vst v1;
	s3 =	smov.u32 s22;
	s22 =	smov.u32 s23;
	s23 =	smov.u32 s5  }
0x1d2: {  	s5 =	smov.u32 s10;
	v1 =	vsub.f32 v5, v34;
	v48 =	vld.idx.msk [tilespmem:v58+s15+$0x0], $0xffff;
	v44 =	vmov v5  }
0x1d3: {  	v5 =	vmul.f32 v6, v35;
	v50 =	vld.idx.msk [tilespmem:v60+s15+$0x0], $0xffff  }
0x1d4: {  	v1 =	vmul.f32 v1, v35;
	v6 =	vsub.f32 v43, v34;
	v7 =	vld.idx.msk [tilespmem:v51+s12+$0x0], $0xffff;
	[tilespmem:s22+$0x14730] =	vst v9  }
0x1d5: {  	v8 =	vsub.f32 v41, v34;
	v5 =	vtrunc.f32 v5;
	v9 =	vld.idx.msk [tilespmem:v52+s12+$0x0], $0xffff  }
0x1d6: {  	v6 =	vmul.f32 v6, v35;
	v5 =	vcvt.f32.s32 v5;
	v55 =	vld.idx.msk [tilespmem:v57+s12+$0x0], $0xffff  }
0x1d7: {  	v1 =	vtrunc.f32 v1;
	v52 =	vadd.s32 $0x1, v47;
	v8 =	vmul.f32 v8, v35;
	v56 =	vld.idx.msk [tilespmem:v54+s12+$0x0], $0xffff  }
0x1d8: {  	v53 =	vcvt.f32.s32 v1;
	v1 =	vtrunc.f32 v6;
	vm0 =	vlt.s32 v5, $0x800F;
	v3 =	vld.idx.msk [tilespmem:v3+s14+$0x0], $0xffff  }
0x1d9: {  	v6 =	vcvt.f32.s32 v1;
	v8 =	vtrunc.f32 v8;
	v5 =	vnsel vm0, $0x800F, v5;
	v1 =	vld.idx.msk [tilespmem:v47+s12+$0x0], $0xffff  }
.Ltmp4:
0x1da: {  	vm0 =	vlt.s32 v53, $0x800F;
	vm1 =	vlt.f32 v7, v42;
	v8 =	vcvt.f32.s32 v8;
	v62 =	vld.idx.msk [tilespmem:v48+s12+$0x0], $0xffff;
	(pc) =	sbr.rel @p0 .LBB2_11-.Ltmp4, $4  }
0x1db: {  	v7 =	vsel vm1, $0x1, v33;
	vm1 =	vlt.f32 v9, v42;
	v42 =	vmovc v2;
	vm2 =	vlt.s32 v6, $0x800F;
	v59 =	vld.idx.msk [tilespmem:v50+s12+$0x0], $0xffff  }
0x1dc: {  	v2 =	vadd.s32 v7, v51;
	v7 =	vsel vm1, $0x1, v33;
	vm3 =	vlt.s32 v8, $0x800F;
	v61 =	vld.idx.msk [tilespmem:v52+s12+$0x0], $0xffff  }
0x1dd: {  	v63 =	vnsel vm0, $0x800F, v53;
	v58 =	vnsel vm2, $0x800F, v6;
	v53 =	vadd.s32 v7, v2;
	v52 =	vld.idx.msk [tilespmem:v4+s14+$0x0], $0xffff  }
0x1de: {  	s7 =	sadd.s32 $0x100, s7;
	v57 =	vadd.s32 $0x1, v48;
	v54 =	vadd.s32 $0x1, v50;
	v60 =	vnsel vm3, $0x800F, v8;
	v51 =	vld.idx.msk [tilespmem:v5+s15+$0x0], $0xffff;
	[tilespmem:s22+$0x14700] =	vst v3  }
0x1df: {  	_ =	sdelay $0x3  }
0x1e0: {  	v3 =	vld.idx.msk [tilespmem:v63+s15+$0x0], $0xffff  }
0x1e1: {  	v4 =	vld.idx.msk [tilespmem:v58+s15+$0x0], $0xffff  }
0x1e2: {  	v5 =	vld.idx.msk [tilespmem:v60+s15+$0x0], $0xffff;
	_ =	sdelay $0x2  }
0x1e3: {  	v9 =	vld.idx.msk [tilespmem:v57+s12+$0x0], $0xffff  }
0x1e4: {  	vm0 =	vlt.f32 v1, v40;
	vm2 =	vlt.f32 v56, v37;
	v37 =	vld.idx.msk [tilespmem:v54+s12+$0x0], $0xffff;
	v2 =	vadd.s32 $0x1, v51  }
0x1e5: {  	vm15 =	vlt.f32 v62, v38;
	v6 =	vsel vm0, $0x1, v33;
	vm5 =	vlt.f32 v61, v40;
	v1 =	vld.idx.msk [tilespmem:v51+s12+$0x0], $0xffff  }
0x1e6: {  	v6 =	vadd.s32 v6, v47;
	v40 =	vsel vm5, $0x1, v33;
	v7 =	vadd.s32 $0x1, v3;
	v47 =	vld.idx.msk [tilespmem:v3+s12+$0x0], $0xffff  }
0x1e7: {  	vm1 =	vlt.f32 v55, v36;
	v8 =	vsel vm15, $0x1, v33;
	v6 =	vadd.s32 v40, v6;
	v40 =	vld.idx.msk [tilespmem:v4+s12+$0x0], $0xffff  }
0x1e8: {  	vm4 =	vlt.f32 v59, v39;
	v8 =	vadd.s32 v8, v48;
	v48 =	vadd.s32 $0x1, v4;
	v60 =	vld.idx.msk [tilespmem:v5+s12+$0x0], $0xffff  }
0x1e9: {  	v58 =	vsel vm1, $0x1, v33;
	v56 =	vsel vm4, $0x1, v33;
	v57 =	vadd.s32 $0x1, v5;
	v2 =	vld.idx.msk [tilespmem:v2+s12+$0x0], $0xffff  }
0x1ea: {  	v59 =	vsel vm2, $0x1, v33;
	v36 =	vadd.s32 v56, v50;
	vm9 =	vlt.f32 v9, v38  }
0x1eb: {  	vm10 =	vlt.f32 v37, v39;
	v55 =	vsel vm9, $0x1, v33;
	vm6 =	vlt.f32 v1, v42;
	v1 =	vld.idx.msk [tilespmem:v7+s12+$0x0], $0xffff  }
0x1ec: {  	v8 =	vadd.s32 v55, v8;
	v7 =	vadd.s32 v58, v45;
	v61 =	vsel vm6, $0x1, v33  }
0x1ed: {  	v9 =	vld.idx.msk [tilespmem:v48+s12+$0x0], $0xffff;
	v58 =	vsel vm10, $0x1, v33;
	v62 =	vadd.s32 v61, v51;
	vm8 =	vlt.f32 v47, v44  }
0x1ee: {  	v54 =	vld.idx.msk [tilespmem:v57+s12+$0x0], $0xffff;
	vm11 =	vlt.f32 v40, v43;
	vm13 =	vlt.f32 v60, v41;
	vm7 =	vlt.f32 v2, v42  }
0x1ef: {  	v2 =	vadd.s32 v59, v46;
	v51 =	vsel vm8, $0x1, v33;
	v63 =	vsel vm7, $0x1, v33  }
0x1f0: {  	v40 =	vsel vm11, $0x1, v33;
	vm12 =	vlt.f32 v1, v44;
	v1 =	vld.idx.msk [tilespmem:v49+s14+$0x0], $0xffff;
	v42 =	vadd.s32 v63, v62  }
0x1f1: {  	v6 =	vld.idx.msk [tilespmem:v6+s14+$0x0], $0xffff;
	v59 =	vsel vm13, $0x1, v33;
	v3 =	vadd.s32 v51, v3;
	v4 =	vadd.s32 v40, v4  }
0x1f2: {  	v57 =	vld.idx.msk [tilespmem:v53+s14+$0x0], $0xffff;
	vm14 =	vlt.f32 v9, v43;
	v9 =	vadd.s32 v58, v36;
	v56 =	vsel vm12, $0x1, v33  }
0x1f3: {  	v7 =	vld.idx.msk [tilespmem:v7+s14+$0x0], $0xffff;
	vm15 =	vlt.f32 v54, v41;
	v60 =	vsel vm14, $0x1, v33;
	v3 =	vadd.s32 v56, v3  }
0x1f4: {  	[tilespmem:s3+$0x14710] =	vst v52;
	v5 =	vadd.s32 v59, v5;
	v61 =	vsel vm15, $0x1, v33;
	v4 =	vadd.s32 v60, v4;
	v2 =	vld.idx.msk [tilespmem:v2+s14+$0x0], $0xffff  }
0x1f5: {  	v5 =	vadd.s32 v61, v5;
	[tilespmem:s3+$0x14720] =	vst v1;
	v1 =	vld.idx.msk [tilespmem:v42+s14+$0x0], $0xffff  }
0x1f6: {  	[tilespmem:s23+$0x14700] =	vst v6;
	v62 =	vld.idx.msk [tilespmem:v8+s14+$0x0], $0xffff  }
0x1f7: {  	[tilespmem:s23+$0x14730] =	vst v57;
	v63 =	vld.idx.msk [tilespmem:v9+s14+$0x0], $0xffff  }
0x1f8: {  	[tilespmem:s22+$0x14710] =	vst v7;
	v3 =	vld.idx.msk [tilespmem:v3+s14+$0x0], $0xffff  }
0x1f9: {  	[tilespmem:s22+$0x14720] =	vst v2;
	v2 =	vld.idx.msk [tilespmem:v4+s14+$0x0], $0xffff  }
0x1fa: {  	[tilespmem:s5+$0x14730] =	vst v1;
	v1 =	vld.idx.msk [tilespmem:v5+s14+$0x0], $0xffff  }
0x1fb: {  	[tilespmem:s23+$0x14710] =	vst v62  }
0x1fc: {  	[tilespmem:s23+$0x14720] =	vst v63  }
0x1fd: {  	[tilespmem:s5+$0x14700] =	vst v3  }
0x1fe: {  	s23 =	sor.u32 $0x80, s4;
	[tilespmem:s5+$0x14710] =	vst v2  }
0x1ff: {  	[tilespmem:s5+$0x14720] =	vst v1;
	v1 =	vor.u32 s23, v0;
	s5 =	sor.u32 $0x90, s4  }
0x200: {  	s6 =	sor.u32 $0xA0, s4;
	[tilespmem:$0x8680] =	vst v1;
	v1 =	vor.u32 s5, v0  }
0x201: {  	s7 =	sor.u32 $0xB0, s4;
	[tilespmem:$0x8690] =	vst v1;
	v1 =	vor.u32 s6, v0  }
0x202: {  	s10 =	sor.u32 $0xC0, s4;
	[tilespmem:$0x86A0] =	vst v1;
	v1 =	vor.u32 s7, v0  }
0x203: {  	s22 =	sor.u32 $0xD0, s4;
	[tilespmem:$0x86B0] =	vst v1;
	v1 =	vor.u32 s10, v0  }
0x204: {  	s0 =	sadd.s32 $0x180, s0;
	s23 =	sor.u32 $0xE0, s4;
	[tilespmem:$0x86C0] =	vst v1;
	v1 =	vor.u32 s22, v0  }
0x205: {  	s0 =	sand.u32 $0xF80, s0;
	s4 =	sor.u32 $0xF0, s4;
	[tilespmem:$0x86D0] =	vst v1;
	v1 =	vor.u32 s23, v0  }
0x206: {  	s0 =	sor.u32 s9, s0;
	[tilespmem:$0x86E0] =	vst v1;
	v1 =	vor.u32 s4, v0  }
0x207: {  	s5 =	sor.u32 $0x10, s0;
	[tilespmem:$0x86F0] =	vst v1  }
0x208: {  	v1 =	vor.u32 s0, v0;
	[hbm4b:s2+s16] =	stream.indirect.scatter [tilespmem:s28], [sflag:$0x2], $0x80, s26, s16, $0xb8;
	[tilespmem:$0x19820] =	vst v63  }
0x209: {  	s6 =	sor.u32 $0x20, s0;
	[tilespmem:$0x8580] =	vst v1;
	v1 =	vor.u32 s5, v0  }
0x20a: {  	s7 =	sor.u32 $0x30, s0;
	[tilespmem:$0x8590] =	vst v1;
	v1 =	vor.u32 s6, v0  }
0x20b: {  	s31 =	sadd.s32 $0x1, s31;
	s10 =	sor.u32 $0x40, s0;
	[tilespmem:$0x85A0] =	vst v1;
	v1 =	vor.u32 s7, v0  }
0x20c: {  	p0 =	sne.s32 s31, $0x10;
	s22 =	sor.u32 $0x50, s0;
	[tilespmem:$0x85B0] =	vst v1;
	v1 =	vor.u32 s10, v0  }
.Ltmp5:
0x20d: {  	s23 =	sor.u32 $0x60, s0;
	[tilespmem:$0x85C0] =	vst v1;
	v1 =	vor.u32 s22, v0;
	(pc) =	sbr.rel @p0 .LBB2_8-.Ltmp5, $4  }
0x20e: {  	s0 =	sor.u32 $0x70, s0;
	[tilespmem:$0x85D0] =	vst v1;
	v1 =	vor.u32 s23, v0  }
0x20f: {  	[tilespmem:$0x85E0] =	vst v1;
	v1 =	vor.u32 s0, v0  }
0x210: {  	[tilespmem:$0x85F0] =	vst v1  }
0x211: {  	[tilespmem:s20], [sflag:$0x1] =	stream.indirect.gather [hbm4b:s1+s16], $0x80, s19, s16, $0xb8;
	[tilespmem:$0x19820] =	vst v63  }
0x212: {  	_ =	swait.ge [sflag:s21], $0x4000  }
0x213: {  	[sflag:s21] =	ssyncset.done $0x0  }
0x214: {  	[sflag:s21] =	ssyncadd.s32 $0xFFFFC000  }
0x215: {  	_ =	swait.ge [sflag:s29], $0x4000  }
0x216: {  	[sflag:s29] =	ssyncset.done $0x0  }
0x217: {  	s30 =	sadd.s32 $0x1, s30;
	[sflag:s29] =	ssyncadd.s32 $0xFFFFC000  }
0x218: {  	p0 =	sne.s32 s30, s11;
	_ =	swait.ge [sflag:s21], $0x4000  }
.Ltmp6:
0x219: {  	[sflag:s21] =	ssyncset.done $0x0;
	(pc) =	sbr.rel @p0 .LBB2_1-.Ltmp6, $4  }
0x21a: {  	[sflag:s21] =	ssyncadd.s32 $0xFFFFC000  }
0x21b: {  	_ =	swait.ge [sflag:s29], $0x4000  }
0x21c: {  	[sflag:s29] =	ssyncset.done $0x0  }
0x21d: {  	[sflag:s29] =	ssyncadd.s32 $0xFFFFC000  }
0x21e: {  	_ =	sfence.sel $0x180000  }
0x21f: {  	[bflag:$0x0] =	sbarrier.arrive $0xFFFF  }
0x220: {  	_ =	strace $0x90000047  }
0x221: {  	s0 =	stileid.u32;
	[bflag:$0x2] =	sbarrier.arrive $0xFFFF  }
0x222: {  	p0 =	sne.s32 s0, $0x0;
	s0 =	rddreg [dreg:$0x4]  }
0x223: {  	s0 =	sadd.s32 @!p0 $0x100000, s0  }
0x224: {  	[sflag:s0] =	ssyncadd.tile.s32 @!p0 $0x1;
	_ =	shalt  }
.Lfunc_end2:
_tile_overlayer_lowered:
.L_overlay_start_2:
0x225: {  	(tag) =	ssettag $0x2  }
0x226: {  	s0 =	rddreg [dreg:$0x0];
	s2 =	stileid.u32  }
0x227: {  	s1 =	rddreg [dreg:$0x1];
	p0 =	sne.s32 s2, $0x0  }
0x228: {  	s3 =	rddreg [dreg:$0x2];
	[bflag:$0x3] =	sbarrier.arrive $0xFFFF;
	s2 =	simm.s32 @!p0 $0x1C03  }
0x229: {  	[timem:s3], [sflag:s2] =	dma.local @!p0 [hbm:s0], s1  }
0x22a: {  	s0 =	simm.s32 @!p0 $0x3  }
0x22b: {  	_ =	swait.ge @!p0 [sflag:s0], s1  }
0x22c: {  	s1 =	ssub.s32 @!p0 $0x0, s1;
	[sflag:s0] =	ssyncset.done @!p0 $0x0  }
0x22d: {  	[sflag:s0] =	ssyncadd.s32 @!p0 s1  }
0x22e: {  	[bflag:$0x3] =	sbarrier.arrive $0xFFFF  }
0x22f: {  	_ =	shalt  }

</sc_bundles>
